<compile_context>
chip_gen: v7x
topology: tpu7x:2x2x1
jax: 0.10.2.dev20260603
libtpu: 0.0.44.dev20260713+nightly
codegen_flags: <defaults>
</compile_context>

<pallas_src>
import functools

import jax
import jax.numpy as jnp
from jax import lax
from jax.experimental import pallas as pl
from jax.experimental.pallas import tpu as pltpu
from jax.experimental.pallas import tpu_sc as plsc

_VOCAB = 100000
_DIM = 768
_B = 4 * 2048
_NC = 2
_NS = 16
_NW = _NC * _NS
_BPW = _B // _NW
_CHUNK = 32
_NCHUNK = _BPW // _CHUNK
_NBUF = 5
_AHEAD = 3


@jax.jit
def _sc_gather3(W0, W1, W2, idx_flat):
    mesh = plsc.VectorSubcoreMesh(
        core_axis_name="c", subcore_axis_name="s", num_cores=_NC,
        num_subcores=_NS)
    out_type = [jax.ShapeDtypeStruct((_B, _DIM), jnp.float32)] * 6

    @functools.partial(
        pl.kernel,
        mesh=mesh,
        out_type=out_type,
        scratch_types=(
            [pltpu.VMEM((_BPW,), jnp.int32)]
            + [pltpu.VMEM((_CHUNK, _DIM), jnp.float32)] * _NBUF
            + [pltpu.SemaphoreType.DMA] * (3 * _NBUF)
        ),
    )
    def body(w0, w1, w2, idx_hbm, o0, o1, o2, o3, o4, o5, idx_v, *rest):
        bufs = rest[:_NBUF]
        gsems = rest[_NBUF:2 * _NBUF]
        wsems_a = rest[2 * _NBUF:3 * _NBUF]
        wsems_b = rest[3 * _NBUF:]
        wid = lax.axis_index("s") * _NC + lax.axis_index("c")
        base = wid * _BPW
        pltpu.sync_copy(idx_hbm.at[pl.ds(base, _BPW)], idx_v)

        tables = (w0, w1, w2)
        outs_a = (o0, o1, o2)
        outs_b = (o5, o4, o3)
        tasks = [(t, c) for t in range(3) for c in range(_NCHUNK)]
        n = len(tasks)

        def start_gather(i):
            t, c = tasks[i]
            b = i % _NBUF
            return pltpu.async_copy(
                tables[t].at[idx_v.at[pl.ds(c * _CHUNK, _CHUNK)]],
                bufs[b], gsems[b])

        pend_g = [None] * _NBUF
        pend_w = [None] * _NBUF
        for j in range(min(_AHEAD, n)):
            pend_g[j % _NBUF] = start_gather(j)
        for i, (t, c) in enumerate(tasks):
            b = i % _NBUF
            sl = pl.ds(base + c * _CHUNK, _CHUNK)
            pend_g[b].wait()
            wa = pltpu.async_copy(bufs[b], outs_a[t].at[sl], wsems_a[b])
            wb = pltpu.async_copy(bufs[b], outs_b[t].at[sl], wsems_b[b])
            pend_w[b] = (wa, wb)
            k = i + _AHEAD
            if k < n:
                bk = k % _NBUF
                if pend_w[bk] is not None:
                    pend_w[bk][0].wait()
                    pend_w[bk][1].wait()
                pend_g[bk] = start_gather(k)
        for b in range(_NBUF):
            if pend_w[b] is not None:
                pend_w[b][0].wait()
                pend_w[b][1].wait()

    return body(W0, W1, W2, idx_flat)


def kernel(W0, W1, W2, inputs):
    idx_flat = inputs.reshape(-1).astype(jnp.int32)
    outs = _sc_gather3(W0, W1, W2, idx_flat)
    shape = inputs.shape + (_DIM,)
    return tuple(o.reshape(shape) for o in outs)

# --- scband reference (transcript-rebuilt; emitter-appended) ---
"""Pipeline reference for scband-value-embedding-15144054686527 (READ-ONLY COPY).

The authoritative reference and input builder live on the scoring server;
editing this copy changes nothing except your own understanding.
"""

import jax, jax.numpy as jnp
import numpy as np

VOCAB = 100000
DIM = 768
NUM_LAYERS = 6
N_TABLES = NUM_LAYERS // 2  # 3 embedding tables


def setup_inputs(seed: int = 0) -> dict:
    key = jax.random.key(seed)
    k_idx, k0, k1, k2 = jax.random.split(key, 4)
    inputs = jax.random.randint(k_idx, (4, 2048), 0, VOCAB, dtype=jnp.int64 if jax.config.jax_enable_x64 else jnp.int32)
    W0 = jax.random.normal(k0, (VOCAB, DIM), dtype=jnp.float32)
    W1 = jax.random.normal(k1, (VOCAB, DIM), dtype=jnp.float32)
    W2 = jax.random.normal(k2, (VOCAB, DIM), dtype=jnp.float32)
    return {"W0": W0, "W1": W1, "W2": W2, "inputs": inputs}


def reference(W0, W1, W2, inputs):
    # ValueEmbedding.forward: ve = [emb(inputs) for emb in self.embed]; ve += reversed(ve)
    ve = [jnp.take(W0, inputs, axis=0),
          jnp.take(W1, inputs, axis=0),
          jnp.take(W2, inputs, axis=0)]
    ve = ve + ve[::-1]
    return tuple(ve)

if __name__ == "__main__":
    import jax
    _d = setup_inputs()
    print(jax.jit(kernel)(*tuple(_d.values())))

</pallas_src>

<mosaic_0001>
#map = affine_map<(d0, d1) -> (0, 0)>
#map1 = affine_map<(d0, d1) -> (0)>
module attributes {stable_mosaic.version = 14 : i64} {
  func.func @body(%arg0: i32, %arg1: i32, %arg2: memref<100000x768xf32, #tpu.memory_space<hbm>>, %arg3: memref<100000x768xf32, #tpu.memory_space<hbm>>, %arg4: memref<100000x768xf32, #tpu.memory_space<hbm>>, %arg5: memref<8192xi32, #tpu.memory_space<hbm>>, %arg6: memref<8192x768xf32, #tpu.memory_space<hbm>>, %arg7: memref<8192x768xf32, #tpu.memory_space<hbm>>, %arg8: memref<8192x768xf32, #tpu.memory_space<hbm>>, %arg9: memref<8192x768xf32, #tpu.memory_space<hbm>>, %arg10: memref<8192x768xf32, #tpu.memory_space<hbm>>, %arg11: memref<8192x768xf32, #tpu.memory_space<hbm>>, %arg12: memref<256xi32, #tpu.memory_space<vmem>>, %arg13: memref<32x768xf32, #tpu.memory_space<vmem>>, %arg14: memref<32x768xf32, #tpu.memory_space<vmem>>, %arg15: memref<32x768xf32, #tpu.memory_space<vmem>>, %arg16: memref<32x768xf32, #tpu.memory_space<vmem>>, %arg17: memref<32x768xf32, #tpu.memory_space<vmem>>, %arg18: memref<!tpu.dma_semaphore, #tpu.memory_space<semaphore_mem>>, %arg19: memref<!tpu.dma_semaphore, #tpu.memory_space<semaphore_mem>>, %arg20: memref<!tpu.dma_semaphore, #tpu.memory_space<semaphore_mem>>, %arg21: memref<!tpu.dma_semaphore, #tpu.memory_space<semaphore_mem>>, %arg22: memref<!tpu.dma_semaphore, #tpu.memory_space<semaphore_mem>>, %arg23: memref<!tpu.dma_semaphore, #tpu.memory_space<semaphore_mem>>, %arg24: memref<!tpu.dma_semaphore, #tpu.memory_space<semaphore_mem>>, %arg25: memref<!tpu.dma_semaphore, #tpu.memory_space<semaphore_mem>>, %arg26: memref<!tpu.dma_semaphore, #tpu.memory_space<semaphore_mem>>, %arg27: memref<!tpu.dma_semaphore, #tpu.memory_space<semaphore_mem>>, %arg28: memref<!tpu.dma_semaphore, #tpu.memory_space<semaphore_mem>>, %arg29: memref<!tpu.dma_semaphore, #tpu.memory_space<semaphore_mem>>, %arg30: memref<!tpu.dma_semaphore, #tpu.memory_space<semaphore_mem>>, %arg31: memref<!tpu.dma_semaphore, #tpu.memory_space<semaphore_mem>>, %arg32: memref<!tpu.dma_semaphore, #tpu.memory_space<semaphore_mem>>) attributes {dimension_semantics = [#tpu.dimension_semantics<core_parallel>, #tpu.dimension_semantics<subcore_parallel>], iteration_bounds = array<i64: 2, 16>, scalar_prefetch = 0 : i64, scratch_operands = 21 : i64, tpu.core_type = #tpu.core_type<sc_vector_subcore>, window_params = [{transform_indices = #map}, {transform_indices = #map}, {transform_indices = #map}, {transform_indices = #map1}, {transform_indices = #map}, {transform_indices = #map}, {transform_indices = #map}, {transform_indices = #map}, {transform_indices = #map}, {transform_indices = #map}]} {
    %mul3A = arith.constant 2 : i32
    %mul3A_0 = arith.muli %arg1, %mul3A : i32
    %add3A = arith.addi %mul3A_0, %arg0 : i32
    %mul3A_1 = arith.constant 256 : i32
    %mul3A_2 = arith.muli %add3A, %mul3A_1 : i32
    "tpu.region"() ({
      %run_scoped3A = tpu.sem_alloc : memref<!tpu.dma_semaphore, #tpu.memory_space<semaphore_mem>>
      %dma_start3A_673 = tpu.memref_slice %arg5[%mul3A_2] : memref<8192xi32, #tpu.memory_space<hbm>> -> memref<256xi32, #tpu.memory_space<hbm>>
      %dma_start3A_674 = tpu.memref_slice %arg5[%mul3A_2] : memref<8192xi32, #tpu.memory_space<hbm>> -> memref<256xi32, #tpu.memory_space<hbm>>
      tpu.enqueue_dma source(%dma_start3A_674 : memref<256xi32, #tpu.memory_space<hbm>>) target(%arg12 : memref<256xi32, #tpu.memory_space<vmem>>) target_semaphore(%run_scoped3A : memref<!tpu.dma_semaphore, #tpu.memory_space<semaphore_mem>>)
      %dma_wait3A_675 = tpu.memref_slice %arg5[%mul3A_2] : memref<8192xi32, #tpu.memory_space<hbm>> -> memref<256xi32, #tpu.memory_space<hbm>>
      %dma_wait3A_676 = tpu.memref_slice %arg5[%mul3A_2] : memref<8192xi32, #tpu.memory_space<hbm>> -> memref<256xi32, #tpu.memory_space<hbm>>
      tpu.wait_dma2 semaphore(%run_scoped3A : memref<!tpu.dma_semaphore, #tpu.memory_space<semaphore_mem>>) src(%dma_wait3A_676 : memref<256xi32, #tpu.memory_space<hbm>>) dst(%arg12 : memref<256xi32, #tpu.memory_space<vmem>>)
      tpu.yield
    }) : () -> ()
    %dma_start3A = arith.constant 0 : i32
    %dma_start3A_3 = tpu.memref_slice %arg12[%dma_start3A] : memref<256xi32, #tpu.memory_space<vmem>> -> memref<32xi32, #tpu.memory_space<vmem>>
    %dma_start3A_4 = arith.constant 0 : i32
    %dma_start3A_5 = arith.constant 0 : i32
    %dma_start3A_6 = tpu.memref_slice %arg2[%dma_start3A_4, %dma_start3A_5] : memref<100000x768xf32, #tpu.memory_space<hbm>> -> memref<100000x768xf32, #tpu.memory_space<hbm>>
    tpu.enqueue_indirect_dma source(%dma_start3A_6 : memref<100000x768xf32, #tpu.memory_space<hbm>>) target(%arg13 : memref<32x768xf32, #tpu.memory_space<vmem>>) offsets(%dma_start3A_3 : memref<32xi32, #tpu.memory_space<vmem>>) semaphore(%arg18 : memref<!tpu.dma_semaphore, #tpu.memory_space<semaphore_mem>>)
    %dma_start3A_7 = arith.constant 32 : i32
    %dma_start3A_8 = tpu.memref_slice %arg12[%dma_start3A_7] : memref<256xi32, #tpu.memory_space<vmem>> -> memref<32xi32, #tpu.memory_space<vmem>>
    %dma_start3A_9 = arith.constant 0 : i32
    %dma_start3A_10 = arith.constant 0 : i32
    %dma_start3A_11 = tpu.memref_slice %arg2[%dma_start3A_9, %dma_start3A_10] : memref<100000x768xf32, #tpu.memory_space<hbm>> -> memref<100000x768xf32, #tpu.memory_space<hbm>>
    tpu.enqueue_indirect_dma source(%dma_start3A_11 : memref<100000x768xf32, #tpu.memory_space<hbm>>) target(%arg14 : memref<32x768xf32, #tpu.memory_space<vmem>>) offsets(%dma_start3A_8 : memref<32xi32, #tpu.memory_space<vmem>>) semaphore(%arg19 : memref<!tpu.dma_semaphore, #tpu.memory_space<semaphore_mem>>)
    %dma_start3A_12 = arith.constant 64 : i32
    %dma_start3A_13 = tpu.memref_slice %arg12[%dma_start3A_12] : memref<256xi32, #tpu.memory_space<vmem>> -> memref<32xi32, #tpu.memory_space<vmem>>
    %dma_start3A_14 = arith.constant 0 : i32
    %dma_start3A_15 = arith.constant 0 : i32
    %dma_start3A_16 = tpu.memref_slice %arg2[%dma_start3A_14, %dma_start3A_15] : memref<100000x768xf32, #tpu.memory_space<hbm>> -> memref<100000x768xf32, #tpu.memory_space<hbm>>
    tpu.enqueue_indirect_dma source(%dma_start3A_16 : memref<100000x768xf32, #tpu.memory_space<hbm>>) target(%arg15 : memref<32x768xf32, #tpu.memory_space<vmem>>) offsets(%dma_start3A_13 : memref<32xi32, #tpu.memory_space<vmem>>) semaphore(%arg20 : memref<!tpu.dma_semaphore, #tpu.memory_space<semaphore_mem>>)
    %add3A_17 = arith.constant 0 : i32
    %add3A_18 = arith.addi %mul3A_2, %add3A_17 : i32
    %dma_wait3A = arith.constant 0 : i32
    %dma_wait3A_19 = tpu.memref_slice %arg12[%dma_wait3A] : memref<256xi32, #tpu.memory_space<vmem>> -> memref<32xi32, #tpu.memory_space<vmem>>
    %dma_wait3A_20 = arith.constant 0 : i32
    %dma_wait3A_21 = arith.constant 0 : i32
    %dma_wait3A_22 = tpu.memref_slice %arg2[%dma_wait3A_20, %dma_wait3A_21] : memref<100000x768xf32, #tpu.memory_space<hbm>> -> memref<100000x768xf32, #tpu.memory_space<hbm>>
    tpu.wait_indirect_dma semaphore(%arg18 : memref<!tpu.dma_semaphore, #tpu.memory_space<semaphore_mem>>) src(%dma_wait3A_22 : memref<100000x768xf32, #tpu.memory_space<hbm>>) dst(%arg13 : memref<32x768xf32, #tpu.memory_space<vmem>>)
    %dma_start3A_23 = arith.constant 0 : i32
    %dma_start3A_24 = tpu.memref_slice %arg6[%add3A_18, %dma_start3A_23] : memref<8192x768xf32, #tpu.memory_space<hbm>> -> memref<32x768xf32, #tpu.memory_space<hbm>>
    %dma_start3A_25 = arith.constant 0 : i32
    %dma_start3A_26 = tpu.memref_slice %arg6[%add3A_18, %dma_start3A_25] : memref<8192x768xf32, #tpu.memory_space<hbm>> -> memref<32x768xf32, #tpu.memory_space<hbm>>
    tpu.enqueue_dma source(%arg13 : memref<32x768xf32, #tpu.memory_space<vmem>>) target(%dma_start3A_26 : memref<32x768xf32, #tpu.memory_space<hbm>>) target_semaphore(%arg23 : memref<!tpu.dma_semaphore, #tpu.memory_space<semaphore_mem>>)
    %dma_start3A_27 = arith.constant 0 : i32
    %dma_start3A_28 = tpu.memref_slice %arg11[%add3A_18, %dma_start3A_27] : memref<8192x768xf32, #tpu.memory_space<hbm>> -> memref<32x768xf32, #tpu.memory_space<hbm>>
    %dma_start3A_29 = arith.constant 0 : i32
    %dma_start3A_30 = tpu.memref_slice %arg11[%add3A_18, %dma_start3A_29] : memref<8192x768xf32, #tpu.memory_space<hbm>> -> memref<32x768xf32, #tpu.memory_space<hbm>>
    tpu.enqueue_dma source(%arg13 : memref<32x768xf32, #tpu.memory_space<vmem>>) target(%dma_start3A_30 : memref<32x768xf32, #tpu.memory_space<hbm>>) target_semaphore(%arg28 : memref<!tpu.dma_semaphore, #tpu.memory_space<semaphore_mem>>)
    %dma_start3A_31 = arith.constant 96 : i32
    %dma_start3A_32 = tpu.memref_slice %arg12[%dma_start3A_31] : memref<256xi32, #tpu.memory_space<vmem>> -> memref<32xi32, #tpu.memory_space<vmem>>
    %dma_start3A_33 = arith.constant 0 : i32
    %dma_start3A_34 = arith.constant 0 : i32
    %dma_start3A_35 = tpu.memref_slice %arg2[%dma_start3A_33, %dma_start3A_34] : memref<100000x768xf32, #tpu.memory_space<hbm>> -> memref<100000x768xf32, #tpu.memory_space<hbm>>
    tpu.enqueue_indirect_dma source(%dma_start3A_35 : memref<100000x768xf32, #tpu.memory_space<hbm>>) target(%arg16 : memref<32x768xf32, #tpu.memory_space<vmem>>) offsets(%dma_start3A_32 : memref<32xi32, #tpu.memory_space<vmem>>) semaphore(%arg21 : memref<!tpu.dma_semaphore, #tpu.memory_space<semaphore_mem>>)
    %add3A_36 = arith.constant 32 : i32
    %add3A_37 = arith.addi %mul3A_2, %add3A_36 : i32
    %dma_wait3A_38 = arith.constant 32 : i32
    %dma_wait3A_39 = tpu.memref_slice %arg12[%dma_wait3A_38] : memref<256xi32, #tpu.memory_space<vmem>> -> memref<32xi32, #tpu.memory_space<vmem>>
    %dma_wait3A_40 = arith.constant 0 : i32
    %dma_wait3A_41 = arith.constant 0 : i32
    %dma_wait3A_42 = tpu.memref_slice %arg2[%dma_wait3A_40, %dma_wait3A_41] : memref<100000x768xf32, #tpu.memory_space<hbm>> -> memref<100000x768xf32, #tpu.memory_space<hbm>>
    tpu.wait_indirect_dma semaphore(%arg19 : memref<!tpu.dma_semaphore, #tpu.memory_space<semaphore_mem>>) src(%dma_wait3A_42 : memref<100000x768xf32, #tpu.memory_space<hbm>>) dst(%arg14 : memref<32x768xf32, #tpu.memory_space<vmem>>)
    %dma_start3A_43 = arith.constant 0 : i32
    %dma_start3A_44 = tpu.memref_slice %arg6[%add3A_37, %dma_start3A_43] : memref<8192x768xf32, #tpu.memory_space<hbm>> -> memref<32x768xf32, #tpu.memory_space<hbm>>
    %dma_start3A_45 = arith.constant 0 : i32
    %dma_start3A_46 = tpu.memref_slice %arg6[%add3A_37, %dma_start3A_45] : memref<8192x768xf32, #tpu.memory_space<hbm>> -> memref<32x768xf32, #tpu.memory_space<hbm>>
    tpu.enqueue_dma source(%arg14 : memref<32x768xf32, #tpu.memory_space<vmem>>) target(%dma_start3A_46 : memref<32x768xf32, #tpu.memory_space<hbm>>) target_semaphore(%arg24 : memref<!tpu.dma_semaphore, #tpu.memory_space<semaphore_mem>>)
    %dma_start3A_47 = arith.constant 0 : i32
    %dma_start3A_48 = tpu.memref_slice %arg11[%add3A_37, %dma_start3A_47] : memref<8192x768xf32, #tpu.memory_space<hbm>> -> memref<32x768xf32, #tpu.memory_space<hbm>>
    %dma_start3A_49 = arith.constant 0 : i32
    %dma_start3A_50 = tpu.memref_slice %arg11[%add3A_37, %dma_start3A_49] : memref<8192x768xf32, #tpu.memory_space<hbm>> -> memref<32x768xf32, #tpu.memory_space<hbm>>
    tpu.enqueue_dma source(%arg14 : memref<32x768xf32, #tpu.memory_space<vmem>>) target(%dma_start3A_50 : memref<32x768xf32, #tpu.memory_space<hbm>>) target_semaphore(%arg29 : memref<!tpu.dma_semaphore, #tpu.memory_space<semaphore_mem>>)
    %dma_start3A_51 = arith.constant 128 : i32
    %dma_start3A_52 = tpu.memref_slice %arg12[%dma_start3A_51] : memref<256xi32, #tpu.memory_space<vmem>> -> memref<32xi32, #tpu.memory_space<vmem>>
    %dma_start3A_53 = arith.constant 0 : i32
    %dma_start3A_54 = arith.constant 0 : i32
    %dma_start3A_55 = tpu.memref_slice %arg2[%dma_start3A_53, %dma_start3A_54] : memref<100000x768xf32, #tpu.memory_space<hbm>> -> memref<100000x768xf32, #tpu.memory_space<hbm>>
    tpu.enqueue_indirect_dma source(%dma_start3A_55 : memref<100000x768xf32, #tpu.memory_space<hbm>>) target(%arg17 : memref<32x768xf32, #tpu.memory_space<vmem>>) offsets(%dma_start3A_52 : memref<32xi32, #tpu.memory_space<vmem>>) semaphore(%arg22 : memref<!tpu.dma_semaphore, #tpu.memory_space<semaphore_mem>>)
    %add3A_56 = arith.constant 64 : i32
    %add3A_57 = arith.addi %mul3A_2, %add3A_56 : i32
    %dma_wait3A_58 = arith.constant 64 : i32
    %dma_wait3A_59 = tpu.memref_slice %arg12[%dma_wait3A_58] : memref<256xi32, #tpu.memory_space<vmem>> -> memref<32xi32, #tpu.memory_space<vmem>>
    %dma_wait3A_60 = arith.constant 0 : i32
    %dma_wait3A_61 = arith.constant 0 : i32
    %dma_wait3A_62 = tpu.memref_slice %arg2[%dma_wait3A_60, %dma_wait3A_61] : memref<100000x768xf32, #tpu.memory_space<hbm>> -> memref<100000x768xf32, #tpu.memory_space<hbm>>
    tpu.wait_indirect_dma semaphore(%arg20 : memref<!tpu.dma_semaphore, #tpu.memory_space<semaphore_mem>>) src(%dma_wait3A_62 : memref<100000x768xf32, #tpu.memory_space<hbm>>) dst(%arg15 : memref<32x768xf32, #tpu.memory_space<vmem>>)
    %dma_start3A_63 = arith.constant 0 : i32
    %dma_start3A_64 = tpu.memref_slice %arg6[%add3A_57, %dma_start3A_63] : memref<8192x768xf32, #tpu.memory_space<hbm>> -> memref<32x768xf32, #tpu.memory_space<hbm>>
    %dma_start3A_65 = arith.constant 0 : i32
    %dma_start3A_66 = tpu.memref_slice %arg6[%add3A_57, %dma_start3A_65] : memref<8192x768xf32, #tpu.memory_space<hbm>> -> memref<32x768xf32, #tpu.memory_space<hbm>>
    tpu.enqueue_dma source(%arg15 : memref<32x768xf32, #tpu.memory_space<vmem>>) target(%dma_start3A_66 : memref<32x768xf32, #tpu.memory_space<hbm>>) target_semaphore(%arg25 : memref<!tpu.dma_semaphore, #tpu.memory_space<semaphore_mem>>)
    %dma_start3A_67 = arith.constant 0 : i32
    %dma_start3A_68 = tpu.memref_slice %arg11[%add3A_57, %dma_start3A_67] : memref<8192x768xf32, #tpu.memory_space<hbm>> -> memref<32x768xf32, #tpu.memory_space<hbm>>
    %dma_start3A_69 = arith.constant 0 : i32
    %dma_start3A_70 = tpu.memref_slice %arg11[%add3A_57, %dma_start3A_69] : memref<8192x768xf32, #tpu.memory_space<hbm>> -> memref<32x768xf32, #tpu.memory_space<hbm>>
    tpu.enqueue_dma source(%arg15 : memref<32x768xf32, #tpu.memory_space<vmem>>) target(%dma_start3A_70 : memref<32x768xf32, #tpu.memory_space<hbm>>) target_semaphore(%arg30 : memref<!tpu.dma_semaphore, #tpu.memory_space<semaphore_mem>>)
    %dma_wait3A_71 = arith.constant 0 : i32
    %dma_wait3A_72 = tpu.memref_slice %arg6[%add3A_18, %dma_wait3A_71] : memref<8192x768xf32, #tpu.memory_space<hbm>> -> memref<32x768xf32, #tpu.memory_space<hbm>>
    %dma_wait3A_73 = arith.constant 0 : i32
    %dma_wait3A_74 = tpu.memref_slice %arg6[%add3A_18, %dma_wait3A_73] : memref<8192x768xf32, #tpu.memory_space<hbm>> -> memref<32x768xf32, #tpu.memory_space<hbm>>
    tpu.wait_dma2 semaphore(%arg23 : memref<!tpu.dma_semaphore, #tpu.memory_space<semaphore_mem>>) src(%arg13 : memref<32x768xf32, #tpu.memory_space<vmem>>) dst(%dma_wait3A_74 : memref<32x768xf32, #tpu.memory_space<hbm>>)
    %dma_wait3A_75 = arith.constant 0 : i32
    %dma_wait3A_76 = tpu.memref_slice %arg11[%add3A_18, %dma_wait3A_75] : memref<8192x768xf32, #tpu.memory_space<hbm>> -> memref<32x768xf32, #tpu.memory_space<hbm>>
    %dma_wait3A_77 = arith.constant 0 : i32
    %dma_wait3A_78 = tpu.memref_slice %arg11[%add3A_18, %dma_wait3A_77] : memref<8192x768xf32, #tpu.memory_space<hbm>> -> memref<32x768xf32, #tpu.memory_space<hbm>>
    tpu.wait_dma2 semaphore(%arg28 : memref<!tpu.dma_semaphore, #tpu.memory_space<semaphore_mem>>) src(%arg13 : memref<32x768xf32, #tpu.memory_space<vmem>>) dst(%dma_wait3A_78 : memref<32x768xf32, #tpu.memory_space<hbm>>)
    %dma_start3A_79 = arith.constant 160 : i32
    %dma_start3A_80 = tpu.memref_slice %arg12[%dma_start3A_79] : memref<256xi32, #tpu.memory_space<vmem>> -> memref<32xi32, #tpu.memory_space<vmem>>
    %dma_start3A_81 = arith.constant 0 : i32
    %dma_start3A_82 = arith.constant 0 : i32
    %dma_start3A_83 = tpu.memref_slice %arg2[%dma_start3A_81, %dma_start3A_82] : memref<100000x768xf32, #tpu.memory_space<hbm>> -> memref<100000x768xf32, #tpu.memory_space<hbm>>
    tpu.enqueue_indirect_dma source(%dma_start3A_83 : memref<100000x768xf32, #tpu.memory_space<hbm>>) target(%arg13 : memref<32x768xf32, #tpu.memory_space<vmem>>) offsets(%dma_start3A_80 : memref<32xi32, #tpu.memory_space<vmem>>) semaphore(%arg18 : memref<!tpu.dma_semaphore, #tpu.memory_space<semaphore_mem>>)
    %add3A_84 = arith.constant 96 : i32
    %add3A_85 = arith.addi %mul3A_2, %add3A_84 : i32
    %dma_wait3A_86 = arith.constant 96 : i32
    %dma_wait3A_87 = tpu.memref_slice %arg12[%dma_wait3A_86] : memref<256xi32, #tpu.memory_space<vmem>> -> memref<32xi32, #tpu.memory_space<vmem>>
    %dma_wait3A_88 = arith.constant 0 : i32
    %dma_wait3A_89 = arith.constant 0 : i32
    %dma_wait3A_90 = tpu.memref_slice %arg2[%dma_wait3A_88, %dma_wait3A_89] : memref<100000x768xf32, #tpu.memory_space<hbm>> -> memref<100000x768xf32, #tpu.memory_space<hbm>>
    tpu.wait_indirect_dma semaphore(%arg21 : memref<!tpu.dma_semaphore, #tpu.memory_space<semaphore_mem>>) src(%dma_wait3A_90 : memref<100000x768xf32, #tpu.memory_space<hbm>>) dst(%arg16 : memref<32x768xf32, #tpu.memory_space<vmem>>)
    %dma_start3A_91 = arith.constant 0 : i32
    %dma_start3A_92 = tpu.memref_slice %arg6[%add3A_85, %dma_start3A_91] : memref<8192x768xf32, #tpu.memory_space<hbm>> -> memref<32x768xf32, #tpu.memory_space<hbm>>
    %dma_start3A_93 = arith.constant 0 : i32
    %dma_start3A_94 = tpu.memref_slice %arg6[%add3A_85, %dma_start3A_93] : memref<8192x768xf32, #tpu.memory_space<hbm>> -> memref<32x768xf32, #tpu.memory_space<hbm>>
    tpu.enqueue_dma source(%arg16 : memref<32x768xf32, #tpu.memory_space<vmem>>) target(%dma_start3A_94 : memref<32x768xf32, #tpu.memory_space<hbm>>) target_semaphore(%arg26 : memref<!tpu.dma_semaphore, #tpu.memory_space<semaphore_mem>>)
    %dma_start3A_95 = arith.constant 0 : i32
    %dma_start3A_96 = tpu.memref_slice %arg11[%add3A_85, %dma_start3A_95] : memref<8192x768xf32, #tpu.memory_space<hbm>> -> memref<32x768xf32, #tpu.memory_space<hbm>>
    %dma_start3A_97 = arith.constant 0 : i32
    %dma_start3A_98 = tpu.memref_slice %arg11[%add3A_85, %dma_start3A_97] : memref<8192x768xf32, #tpu.memory_space<hbm>> -> memref<32x768xf32, #tpu.memory_space<hbm>>
    tpu.enqueue_dma source(%arg16 : memref<32x768xf32, #tpu.memory_space<vmem>>) target(%dma_start3A_98 : memref<32x768xf32, #tpu.memory_space<hbm>>) target_semaphore(%arg31 : memref<!tpu.dma_semaphore, #tpu.memory_space<semaphore_mem>>)
    %dma_wait3A_99 = arith.constant 0 : i32
    %dma_wait3A_100 = tpu.memref_slice %arg6[%add3A_37, %dma_wait3A_99] : memref<8192x768xf32, #tpu.memory_space<hbm>> -> memref<32x768xf32, #tpu.memory_space<hbm>>
    %dma_wait3A_101 = arith.constant 0 : i32
    %dma_wait3A_102 = tpu.memref_slice %arg6[%add3A_37, %dma_wait3A_101] : memref<8192x768xf32, #tpu.memory_space<hbm>> -> memref<32x768xf32, #tpu.memory_space<hbm>>
    tpu.wait_dma2 semaphore(%arg24 : memref<!tpu.dma_semaphore, #tpu.memory_space<semaphore_mem>>) src(%arg14 : memref<32x768xf32, #tpu.memory_space<vmem>>) dst(%dma_wait3A_102 : memref<32x768xf32, #tpu.memory_space<hbm>>)
    %dma_wait3A_103 = arith.constant 0 : i32
    %dma_wait3A_104 = tpu.memref_slice %arg11[%add3A_37, %dma_wait3A_103] : memref<8192x768xf32, #tpu.memory_space<hbm>> -> memref<32x768xf32, #tpu.memory_space<hbm>>
    %dma_wait3A_105 = arith.constant 0 : i32
    %dma_wait3A_106 = tpu.memref_slice %arg11[%add3A_37, %dma_wait3A_105] : memref<8192x768xf32, #tpu.memory_space<hbm>> -> memref<32x768xf32, #tpu.memory_space<hbm>>
    tpu.wait_dma2 semaphore(%arg29 : memref<!tpu.dma_semaphore, #tpu.memory_space<semaphore_mem>>) src(%arg14 : memref<32x768xf32, #tpu.memory_space<vmem>>) dst(%dma_wait3A_106 : memref<32x768xf32, #tpu.memory_space<hbm>>)
    %dma_start3A_107 = arith.constant 192 : i32
    %dma_start3A_108 = tpu.memref_slice %arg12[%dma_start3A_107] : memref<256xi32, #tpu.memory_space<vmem>> -> memref<32xi32, #tpu.memory_space<vmem>>
    %dma_start3A_109 = arith.constant 0 : i32
    %dma_start3A_110 = arith.constant 0 : i32
    %dma_start3A_111 = tpu.memref_slice %arg2[%dma_start3A_109, %dma_start3A_110] : memref<100000x768xf32, #tpu.memory_space<hbm>> -> memref<100000x768xf32, #tpu.memory_space<hbm>>
    tpu.enqueue_indirect_dma source(%dma_start3A_111 : memref<100000x768xf32, #tpu.memory_space<hbm>>) target(%arg14 : memref<32x768xf32, #tpu.memory_space<vmem>>) offsets(%dma_start3A_108 : memref<32xi32, #tpu.memory_space<vmem>>) semaphore(%arg19 : memref<!tpu.dma_semaphore, #tpu.memory_space<semaphore_mem>>)
    %add3A_112 = arith.constant 128 : i32
    %add3A_113 = arith.addi %mul3A_2, %add3A_112 : i32
    %dma_wait3A_114 = arith.constant 128 : i32
    %dma_wait3A_115 = tpu.memref_slice %arg12[%dma_wait3A_114] : memref<256xi32, #tpu.memory_space<vmem>> -> memref<32xi32, #tpu.memory_space<vmem>>
    %dma_wait3A_116 = arith.constant 0 : i32
    %dma_wait3A_117 = arith.constant 0 : i32
    %dma_wait3A_118 = tpu.memref_slice %arg2[%dma_wait3A_116, %dma_wait3A_117] : memref<100000x768xf32, #tpu.memory_space<hbm>> -> memref<100000x768xf32, #tpu.memory_space<hbm>>
    tpu.wait_indirect_dma semaphore(%arg22 : memref<!tpu.dma_semaphore, #tpu.memory_space<semaphore_mem>>) src(%dma_wait3A_118 : memref<100000x768xf32, #tpu.memory_space<hbm>>) dst(%arg17 : memref<32x768xf32, #tpu.memory_space<vmem>>)
    %dma_start3A_119 = arith.constant 0 : i32
    %dma_start3A_120 = tpu.memref_slice %arg6[%add3A_113, %dma_start3A_119] : memref<8192x768xf32, #tpu.memory_space<hbm>> -> memref<32x768xf32, #tpu.memory_space<hbm>>
    %dma_start3A_121 = arith.constant 0 : i32
    %dma_start3A_122 = tpu.memref_slice %arg6[%add3A_113, %dma_start3A_121] : memref<8192x768xf32, #tpu.memory_space<hbm>> -> memref<32x768xf32, #tpu.memory_space<hbm>>
    tpu.enqueue_dma source(%arg17 : memref<32x768xf32, #tpu.memory_space<vmem>>) target(%dma_start3A_122 : memref<32x768xf32, #tpu.memory_space<hbm>>) target_semaphore(%arg27 : memref<!tpu.dma_semaphore, #tpu.memory_space<semaphore_mem>>)
    %dma_start3A_123 = arith.constant 0 : i32
    %dma_start3A_124 = tpu.memref_slice %arg11[%add3A_113, %dma_start3A_123] : memref<8192x768xf32, #tpu.memory_space<hbm>> -> memref<32x768xf32, #tpu.memory_space<hbm>>
    %dma_start3A_125 = arith.constant 0 : i32
    %dma_start3A_126 = tpu.memref_slice %arg11[%add3A_113, %dma_start3A_125] : memref<8192x768xf32, #tpu.memory_space<hbm>> -> memref<32x768xf32, #tpu.memory_space<hbm>>
    tpu.enqueue_dma source(%arg17 : memref<32x768xf32, #tpu.memory_space<vmem>>) target(%dma_start3A_126 : memref<32x768xf32, #tpu.memory_space<hbm>>) target_semaphore(%arg32 : memref<!tpu.dma_semaphore, #tpu.memory_space<semaphore_mem>>)
    %dma_wait3A_127 = arith.constant 0 : i32
    %dma_wait3A_128 = tpu.memref_slice %arg6[%add3A_57, %dma_wait3A_127] : memref<8192x768xf32, #tpu.memory_space<hbm>> -> memref<32x768xf32, #tpu.memory_space<hbm>>
    %dma_wait3A_129 = arith.constant 0 : i32
    %dma_wait3A_130 = tpu.memref_slice %arg6[%add3A_57, %dma_wait3A_129] : memref<8192x768xf32, #tpu.memory_space<hbm>> -> memref<32x768xf32, #tpu.memory_space<hbm>>
    tpu.wait_dma2 semaphore(%arg25 : memref<!tpu.dma_semaphore, #tpu.memory_space<semaphore_mem>>) src(%arg15 : memref<32x768xf32, #tpu.memory_space<vmem>>) dst(%dma_wait3A_130 : memref<32x768xf32, #tpu.memory_space<hbm>>)
    %dma_wait3A_131 = arith.constant 0 : i32
    %dma_wait3A_132 = tpu.memref_slice %arg11[%add3A_57, %dma_wait3A_131] : memref<8192x768xf32, #tpu.memory_space<hbm>> -> memref<32x768xf32, #tpu.memory_space<hbm>>
    %dma_wait3A_133 = arith.constant 0 : i32
    %dma_wait3A_134 = tpu.memref_slice %arg11[%add3A_57, %dma_wait3A_133] : memref<8192x768xf32, #tpu.memory_space<hbm>> -> memref<32x768xf32, #tpu.memory_space<hbm>>
    tpu.wait_dma2 semaphore(%arg30 : memref<!tpu.dma_semaphore, #tpu.memory_space<semaphore_mem>>) src(%arg15 : memref<32x768xf32, #tpu.memory_space<vmem>>) dst(%dma_wait3A_134 : memref<32x768xf32, #tpu.memory_space<hbm>>)
    %dma_start3A_135 = arith.constant 224 : i32
    %dma_start3A_136 = tpu.memref_slice %arg12[%dma_start3A_135] : memref<256xi32, #tpu.memory_space<vmem>> -> memref<32xi32, #tpu.memory_space<vmem>>
    %dma_start3A_137 = arith.constant 0 : i32
    %dma_start3A_138 = arith.constant 0 : i32
    %dma_start3A_139 = tpu.memref_slice %arg2[%dma_start3A_137, %dma_start3A_138] : memref<100000x768xf32, #tpu.memory_space<hbm>> -> memref<100000x768xf32, #tpu.memory_space<hbm>>
    tpu.enqueue_indirect_dma source(%dma_start3A_139 : memref<100000x768xf32, #tpu.memory_space<hbm>>) target(%arg15 : memref<32x768xf32, #tpu.memory_space<vmem>>) offsets(%dma_start3A_136 : memref<32xi32, #tpu.memory_space<vmem>>) semaphore(%arg20 : memref<!tpu.dma_semaphore, #tpu.memory_space<semaphore_mem>>)
    %add3A_140 = arith.constant 160 : i32
    %add3A_141 = arith.addi %mul3A_2, %add3A_140 : i32
    %dma_wait3A_142 = arith.constant 160 : i32
    %dma_wait3A_143 = tpu.memref_slice %arg12[%dma_wait3A_142] : memref<256xi32, #tpu.memory_space<vmem>> -> memref<32xi32, #tpu.memory_space<vmem>>
    %dma_wait3A_144 = arith.constant 0 : i32
    %dma_wait3A_145 = arith.constant 0 : i32
    %dma_wait3A_146 = tpu.memref_slice %arg2[%dma_wait3A_144, %dma_wait3A_145] : memref<100000x768xf32, #tpu.memory_space<hbm>> -> memref<100000x768xf32, #tpu.memory_space<hbm>>
    tpu.wait_indirect_dma semaphore(%arg18 : memref<!tpu.dma_semaphore, #tpu.memory_space<semaphore_mem>>) src(%dma_wait3A_146 : memref<100000x768xf32, #tpu.memory_space<hbm>>) dst(%arg13 : memref<32x768xf32, #tpu.memory_space<vmem>>)
    %dma_start3A_147 = arith.constant 0 : i32
    %dma_start3A_148 = tpu.memref_slice %arg6[%add3A_141, %dma_start3A_147] : memref<8192x768xf32, #tpu.memory_space<hbm>> -> memref<32x768xf32, #tpu.memory_space<hbm>>
    %dma_start3A_149 = arith.constant 0 : i32
    %dma_start3A_150 = tpu.memref_slice %arg6[%add3A_141, %dma_start3A_149] : memref<8192x768xf32, #tpu.memory_space<hbm>> -> memref<32x768xf32, #tpu.memory_space<hbm>>
    tpu.enqueue_dma source(%arg13 : memref<32x768xf32, #tpu.memory_space<vmem>>) target(%dma_start3A_150 : memref<32x768xf32, #tpu.memory_space<hbm>>) target_semaphore(%arg23 : memref<!tpu.dma_semaphore, #tpu.memory_space<semaphore_mem>>)
    %dma_start3A_151 = arith.constant 0 : i32
    %dma_start3A_152 = tpu.memref_slice %arg11[%add3A_141, %dma_start3A_151] : memref<8192x768xf32, #tpu.memory_space<hbm>> -> memref<32x768xf32, #tpu.memory_space<hbm>>
    %dma_start3A_153 = arith.constant 0 : i32
    %dma_start3A_154 = tpu.memref_slice %arg11[%add3A_141, %dma_start3A_153] : memref<8192x768xf32, #tpu.memory_space<hbm>> -> memref<32x768xf32, #tpu.memory_space<hbm>>
    tpu.enqueue_dma source(%arg13 : memref<32x768xf32, #tpu.memory_space<vmem>>) target(%dma_start3A_154 : memref<32x768xf32, #tpu.memory_space<hbm>>) target_semaphore(%arg28 : memref<!tpu.dma_semaphore, #tpu.memory_space<semaphore_mem>>)
    %dma_wait3A_155 = arith.constant 0 : i32
    %dma_wait3A_156 = tpu.memref_slice %arg6[%add3A_85, %dma_wait3A_155] : memref<8192x768xf32, #tpu.memory_space<hbm>> -> memref<32x768xf32, #tpu.memory_space<hbm>>
    %dma_wait3A_157 = arith.constant 0 : i32
    %dma_wait3A_158 = tpu.memref_slice %arg6[%add3A_85, %dma_wait3A_157] : memref<8192x768xf32, #tpu.memory_space<hbm>> -> memref<32x768xf32, #tpu.memory_space<hbm>>
    tpu.wait_dma2 semaphore(%arg26 : memref<!tpu.dma_semaphore, #tpu.memory_space<semaphore_mem>>) src(%arg16 : memref<32x768xf32, #tpu.memory_space<vmem>>) dst(%dma_wait3A_158 : memref<32x768xf32, #tpu.memory_space<hbm>>)
    %dma_wait3A_159 = arith.constant 0 : i32
    %dma_wait3A_160 = tpu.memref_slice %arg11[%add3A_85, %dma_wait3A_159] : memref<8192x768xf32, #tpu.memory_space<hbm>> -> memref<32x768xf32, #tpu.memory_space<hbm>>
    %dma_wait3A_161 = arith.constant 0 : i32
    %dma_wait3A_162 = tpu.memref_slice %arg11[%add3A_85, %dma_wait3A_161] : memref<8192x768xf32, #tpu.memory_space<hbm>> -> memref<32x768xf32, #tpu.memory_space<hbm>>
    tpu.wait_dma2 semaphore(%arg31 : memref<!tpu.dma_semaphore, #tpu.memory_space<semaphore_mem>>) src(%arg16 : memref<32x768xf32, #tpu.memory_space<vmem>>) dst(%dma_wait3A_162 : memref<32x768xf32, #tpu.memory_space<hbm>>)
    %dma_start3A_163 = arith.constant 0 : i32
    %dma_start3A_164 = tpu.memref_slice %arg12[%dma_start3A_163] : memref<256xi32, #tpu.memory_space<vmem>> -> memref<32xi32, #tpu.memory_space<vmem>>
    %dma_start3A_165 = arith.constant 0 : i32
    %dma_start3A_166 = arith.constant 0 : i32
    %dma_start3A_167 = tpu.memref_slice %arg3[%dma_start3A_165, %dma_start3A_166] : memref<100000x768xf32, #tpu.memory_space<hbm>> -> memref<100000x768xf32, #tpu.memory_space<hbm>>
    tpu.enqueue_indirect_dma source(%dma_start3A_167 : memref<100000x768xf32, #tpu.memory_space<hbm>>) target(%arg16 : memref<32x768xf32, #tpu.memory_space<vmem>>) offsets(%dma_start3A_164 : memref<32xi32, #tpu.memory_space<vmem>>) semaphore(%arg21 : memref<!tpu.dma_semaphore, #tpu.memory_space<semaphore_mem>>)
    %add3A_168 = arith.constant 192 : i32
    %add3A_169 = arith.addi %mul3A_2, %add3A_168 : i32
    %dma_wait3A_170 = arith.constant 192 : i32
    %dma_wait3A_171 = tpu.memref_slice %arg12[%dma_wait3A_170] : memref<256xi32, #tpu.memory_space<vmem>> -> memref<32xi32, #tpu.memory_space<vmem>>
    %dma_wait3A_172 = arith.constant 0 : i32
    %dma_wait3A_173 = arith.constant 0 : i32
    %dma_wait3A_174 = tpu.memref_slice %arg2[%dma_wait3A_172, %dma_wait3A_173] : memref<100000x768xf32, #tpu.memory_space<hbm>> -> memref<100000x768xf32, #tpu.memory_space<hbm>>
    tpu.wait_indirect_dma semaphore(%arg19 : memref<!tpu.dma_semaphore, #tpu.memory_space<semaphore_mem>>) src(%dma_wait3A_174 : memref<100000x768xf32, #tpu.memory_space<hbm>>) dst(%arg14 : memref<32x768xf32, #tpu.memory_space<vmem>>)
    %dma_start3A_175 = arith.constant 0 : i32
    %dma_start3A_176 = tpu.memref_slice %arg6[%add3A_169, %dma_start3A_175] : memref<8192x768xf32, #tpu.memory_space<hbm>> -> memref<32x768xf32, #tpu.memory_space<hbm>>
    %dma_start3A_177 = arith.constant 0 : i32
    %dma_start3A_178 = tpu.memref_slice %arg6[%add3A_169, %dma_start3A_177] : memref<8192x768xf32, #tpu.memory_space<hbm>> -> memref<32x768xf32, #tpu.memory_space<hbm>>
    tpu.enqueue_dma source(%arg14 : memref<32x768xf32, #tpu.memory_space<vmem>>) target(%dma_start3A_178 : memref<32x768xf32, #tpu.memory_space<hbm>>) target_semaphore(%arg24 : memref<!tpu.dma_semaphore, #tpu.memory_space<semaphore_mem>>)
    %dma_start3A_179 = arith.constant 0 : i32
    %dma_start3A_180 = tpu.memref_slice %arg11[%add3A_169, %dma_start3A_179] : memref<8192x768xf32, #tpu.memory_space<hbm>> -> memref<32x768xf32, #tpu.memory_space<hbm>>
    %dma_start3A_181 = arith.constant 0 : i32
    %dma_start3A_182 = tpu.memref_slice %arg11[%add3A_169, %dma_start3A_181] : memref<8192x768xf32, #tpu.memory_space<hbm>> -> memref<32x768xf32, #tpu.memory_space<hbm>>
    tpu.enqueue_dma source(%arg14 : memref<32x768xf32, #tpu.memory_space<vmem>>) target(%dma_start3A_182 : memref<32x768xf32, #tpu.memory_space<hbm>>) target_semaphore(%arg29 : memref<!tpu.dma_semaphore, #tpu.memory_space<semaphore_mem>>)
    %dma_wait3A_183 = arith.constant 0 : i32
    %dma_wait3A_184 = tpu.memref_slice %arg6[%add3A_113, %dma_wait3A_183] : memref<8192x768xf32, #tpu.memory_space<hbm>> -> memref<32x768xf32, #tpu.memory_space<hbm>>
    %dma_wait3A_185 = arith.constant 0 : i32
    %dma_wait3A_186 = tpu.memref_slice %arg6[%add3A_113, %dma_wait3A_185] : memref<8192x768xf32, #tpu.memory_space<hbm>> -> memref<32x768xf32, #tpu.memory_space<hbm>>
    tpu.wait_dma2 semaphore(%arg27 : memref<!tpu.dma_semaphore, #tpu.memory_space<semaphore_mem>>) src(%arg17 : memref<32x768xf32, #tpu.memory_space<vmem>>) dst(%dma_wait3A_186 : memref<32x768xf32, #tpu.memory_space<hbm>>)
    %dma_wait3A_187 = arith.constant 0 : i32
    %dma_wait3A_188 = tpu.memref_slice %arg11[%add3A_113, %dma_wait3A_187] : memref<8192x768xf32, #tpu.memory_space<hbm>> -> memref<32x768xf32, #tpu.memory_space<hbm>>
    %dma_wait3A_189 = arith.constant 0 : i32
    %dma_wait3A_190 = tpu.memref_slice %arg11[%add3A_113, %dma_wait3A_189] : memref<8192x768xf32, #tpu.memory_space<hbm>> -> memref<32x768xf32, #tpu.memory_space<hbm>>
    tpu.wait_dma2 semaphore(%arg32 : memref<!tpu.dma_semaphore, #tpu.memory_space<semaphore_mem>>) src(%arg17 : memref<32x768xf32, #tpu.memory_space<vmem>>) dst(%dma_wait3A_190 : memref<32x768xf32, #tpu.memory_space<hbm>>)
    %dma_start3A_191 = arith.constant 32 : i32
    %dma_start3A_192 = tpu.memref_slice %arg12[%dma_start3A_191] : memref<256xi32, #tpu.memory_space<vmem>> -> memref<32xi32, #tpu.memory_space<vmem>>
    %dma_start3A_193 = arith.constant 0 : i32
    %dma_start3A_194 = arith.constant 0 : i32
    %dma_start3A_195 = tpu.memref_slice %arg3[%dma_start3A_193, %dma_start3A_194] : memref<100000x768xf32, #tpu.memory_space<hbm>> -> memref<100000x768xf32, #tpu.memory_space<hbm>>
    tpu.enqueue_indirect_dma source(%dma_start3A_195 : memref<100000x768xf32, #tpu.memory_space<hbm>>) target(%arg17 : memref<32x768xf32, #tpu.memory_space<vmem>>) offsets(%dma_start3A_192 : memref<32xi32, #tpu.memory_space<vmem>>) semaphore(%arg22 : memref<!tpu.dma_semaphore, #tpu.memory_space<semaphore_mem>>)
    %add3A_196 = arith.constant 224 : i32
    %add3A_197 = arith.addi %mul3A_2, %add3A_196 : i32
    %dma_wait3A_198 = arith.constant 224 : i32
    %dma_wait3A_199 = tpu.memref_slice %arg12[%dma_wait3A_198] : memref<256xi32, #tpu.memory_space<vmem>> -> memref<32xi32, #tpu.memory_space<vmem>>
    %dma_wait3A_200 = arith.constant 0 : i32
    %dma_wait3A_201 = arith.constant 0 : i32
    %dma_wait3A_202 = tpu.memref_slice %arg2[%dma_wait3A_200, %dma_wait3A_201] : memref<100000x768xf32, #tpu.memory_space<hbm>> -> memref<100000x768xf32, #tpu.memory_space<hbm>>
    tpu.wait_indirect_dma semaphore(%arg20 : memref<!tpu.dma_semaphore, #tpu.memory_space<semaphore_mem>>) src(%dma_wait3A_202 : memref<100000x768xf32, #tpu.memory_space<hbm>>) dst(%arg15 : memref<32x768xf32, #tpu.memory_space<vmem>>)
    %dma_start3A_203 = arith.constant 0 : i32
    %dma_start3A_204 = tpu.memref_slice %arg6[%add3A_197, %dma_start3A_203] : memref<8192x768xf32, #tpu.memory_space<hbm>> -> memref<32x768xf32, #tpu.memory_space<hbm>>
    %dma_start3A_205 = arith.constant 0 : i32
    %dma_start3A_206 = tpu.memref_slice %arg6[%add3A_197, %dma_start3A_205] : memref<8192x768xf32, #tpu.memory_space<hbm>> -> memref<32x768xf32, #tpu.memory_space<hbm>>
    tpu.enqueue_dma source(%arg15 : memref<32x768xf32, #tpu.memory_space<vmem>>) target(%dma_start3A_206 : memref<32x768xf32, #tpu.memory_space<hbm>>) target_semaphore(%arg25 : memref<!tpu.dma_semaphore, #tpu.memory_space<semaphore_mem>>)
    %dma_start3A_207 = arith.constant 0 : i32
    %dma_start3A_208 = tpu.memref_slice %arg11[%add3A_197, %dma_start3A_207] : memref<8192x768xf32, #tpu.memory_space<hbm>> -> memref<32x768xf32, #tpu.memory_space<hbm>>
    %dma_start3A_209 = arith.constant 0 : i32
    %dma_start3A_210 = tpu.memref_slice %arg11[%add3A_197, %dma_start3A_209] : memref<8192x768xf32, #tpu.memory_space<hbm>> -> memref<32x768xf32, #tpu.memory_space<hbm>>
    tpu.enqueue_dma source(%arg15 : memref<32x768xf32, #tpu.memory_space<vmem>>) target(%dma_start3A_210 : memref<32x768xf32, #tpu.memory_space<hbm>>) target_semaphore(%arg30 : memref<!tpu.dma_semaphore, #tpu.memory_space<semaphore_mem>>)
    %dma_wait3A_211 = arith.constant 0 : i32
    %dma_wait3A_212 = tpu.memref_slice %arg6[%add3A_141, %dma_wait3A_211] : memref<8192x768xf32, #tpu.memory_space<hbm>> -> memref<32x768xf32, #tpu.memory_space<hbm>>
    %dma_wait3A_213 = arith.constant 0 : i32
    %dma_wait3A_214 = tpu.memref_slice %arg6[%add3A_141, %dma_wait3A_213] : memref<8192x768xf32, #tpu.memory_space<hbm>> -> memref<32x768xf32, #tpu.memory_space<hbm>>
    tpu.wait_dma2 semaphore(%arg23 : memref<!tpu.dma_semaphore, #tpu.memory_space<semaphore_mem>>) src(%arg13 : memref<32x768xf32, #tpu.memory_space<vmem>>) dst(%dma_wait3A_214 : memref<32x768xf32, #tpu.memory_space<hbm>>)
    %dma_wait3A_215 = arith.constant 0 : i32
    %dma_wait3A_216 = tpu.memref_slice %arg11[%add3A_141, %dma_wait3A_215] : memref<8192x768xf32, #tpu.memory_space<hbm>> -> memref<32x768xf32, #tpu.memory_space<hbm>>
    %dma_wait3A_217 = arith.constant 0 : i32
    %dma_wait3A_218 = tpu.memref_slice %arg11[%add3A_141, %dma_wait3A_217] : memref<8192x768xf32, #tpu.memory_space<hbm>> -> memref<32x768xf32, #tpu.memory_space<hbm>>
    tpu.wait_dma2 semaphore(%arg28 : memref<!tpu.dma_semaphore, #tpu.memory_space<semaphore_mem>>) src(%arg13 : memref<32x768xf32, #tpu.memory_space<vmem>>) dst(%dma_wait3A_218 : memref<32x768xf32, #tpu.memory_space<hbm>>)
    %dma_start3A_219 = arith.constant 64 : i32
    %dma_start3A_220 = tpu.memref_slice %arg12[%dma_start3A_219] : memref<256xi32, #tpu.memory_space<vmem>> -> memref<32xi32, #tpu.memory_space<vmem>>
    %dma_start3A_221 = arith.constant 0 : i32
    %dma_start3A_222 = arith.constant 0 : i32
    %dma_start3A_223 = tpu.memref_slice %arg3[%dma_start3A_221, %dma_start3A_222] : memref<100000x768xf32, #tpu.memory_space<hbm>> -> memref<100000x768xf32, #tpu.memory_space<hbm>>
    tpu.enqueue_indirect_dma source(%dma_start3A_223 : memref<100000x768xf32, #tpu.memory_space<hbm>>) target(%arg13 : memref<32x768xf32, #tpu.memory_space<vmem>>) offsets(%dma_start3A_220 : memref<32xi32, #tpu.memory_space<vmem>>) semaphore(%arg18 : memref<!tpu.dma_semaphore, #tpu.memory_space<semaphore_mem>>)
    %add3A_224 = arith.constant 0 : i32
    %add3A_225 = arith.addi %mul3A_2, %add3A_224 : i32
    %dma_wait3A_226 = arith.constant 0 : i32
    %dma_wait3A_227 = tpu.memref_slice %arg12[%dma_wait3A_226] : memref<256xi32, #tpu.memory_space<vmem>> -> memref<32xi32, #tpu.memory_space<vmem>>
    %dma_wait3A_228 = arith.constant 0 : i32
    %dma_wait3A_229 = arith.constant 0 : i32
    %dma_wait3A_230 = tpu.memref_slice %arg3[%dma_wait3A_228, %dma_wait3A_229] : memref<100000x768xf32, #tpu.memory_space<hbm>> -> memref<100000x768xf32, #tpu.memory_space<hbm>>
    tpu.wait_indirect_dma semaphore(%arg21 : memref<!tpu.dma_semaphore, #tpu.memory_space<semaphore_mem>>) src(%dma_wait3A_230 : memref<100000x768xf32, #tpu.memory_space<hbm>>) dst(%arg16 : memref<32x768xf32, #tpu.memory_space<vmem>>)
    %dma_start3A_231 = arith.constant 0 : i32
    %dma_start3A_232 = tpu.memref_slice %arg7[%add3A_225, %dma_start3A_231] : memref<8192x768xf32, #tpu.memory_space<hbm>> -> memref<32x768xf32, #tpu.memory_space<hbm>>
    %dma_start3A_233 = arith.constant 0 : i32
    %dma_start3A_234 = tpu.memref_slice %arg7[%add3A_225, %dma_start3A_233] : memref<8192x768xf32, #tpu.memory_space<hbm>> -> memref<32x768xf32, #tpu.memory_space<hbm>>
    tpu.enqueue_dma source(%arg16 : memref<32x768xf32, #tpu.memory_space<vmem>>) target(%dma_start3A_234 : memref<32x768xf32, #tpu.memory_space<hbm>>) target_semaphore(%arg26 : memref<!tpu.dma_semaphore, #tpu.memory_space<semaphore_mem>>)
    %dma_start3A_235 = arith.constant 0 : i32
    %dma_start3A_236 = tpu.memref_slice %arg10[%add3A_225, %dma_start3A_235] : memref<8192x768xf32, #tpu.memory_space<hbm>> -> memref<32x768xf32, #tpu.memory_space<hbm>>
    %dma_start3A_237 = arith.constant 0 : i32
    %dma_start3A_238 = tpu.memref_slice %arg10[%add3A_225, %dma_start3A_237] : memref<8192x768xf32, #tpu.memory_space<hbm>> -> memref<32x768xf32, #tpu.memory_space<hbm>>
    tpu.enqueue_dma source(%arg16 : memref<32x768xf32, #tpu.memory_space<vmem>>) target(%dma_start3A_238 : memref<32x768xf32, #tpu.memory_space<hbm>>) target_semaphore(%arg31 : memref<!tpu.dma_semaphore, #tpu.memory_space<semaphore_mem>>)
    %dma_wait3A_239 = arith.constant 0 : i32
    %dma_wait3A_240 = tpu.memref_slice %arg6[%add3A_169, %dma_wait3A_239] : memref<8192x768xf32, #tpu.memory_space<hbm>> -> memref<32x768xf32, #tpu.memory_space<hbm>>
    %dma_wait3A_241 = arith.constant 0 : i32
    %dma_wait3A_242 = tpu.memref_slice %arg6[%add3A_169, %dma_wait3A_241] : memref<8192x768xf32, #tpu.memory_space<hbm>> -> memref<32x768xf32, #tpu.memory_space<hbm>>
    tpu.wait_dma2 semaphore(%arg24 : memref<!tpu.dma_semaphore, #tpu.memory_space<semaphore_mem>>) src(%arg14 : memref<32x768xf32, #tpu.memory_space<vmem>>) dst(%dma_wait3A_242 : memref<32x768xf32, #tpu.memory_space<hbm>>)
    %dma_wait3A_243 = arith.constant 0 : i32
    %dma_wait3A_244 = tpu.memref_slice %arg11[%add3A_169, %dma_wait3A_243] : memref<8192x768xf32, #tpu.memory_space<hbm>> -> memref<32x768xf32, #tpu.memory_space<hbm>>
    %dma_wait3A_245 = arith.constant 0 : i32
    %dma_wait3A_246 = tpu.memref_slice %arg11[%add3A_169, %dma_wait3A_245] : memref<8192x768xf32, #tpu.memory_space<hbm>> -> memref<32x768xf32, #tpu.memory_space<hbm>>
    tpu.wait_dma2 semaphore(%arg29 : memref<!tpu.dma_semaphore, #tpu.memory_space<semaphore_mem>>) src(%arg14 : memref<32x768xf32, #tpu.memory_space<vmem>>) dst(%dma_wait3A_246 : memref<32x768xf32, #tpu.memory_space<hbm>>)
    %dma_start3A_247 = arith.constant 96 : i32
    %dma_start3A_248 = tpu.memref_slice %arg12[%dma_start3A_247] : memref<256xi32, #tpu.memory_space<vmem>> -> memref<32xi32, #tpu.memory_space<vmem>>
    %dma_start3A_249 = arith.constant 0 : i32
    %dma_start3A_250 = arith.constant 0 : i32
    %dma_start3A_251 = tpu.memref_slice %arg3[%dma_start3A_249, %dma_start3A_250] : memref<100000x768xf32, #tpu.memory_space<hbm>> -> memref<100000x768xf32, #tpu.memory_space<hbm>>
    tpu.enqueue_indirect_dma source(%dma_start3A_251 : memref<100000x768xf32, #tpu.memory_space<hbm>>) target(%arg14 : memref<32x768xf32, #tpu.memory_space<vmem>>) offsets(%dma_start3A_248 : memref<32xi32, #tpu.memory_space<vmem>>) semaphore(%arg19 : memref<!tpu.dma_semaphore, #tpu.memory_space<semaphore_mem>>)
    %add3A_252 = arith.constant 32 : i32
    %add3A_253 = arith.addi %mul3A_2, %add3A_252 : i32
    %dma_wait3A_254 = arith.constant 32 : i32
    %dma_wait3A_255 = tpu.memref_slice %arg12[%dma_wait3A_254] : memref<256xi32, #tpu.memory_space<vmem>> -> memref<32xi32, #tpu.memory_space<vmem>>
    %dma_wait3A_256 = arith.constant 0 : i32
    %dma_wait3A_257 = arith.constant 0 : i32
    %dma_wait3A_258 = tpu.memref_slice %arg3[%dma_wait3A_256, %dma_wait3A_257] : memref<100000x768xf32, #tpu.memory_space<hbm>> -> memref<100000x768xf32, #tpu.memory_space<hbm>>
    tpu.wait_indirect_dma semaphore(%arg22 : memref<!tpu.dma_semaphore, #tpu.memory_space<semaphore_mem>>) src(%dma_wait3A_258 : memref<100000x768xf32, #tpu.memory_space<hbm>>) dst(%arg17 : memref<32x768xf32, #tpu.memory_space<vmem>>)
    %dma_start3A_259 = arith.constant 0 : i32
    %dma_start3A_260 = tpu.memref_slice %arg7[%add3A_253, %dma_start3A_259] : memref<8192x768xf32, #tpu.memory_space<hbm>> -> memref<32x768xf32, #tpu.memory_space<hbm>>
    %dma_start3A_261 = arith.constant 0 : i32
    %dma_start3A_262 = tpu.memref_slice %arg7[%add3A_253, %dma_start3A_261] : memref<8192x768xf32, #tpu.memory_space<hbm>> -> memref<32x768xf32, #tpu.memory_space<hbm>>
    tpu.enqueue_dma source(%arg17 : memref<32x768xf32, #tpu.memory_space<vmem>>) target(%dma_start3A_262 : memref<32x768xf32, #tpu.memory_space<hbm>>) target_semaphore(%arg27 : memref<!tpu.dma_semaphore, #tpu.memory_space<semaphore_mem>>)
    %dma_start3A_263 = arith.constant 0 : i32
    %dma_start3A_264 = tpu.memref_slice %arg10[%add3A_253, %dma_start3A_263] : memref<8192x768xf32, #tpu.memory_space<hbm>> -> memref<32x768xf32, #tpu.memory_space<hbm>>
    %dma_start3A_265 = arith.constant 0 : i32
    %dma_start3A_266 = tpu.memref_slice %arg10[%add3A_253, %dma_start3A_265] : memref<8192x768xf32, #tpu.memory_space<hbm>> -> memref<32x768xf32, #tpu.memory_space<hbm>>
    tpu.enqueue_dma source(%arg17 : memref<32x768xf32, #tpu.memory_space<vmem>>) target(%dma_start3A_266 : memref<32x768xf32, #tpu.memory_space<hbm>>) target_semaphore(%arg32 : memref<!tpu.dma_semaphore, #tpu.memory_space<semaphore_mem>>)
    %dma_wait3A_267 = arith.constant 0 : i32
    %dma_wait3A_268 = tpu.memref_slice %arg6[%add3A_197, %dma_wait3A_267] : memref<8192x768xf32, #tpu.memory_space<hbm>> -> memref<32x768xf32, #tpu.memory_space<hbm>>
    %dma_wait3A_269 = arith.constant 0 : i32
    %dma_wait3A_270 = tpu.memref_slice %arg6[%add3A_197, %dma_wait3A_269] : memref<8192x768xf32, #tpu.memory_space<hbm>> -> memref<32x768xf32, #tpu.memory_space<hbm>>
    tpu.wait_dma2 semaphore(%arg25 : memref<!tpu.dma_semaphore, #tpu.memory_space<semaphore_mem>>) src(%arg15 : memref<32x768xf32, #tpu.memory_space<vmem>>) dst(%dma_wait3A_270 : memref<32x768xf32, #tpu.memory_space<hbm>>)
    %dma_wait3A_271 = arith.constant 0 : i32
    %dma_wait3A_272 = tpu.memref_slice %arg11[%add3A_197, %dma_wait3A_271] : memref<8192x768xf32, #tpu.memory_space<hbm>> -> memref<32x768xf32, #tpu.memory_space<hbm>>
    %dma_wait3A_273 = arith.constant 0 : i32
    %dma_wait3A_274 = tpu.memref_slice %arg11[%add3A_197, %dma_wait3A_273] : memref<8192x768xf32, #tpu.memory_space<hbm>> -> memref<32x768xf32, #tpu.memory_space<hbm>>
    tpu.wait_dma2 semaphore(%arg30 : memref<!tpu.dma_semaphore, #tpu.memory_space<semaphore_mem>>) src(%arg15 : memref<32x768xf32, #tpu.memory_space<vmem>>) dst(%dma_wait3A_274 : memref<32x768xf32, #tpu.memory_space<hbm>>)
    %dma_start3A_275 = arith.constant 128 : i32
    %dma_start3A_276 = tpu.memref_slice %arg12[%dma_start3A_275] : memref<256xi32, #tpu.memory_space<vmem>> -> memref<32xi32, #tpu.memory_space<vmem>>
    %dma_start3A_277 = arith.constant 0 : i32
    %dma_start3A_278 = arith.constant 0 : i32
    %dma_start3A_279 = tpu.memref_slice %arg3[%dma_start3A_277, %dma_start3A_278] : memref<100000x768xf32, #tpu.memory_space<hbm>> -> memref<100000x768xf32, #tpu.memory_space<hbm>>
    tpu.enqueue_indirect_dma source(%dma_start3A_279 : memref<100000x768xf32, #tpu.memory_space<hbm>>) target(%arg15 : memref<32x768xf32, #tpu.memory_space<vmem>>) offsets(%dma_start3A_276 : memref<32xi32, #tpu.memory_space<vmem>>) semaphore(%arg20 : memref<!tpu.dma_semaphore, #tpu.memory_space<semaphore_mem>>)
    %add3A_280 = arith.constant 64 : i32
    %add3A_281 = arith.addi %mul3A_2, %add3A_280 : i32
    %dma_wait3A_282 = arith.constant 64 : i32
    %dma_wait3A_283 = tpu.memref_slice %arg12[%dma_wait3A_282] : memref<256xi32, #tpu.memory_space<vmem>> -> memref<32xi32, #tpu.memory_space<vmem>>
    %dma_wait3A_284 = arith.constant 0 : i32
    %dma_wait3A_285 = arith.constant 0 : i32
    %dma_wait3A_286 = tpu.memref_slice %arg3[%dma_wait3A_284, %dma_wait3A_285] : memref<100000x768xf32, #tpu.memory_space<hbm>> -> memref<100000x768xf32, #tpu.memory_space<hbm>>
    tpu.wait_indirect_dma semaphore(%arg18 : memref<!tpu.dma_semaphore, #tpu.memory_space<semaphore_mem>>) src(%dma_wait3A_286 : memref<100000x768xf32, #tpu.memory_space<hbm>>) dst(%arg13 : memref<32x768xf32, #tpu.memory_space<vmem>>)
    %dma_start3A_287 = arith.constant 0 : i32
    %dma_start3A_288 = tpu.memref_slice %arg7[%add3A_281, %dma_start3A_287] : memref<8192x768xf32, #tpu.memory_space<hbm>> -> memref<32x768xf32, #tpu.memory_space<hbm>>
    %dma_start3A_289 = arith.constant 0 : i32
    %dma_start3A_290 = tpu.memref_slice %arg7[%add3A_281, %dma_start3A_289] : memref<8192x768xf32, #tpu.memory_space<hbm>> -> memref<32x768xf32, #tpu.memory_space<hbm>>
    tpu.enqueue_dma source(%arg13 : memref<32x768xf32, #tpu.memory_space<vmem>>) target(%dma_start3A_290 : memref<32x768xf32, #tpu.memory_space<hbm>>) target_semaphore(%arg23 : memref<!tpu.dma_semaphore, #tpu.memory_space<semaphore_mem>>)
    %dma_start3A_291 = arith.constant 0 : i32
    %dma_start3A_292 = tpu.memref_slice %arg10[%add3A_281, %dma_start3A_291] : memref<8192x768xf32, #tpu.memory_space<hbm>> -> memref<32x768xf32, #tpu.memory_space<hbm>>
    %dma_start3A_293 = arith.constant 0 : i32
    %dma_start3A_294 = tpu.memref_slice %arg10[%add3A_281, %dma_start3A_293] : memref<8192x768xf32, #tpu.memory_space<hbm>> -> memref<32x768xf32, #tpu.memory_space<hbm>>
    tpu.enqueue_dma source(%arg13 : memref<32x768xf32, #tpu.memory_space<vmem>>) target(%dma_start3A_294 : memref<32x768xf32, #tpu.memory_space<hbm>>) target_semaphore(%arg28 : memref<!tpu.dma_semaphore, #tpu.memory_space<semaphore_mem>>)
    %dma_wait3A_295 = arith.constant 0 : i32
    %dma_wait3A_296 = tpu.memref_slice %arg7[%add3A_225, %dma_wait3A_295] : memref<8192x768xf32, #tpu.memory_space<hbm>> -> memref<32x768xf32, #tpu.memory_space<hbm>>
    %dma_wait3A_297 = arith.constant 0 : i32
    %dma_wait3A_298 = tpu.memref_slice %arg7[%add3A_225, %dma_wait3A_297] : memref<8192x768xf32, #tpu.memory_space<hbm>> -> memref<32x768xf32, #tpu.memory_space<hbm>>
    tpu.wait_dma2 semaphore(%arg26 : memref<!tpu.dma_semaphore, #tpu.memory_space<semaphore_mem>>) src(%arg16 : memref<32x768xf32, #tpu.memory_space<vmem>>) dst(%dma_wait3A_298 : memref<32x768xf32, #tpu.memory_space<hbm>>)
    %dma_wait3A_299 = arith.constant 0 : i32
    %dma_wait3A_300 = tpu.memref_slice %arg10[%add3A_225, %dma_wait3A_299] : memref<8192x768xf32, #tpu.memory_space<hbm>> -> memref<32x768xf32, #tpu.memory_space<hbm>>
    %dma_wait3A_301 = arith.constant 0 : i32
    %dma_wait3A_302 = tpu.memref_slice %arg10[%add3A_225, %dma_wait3A_301] : memref<8192x768xf32, #tpu.memory_space<hbm>> -> memref<32x768xf32, #tpu.memory_space<hbm>>
    tpu.wait_dma2 semaphore(%arg31 : memref<!tpu.dma_semaphore, #tpu.memory_space<semaphore_mem>>) src(%arg16 : memref<32x768xf32, #tpu.memory_space<vmem>>) dst(%dma_wait3A_302 : memref<32x768xf32, #tpu.memory_space<hbm>>)
    %dma_start3A_303 = arith.constant 160 : i32
    %dma_start3A_304 = tpu.memref_slice %arg12[%dma_start3A_303] : memref<256xi32, #tpu.memory_space<vmem>> -> memref<32xi32, #tpu.memory_space<vmem>>
    %dma_start3A_305 = arith.constant 0 : i32
    %dma_start3A_306 = arith.constant 0 : i32
    %dma_start3A_307 = tpu.memref_slice %arg3[%dma_start3A_305, %dma_start3A_306] : memref<100000x768xf32, #tpu.memory_space<hbm>> -> memref<100000x768xf32, #tpu.memory_space<hbm>>
    tpu.enqueue_indirect_dma source(%dma_start3A_307 : memref<100000x768xf32, #tpu.memory_space<hbm>>) target(%arg16 : memref<32x768xf32, #tpu.memory_space<vmem>>) offsets(%dma_start3A_304 : memref<32xi32, #tpu.memory_space<vmem>>) semaphore(%arg21 : memref<!tpu.dma_semaphore, #tpu.memory_space<semaphore_mem>>)
    %add3A_308 = arith.constant 96 : i32
    %add3A_309 = arith.addi %mul3A_2, %add3A_308 : i32
    %dma_wait3A_310 = arith.constant 96 : i32
    %dma_wait3A_311 = tpu.memref_slice %arg12[%dma_wait3A_310] : memref<256xi32, #tpu.memory_space<vmem>> -> memref<32xi32, #tpu.memory_space<vmem>>
    %dma_wait3A_312 = arith.constant 0 : i32
    %dma_wait3A_313 = arith.constant 0 : i32
    %dma_wait3A_314 = tpu.memref_slice %arg3[%dma_wait3A_312, %dma_wait3A_313] : memref<100000x768xf32, #tpu.memory_space<hbm>> -> memref<100000x768xf32, #tpu.memory_space<hbm>>
    tpu.wait_indirect_dma semaphore(%arg19 : memref<!tpu.dma_semaphore, #tpu.memory_space<semaphore_mem>>) src(%dma_wait3A_314 : memref<100000x768xf32, #tpu.memory_space<hbm>>) dst(%arg14 : memref<32x768xf32, #tpu.memory_space<vmem>>)
    %dma_start3A_315 = arith.constant 0 : i32
    %dma_start3A_316 = tpu.memref_slice %arg7[%add3A_309, %dma_start3A_315] : memref<8192x768xf32, #tpu.memory_space<hbm>> -> memref<32x768xf32, #tpu.memory_space<hbm>>
    %dma_start3A_317 = arith.constant 0 : i32
    %dma_start3A_318 = tpu.memref_slice %arg7[%add3A_309, %dma_start3A_317] : memref<8192x768xf32, #tpu.memory_space<hbm>> -> memref<32x768xf32, #tpu.memory_space<hbm>>
    tpu.enqueue_dma source(%arg14 : memref<32x768xf32, #tpu.memory_space<vmem>>) target(%dma_start3A_318 : memref<32x768xf32, #tpu.memory_space<hbm>>) target_semaphore(%arg24 : memref<!tpu.dma_semaphore, #tpu.memory_space<semaphore_mem>>)
    %dma_start3A_319 = arith.constant 0 : i32
    %dma_start3A_320 = tpu.memref_slice %arg10[%add3A_309, %dma_start3A_319] : memref<8192x768xf32, #tpu.memory_space<hbm>> -> memref<32x768xf32, #tpu.memory_space<hbm>>
    %dma_start3A_321 = arith.constant 0 : i32
    %dma_start3A_322 = tpu.memref_slice %arg10[%add3A_309, %dma_start3A_321] : memref<8192x768xf32, #tpu.memory_space<hbm>> -> memref<32x768xf32, #tpu.memory_space<hbm>>
    tpu.enqueue_dma source(%arg14 : memref<32x768xf32, #tpu.memory_space<vmem>>) target(%dma_start3A_322 : memref<32x768xf32, #tpu.memory_space<hbm>>) target_semaphore(%arg29 : memref<!tpu.dma_semaphore, #tpu.memory_space<semaphore_mem>>)
    %dma_wait3A_323 = arith.constant 0 : i32
    %dma_wait3A_324 = tpu.memref_slice %arg7[%add3A_253, %dma_wait3A_323] : memref<8192x768xf32, #tpu.memory_space<hbm>> -> memref<32x768xf32, #tpu.memory_space<hbm>>
    %dma_wait3A_325 = arith.constant 0 : i32
    %dma_wait3A_326 = tpu.memref_slice %arg7[%add3A_253, %dma_wait3A_325] : memref<8192x768xf32, #tpu.memory_space<hbm>> -> memref<32x768xf32, #tpu.memory_space<hbm>>
    tpu.wait_dma2 semaphore(%arg27 : memref<!tpu.dma_semaphore, #tpu.memory_space<semaphore_mem>>) src(%arg17 : memref<32x768xf32, #tpu.memory_space<vmem>>) dst(%dma_wait3A_326 : memref<32x768xf32, #tpu.memory_space<hbm>>)
    %dma_wait3A_327 = arith.constant 0 : i32
    %dma_wait3A_328 = tpu.memref_slice %arg10[%add3A_253, %dma_wait3A_327] : memref<8192x768xf32, #tpu.memory_space<hbm>> -> memref<32x768xf32, #tpu.memory_space<hbm>>
    %dma_wait3A_329 = arith.constant 0 : i32
    %dma_wait3A_330 = tpu.memref_slice %arg10[%add3A_253, %dma_wait3A_329] : memref<8192x768xf32, #tpu.memory_space<hbm>> -> memref<32x768xf32, #tpu.memory_space<hbm>>
    tpu.wait_dma2 semaphore(%arg32 : memref<!tpu.dma_semaphore, #tpu.memory_space<semaphore_mem>>) src(%arg17 : memref<32x768xf32, #tpu.memory_space<vmem>>) dst(%dma_wait3A_330 : memref<32x768xf32, #tpu.memory_space<hbm>>)
    %dma_start3A_331 = arith.constant 192 : i32
    %dma_start3A_332 = tpu.memref_slice %arg12[%dma_start3A_331] : memref<256xi32, #tpu.memory_space<vmem>> -> memref<32xi32, #tpu.memory_space<vmem>>
    %dma_start3A_333 = arith.constant 0 : i32
    %dma_start3A_334 = arith.constant 0 : i32
    %dma_start3A_335 = tpu.memref_slice %arg3[%dma_start3A_333, %dma_start3A_334] : memref<100000x768xf32, #tpu.memory_space<hbm>> -> memref<100000x768xf32, #tpu.memory_space<hbm>>
    tpu.enqueue_indirect_dma source(%dma_start3A_335 : memref<100000x768xf32, #tpu.memory_space<hbm>>) target(%arg17 : memref<32x768xf32, #tpu.memory_space<vmem>>) offsets(%dma_start3A_332 : memref<32xi32, #tpu.memory_space<vmem>>) semaphore(%arg22 : memref<!tpu.dma_semaphore, #tpu.memory_space<semaphore_mem>>)
    %add3A_336 = arith.constant 128 : i32
    %add3A_337 = arith.addi %mul3A_2, %add3A_336 : i32
    %dma_wait3A_338 = arith.constant 128 : i32
    %dma_wait3A_339 = tpu.memref_slice %arg12[%dma_wait3A_338] : memref<256xi32, #tpu.memory_space<vmem>> -> memref<32xi32, #tpu.memory_space<vmem>>
    %dma_wait3A_340 = arith.constant 0 : i32
    %dma_wait3A_341 = arith.constant 0 : i32
    %dma_wait3A_342 = tpu.memref_slice %arg3[%dma_wait3A_340, %dma_wait3A_341] : memref<100000x768xf32, #tpu.memory_space<hbm>> -> memref<100000x768xf32, #tpu.memory_space<hbm>>
    tpu.wait_indirect_dma semaphore(%arg20 : memref<!tpu.dma_semaphore, #tpu.memory_space<semaphore_mem>>) src(%dma_wait3A_342 : memref<100000x768xf32, #tpu.memory_space<hbm>>) dst(%arg15 : memref<32x768xf32, #tpu.memory_space<vmem>>)
    %dma_start3A_343 = arith.constant 0 : i32
    %dma_start3A_344 = tpu.memref_slice %arg7[%add3A_337, %dma_start3A_343] : memref<8192x768xf32, #tpu.memory_space<hbm>> -> memref<32x768xf32, #tpu.memory_space<hbm>>
    %dma_start3A_345 = arith.constant 0 : i32
    %dma_start3A_346 = tpu.memref_slice %arg7[%add3A_337, %dma_start3A_345] : memref<8192x768xf32, #tpu.memory_space<hbm>> -> memref<32x768xf32, #tpu.memory_space<hbm>>
    tpu.enqueue_dma source(%arg15 : memref<32x768xf32, #tpu.memory_space<vmem>>) target(%dma_start3A_346 : memref<32x768xf32, #tpu.memory_space<hbm>>) target_semaphore(%arg25 : memref<!tpu.dma_semaphore, #tpu.memory_space<semaphore_mem>>)
    %dma_start3A_347 = arith.constant 0 : i32
    %dma_start3A_348 = tpu.memref_slice %arg10[%add3A_337, %dma_start3A_347] : memref<8192x768xf32, #tpu.memory_space<hbm>> -> memref<32x768xf32, #tpu.memory_space<hbm>>
    %dma_start3A_349 = arith.constant 0 : i32
    %dma_start3A_350 = tpu.memref_slice %arg10[%add3A_337, %dma_start3A_349] : memref<8192x768xf32, #tpu.memory_space<hbm>> -> memref<32x768xf32, #tpu.memory_space<hbm>>
    tpu.enqueue_dma source(%arg15 : memref<32x768xf32, #tpu.memory_space<vmem>>) target(%dma_start3A_350 : memref<32x768xf32, #tpu.memory_space<hbm>>) target_semaphore(%arg30 : memref<!tpu.dma_semaphore, #tpu.memory_space<semaphore_mem>>)
    %dma_wait3A_351 = arith.constant 0 : i32
    %dma_wait3A_352 = tpu.memref_slice %arg7[%add3A_281, %dma_wait3A_351] : memref<8192x768xf32, #tpu.memory_space<hbm>> -> memref<32x768xf32, #tpu.memory_space<hbm>>
    %dma_wait3A_353 = arith.constant 0 : i32
    %dma_wait3A_354 = tpu.memref_slice %arg7[%add3A_281, %dma_wait3A_353] : memref<8192x768xf32, #tpu.memory_space<hbm>> -> memref<32x768xf32, #tpu.memory_space<hbm>>
    tpu.wait_dma2 semaphore(%arg23 : memref<!tpu.dma_semaphore, #tpu.memory_space<semaphore_mem>>) src(%arg13 : memref<32x768xf32, #tpu.memory_space<vmem>>) dst(%dma_wait3A_354 : memref<32x768xf32, #tpu.memory_space<hbm>>)
    %dma_wait3A_355 = arith.constant 0 : i32
    %dma_wait3A_356 = tpu.memref_slice %arg10[%add3A_281, %dma_wait3A_355] : memref<8192x768xf32, #tpu.memory_space<hbm>> -> memref<32x768xf32, #tpu.memory_space<hbm>>
    %dma_wait3A_357 = arith.constant 0 : i32
    %dma_wait3A_358 = tpu.memref_slice %arg10[%add3A_281, %dma_wait3A_357] : memref<8192x768xf32, #tpu.memory_space<hbm>> -> memref<32x768xf32, #tpu.memory_space<hbm>>
    tpu.wait_dma2 semaphore(%arg28 : memref<!tpu.dma_semaphore, #tpu.memory_space<semaphore_mem>>) src(%arg13 : memref<32x768xf32, #tpu.memory_space<vmem>>) dst(%dma_wait3A_358 : memref<32x768xf32, #tpu.memory_space<hbm>>)
    %dma_start3A_359 = arith.constant 224 : i32
    %dma_start3A_360 = tpu.memref_slice %arg12[%dma_start3A_359] : memref<256xi32, #tpu.memory_space<vmem>> -> memref<32xi32, #tpu.memory_space<vmem>>
    %dma_start3A_361 = arith.constant 0 : i32
    %dma_start3A_362 = arith.constant 0 : i32
    %dma_start3A_363 = tpu.memref_slice %arg3[%dma_start3A_361, %dma_start3A_362] : memref<100000x768xf32, #tpu.memory_space<hbm>> -> memref<100000x768xf32, #tpu.memory_space<hbm>>
    tpu.enqueue_indirect_dma source(%dma_start3A_363 : memref<100000x768xf32, #tpu.memory_space<hbm>>) target(%arg13 : memref<32x768xf32, #tpu.memory_space<vmem>>) offsets(%dma_start3A_360 : memref<32xi32, #tpu.memory_space<vmem>>) semaphore(%arg18 : memref<!tpu.dma_semaphore, #tpu.memory_space<semaphore_mem>>)
    %add3A_364 = arith.constant 160 : i32
    %add3A_365 = arith.addi %mul3A_2, %add3A_364 : i32
    %dma_wait3A_366 = arith.constant 160 : i32
    %dma_wait3A_367 = tpu.memref_slice %arg12[%dma_wait3A_366] : memref<256xi32, #tpu.memory_space<vmem>> -> memref<32xi32, #tpu.memory_space<vmem>>
    %dma_wait3A_368 = arith.constant 0 : i32
    %dma_wait3A_369 = arith.constant 0 : i32
    %dma_wait3A_370 = tpu.memref_slice %arg3[%dma_wait3A_368, %dma_wait3A_369] : memref<100000x768xf32, #tpu.memory_space<hbm>> -> memref<100000x768xf32, #tpu.memory_space<hbm>>
    tpu.wait_indirect_dma semaphore(%arg21 : memref<!tpu.dma_semaphore, #tpu.memory_space<semaphore_mem>>) src(%dma_wait3A_370 : memref<100000x768xf32, #tpu.memory_space<hbm>>) dst(%arg16 : memref<32x768xf32, #tpu.memory_space<vmem>>)
    %dma_start3A_371 = arith.constant 0 : i32
    %dma_start3A_372 = tpu.memref_slice %arg7[%add3A_365, %dma_start3A_371] : memref<8192x768xf32, #tpu.memory_space<hbm>> -> memref<32x768xf32, #tpu.memory_space<hbm>>
    %dma_start3A_373 = arith.constant 0 : i32
    %dma_start3A_374 = tpu.memref_slice %arg7[%add3A_365, %dma_start3A_373] : memref<8192x768xf32, #tpu.memory_space<hbm>> -> memref<32x768xf32, #tpu.memory_space<hbm>>
    tpu.enqueue_dma source(%arg16 : memref<32x768xf32, #tpu.memory_space<vmem>>) target(%dma_start3A_374 : memref<32x768xf32, #tpu.memory_space<hbm>>) target_semaphore(%arg26 : memref<!tpu.dma_semaphore, #tpu.memory_space<semaphore_mem>>)
    %dma_start3A_375 = arith.constant 0 : i32
    %dma_start3A_376 = tpu.memref_slice %arg10[%add3A_365, %dma_start3A_375] : memref<8192x768xf32, #tpu.memory_space<hbm>> -> memref<32x768xf32, #tpu.memory_space<hbm>>
    %dma_start3A_377 = arith.constant 0 : i32
    %dma_start3A_378 = tpu.memref_slice %arg10[%add3A_365, %dma_start3A_377] : memref<8192x768xf32, #tpu.memory_space<hbm>> -> memref<32x768xf32, #tpu.memory_space<hbm>>
    tpu.enqueue_dma source(%arg16 : memref<32x768xf32, #tpu.memory_space<vmem>>) target(%dma_start3A_378 : memref<32x768xf32, #tpu.memory_space<hbm>>) target_semaphore(%arg31 : memref<!tpu.dma_semaphore, #tpu.memory_space<semaphore_mem>>)
    %dma_wait3A_379 = arith.constant 0 : i32
    %dma_wait3A_380 = tpu.memref_slice %arg7[%add3A_309, %dma_wait3A_379] : memref<8192x768xf32, #tpu.memory_space<hbm>> -> memref<32x768xf32, #tpu.memory_space<hbm>>
    %dma_wait3A_381 = arith.constant 0 : i32
    %dma_wait3A_382 = tpu.memref_slice %arg7[%add3A_309, %dma_wait3A_381] : memref<8192x768xf32, #tpu.memory_space<hbm>> -> memref<32x768xf32, #tpu.memory_space<hbm>>
    tpu.wait_dma2 semaphore(%arg24 : memref<!tpu.dma_semaphore, #tpu.memory_space<semaphore_mem>>) src(%arg14 : memref<32x768xf32, #tpu.memory_space<vmem>>) dst(%dma_wait3A_382 : memref<32x768xf32, #tpu.memory_space<hbm>>)
    %dma_wait3A_383 = arith.constant 0 : i32
    %dma_wait3A_384 = tpu.memref_slice %arg10[%add3A_309, %dma_wait3A_383] : memref<8192x768xf32, #tpu.memory_space<hbm>> -> memref<32x768xf32, #tpu.memory_space<hbm>>
    %dma_wait3A_385 = arith.constant 0 : i32
    %dma_wait3A_386 = tpu.memref_slice %arg10[%add3A_309, %dma_wait3A_385] : memref<8192x768xf32, #tpu.memory_space<hbm>> -> memref<32x768xf32, #tpu.memory_space<hbm>>
    tpu.wait_dma2 semaphore(%arg29 : memref<!tpu.dma_semaphore, #tpu.memory_space<semaphore_mem>>) src(%arg14 : memref<32x768xf32, #tpu.memory_space<vmem>>) dst(%dma_wait3A_386 : memref<32x768xf32, #tpu.memory_space<hbm>>)
    %dma_start3A_387 = arith.constant 0 : i32
    %dma_start3A_388 = tpu.memref_slice %arg12[%dma_start3A_387] : memref<256xi32, #tpu.memory_space<vmem>> -> memref<32xi32, #tpu.memory_space<vmem>>
    %dma_start3A_389 = arith.constant 0 : i32
    %dma_start3A_390 = arith.constant 0 : i32
    %dma_start3A_391 = tpu.memref_slice %arg4[%dma_start3A_389, %dma_start3A_390] : memref<100000x768xf32, #tpu.memory_space<hbm>> -> memref<100000x768xf32, #tpu.memory_space<hbm>>
    tpu.enqueue_indirect_dma source(%dma_start3A_391 : memref<100000x768xf32, #tpu.memory_space<hbm>>) target(%arg14 : memref<32x768xf32, #tpu.memory_space<vmem>>) offsets(%dma_start3A_388 : memref<32xi32, #tpu.memory_space<vmem>>) semaphore(%arg19 : memref<!tpu.dma_semaphore, #tpu.memory_space<semaphore_mem>>)
    %add3A_392 = arith.constant 192 : i32
    %add3A_393 = arith.addi %mul3A_2, %add3A_392 : i32
    %dma_wait3A_394 = arith.constant 192 : i32
    %dma_wait3A_395 = tpu.memref_slice %arg12[%dma_wait3A_394] : memref<256xi32, #tpu.memory_space<vmem>> -> memref<32xi32, #tpu.memory_space<vmem>>
    %dma_wait3A_396 = arith.constant 0 : i32
    %dma_wait3A_397 = arith.constant 0 : i32
    %dma_wait3A_398 = tpu.memref_slice %arg3[%dma_wait3A_396, %dma_wait3A_397] : memref<100000x768xf32, #tpu.memory_space<hbm>> -> memref<100000x768xf32, #tpu.memory_space<hbm>>
    tpu.wait_indirect_dma semaphore(%arg22 : memref<!tpu.dma_semaphore, #tpu.memory_space<semaphore_mem>>) src(%dma_wait3A_398 : memref<100000x768xf32, #tpu.memory_space<hbm>>) dst(%arg17 : memref<32x768xf32, #tpu.memory_space<vmem>>)
    %dma_start3A_399 = arith.constant 0 : i32
    %dma_start3A_400 = tpu.memref_slice %arg7[%add3A_393, %dma_start3A_399] : memref<8192x768xf32, #tpu.memory_space<hbm>> -> memref<32x768xf32, #tpu.memory_space<hbm>>
    %dma_start3A_401 = arith.constant 0 : i32
    %dma_start3A_402 = tpu.memref_slice %arg7[%add3A_393, %dma_start3A_401] : memref<8192x768xf32, #tpu.memory_space<hbm>> -> memref<32x768xf32, #tpu.memory_space<hbm>>
    tpu.enqueue_dma source(%arg17 : memref<32x768xf32, #tpu.memory_space<vmem>>) target(%dma_start3A_402 : memref<32x768xf32, #tpu.memory_space<hbm>>) target_semaphore(%arg27 : memref<!tpu.dma_semaphore, #tpu.memory_space<semaphore_mem>>)
    %dma_start3A_403 = arith.constant 0 : i32
    %dma_start3A_404 = tpu.memref_slice %arg10[%add3A_393, %dma_start3A_403] : memref<8192x768xf32, #tpu.memory_space<hbm>> -> memref<32x768xf32, #tpu.memory_space<hbm>>
    %dma_start3A_405 = arith.constant 0 : i32
    %dma_start3A_406 = tpu.memref_slice %arg10[%add3A_393, %dma_start3A_405] : memref<8192x768xf32, #tpu.memory_space<hbm>> -> memref<32x768xf32, #tpu.memory_space<hbm>>
    tpu.enqueue_dma source(%arg17 : memref<32x768xf32, #tpu.memory_space<vmem>>) target(%dma_start3A_406 : memref<32x768xf32, #tpu.memory_space<hbm>>) target_semaphore(%arg32 : memref<!tpu.dma_semaphore, #tpu.memory_space<semaphore_mem>>)
    %dma_wait3A_407 = arith.constant 0 : i32
    %dma_wait3A_408 = tpu.memref_slice %arg7[%add3A_337, %dma_wait3A_407] : memref<8192x768xf32, #tpu.memory_space<hbm>> -> memref<32x768xf32, #tpu.memory_space<hbm>>
    %dma_wait3A_409 = arith.constant 0 : i32
    %dma_wait3A_410 = tpu.memref_slice %arg7[%add3A_337, %dma_wait3A_409] : memref<8192x768xf32, #tpu.memory_space<hbm>> -> memref<32x768xf32, #tpu.memory_space<hbm>>
    tpu.wait_dma2 semaphore(%arg25 : memref<!tpu.dma_semaphore, #tpu.memory_space<semaphore_mem>>) src(%arg15 : memref<32x768xf32, #tpu.memory_space<vmem>>) dst(%dma_wait3A_410 : memref<32x768xf32, #tpu.memory_space<hbm>>)
    %dma_wait3A_411 = arith.constant 0 : i32
    %dma_wait3A_412 = tpu.memref_slice %arg10[%add3A_337, %dma_wait3A_411] : memref<8192x768xf32, #tpu.memory_space<hbm>> -> memref<32x768xf32, #tpu.memory_space<hbm>>
    %dma_wait3A_413 = arith.constant 0 : i32
    %dma_wait3A_414 = tpu.memref_slice %arg10[%add3A_337, %dma_wait3A_413] : memref<8192x768xf32, #tpu.memory_space<hbm>> -> memref<32x768xf32, #tpu.memory_space<hbm>>
    tpu.wait_dma2 semaphore(%arg30 : memref<!tpu.dma_semaphore, #tpu.memory_space<semaphore_mem>>) src(%arg15 : memref<32x768xf32, #tpu.memory_space<vmem>>) dst(%dma_wait3A_414 : memref<32x768xf32, #tpu.memory_space<hbm>>)
    %dma_start3A_415 = arith.constant 32 : i32
    %dma_start3A_416 = tpu.memref_slice %arg12[%dma_start3A_415] : memref<256xi32, #tpu.memory_space<vmem>> -> memref<32xi32, #tpu.memory_space<vmem>>
    %dma_start3A_417 = arith.constant 0 : i32
    %dma_start3A_418 = arith.constant 0 : i32
    %dma_start3A_419 = tpu.memref_slice %arg4[%dma_start3A_417, %dma_start3A_418] : memref<100000x768xf32, #tpu.memory_space<hbm>> -> memref<100000x768xf32, #tpu.memory_space<hbm>>
    tpu.enqueue_indirect_dma source(%dma_start3A_419 : memref<100000x768xf32, #tpu.memory_space<hbm>>) target(%arg15 : memref<32x768xf32, #tpu.memory_space<vmem>>) offsets(%dma_start3A_416 : memref<32xi32, #tpu.memory_space<vmem>>) semaphore(%arg20 : memref<!tpu.dma_semaphore, #tpu.memory_space<semaphore_mem>>)
    %add3A_420 = arith.constant 224 : i32
    %add3A_421 = arith.addi %mul3A_2, %add3A_420 : i32
    %dma_wait3A_422 = arith.constant 224 : i32
    %dma_wait3A_423 = tpu.memref_slice %arg12[%dma_wait3A_422] : memref<256xi32, #tpu.memory_space<vmem>> -> memref<32xi32, #tpu.memory_space<vmem>>
    %dma_wait3A_424 = arith.constant 0 : i32
    %dma_wait3A_425 = arith.constant 0 : i32
    %dma_wait3A_426 = tpu.memref_slice %arg3[%dma_wait3A_424, %dma_wait3A_425] : memref<100000x768xf32, #tpu.memory_space<hbm>> -> memref<100000x768xf32, #tpu.memory_space<hbm>>
    tpu.wait_indirect_dma semaphore(%arg18 : memref<!tpu.dma_semaphore, #tpu.memory_space<semaphore_mem>>) src(%dma_wait3A_426 : memref<100000x768xf32, #tpu.memory_space<hbm>>) dst(%arg13 : memref<32x768xf32, #tpu.memory_space<vmem>>)
    %dma_start3A_427 = arith.constant 0 : i32
    %dma_start3A_428 = tpu.memref_slice %arg7[%add3A_421, %dma_start3A_427] : memref<8192x768xf32, #tpu.memory_space<hbm>> -> memref<32x768xf32, #tpu.memory_space<hbm>>
    %dma_start3A_429 = arith.constant 0 : i32
    %dma_start3A_430 = tpu.memref_slice %arg7[%add3A_421, %dma_start3A_429] : memref<8192x768xf32, #tpu.memory_space<hbm>> -> memref<32x768xf32, #tpu.memory_space<hbm>>
    tpu.enqueue_dma source(%arg13 : memref<32x768xf32, #tpu.memory_space<vmem>>) target(%dma_start3A_430 : memref<32x768xf32, #tpu.memory_space<hbm>>) target_semaphore(%arg23 : memref<!tpu.dma_semaphore, #tpu.memory_space<semaphore_mem>>)
    %dma_start3A_431 = arith.constant 0 : i32
    %dma_start3A_432 = tpu.memref_slice %arg10[%add3A_421, %dma_start3A_431] : memref<8192x768xf32, #tpu.memory_space<hbm>> -> memref<32x768xf32, #tpu.memory_space<hbm>>
    %dma_start3A_433 = arith.constant 0 : i32
    %dma_start3A_434 = tpu.memref_slice %arg10[%add3A_421, %dma_start3A_433] : memref<8192x768xf32, #tpu.memory_space<hbm>> -> memref<32x768xf32, #tpu.memory_space<hbm>>
    tpu.enqueue_dma source(%arg13 : memref<32x768xf32, #tpu.memory_space<vmem>>) target(%dma_start3A_434 : memref<32x768xf32, #tpu.memory_space<hbm>>) target_semaphore(%arg28 : memref<!tpu.dma_semaphore, #tpu.memory_space<semaphore_mem>>)
    %dma_wait3A_435 = arith.constant 0 : i32
    %dma_wait3A_436 = tpu.memref_slice %arg7[%add3A_365, %dma_wait3A_435] : memref<8192x768xf32, #tpu.memory_space<hbm>> -> memref<32x768xf32, #tpu.memory_space<hbm>>
    %dma_wait3A_437 = arith.constant 0 : i32
    %dma_wait3A_438 = tpu.memref_slice %arg7[%add3A_365, %dma_wait3A_437] : memref<8192x768xf32, #tpu.memory_space<hbm>> -> memref<32x768xf32, #tpu.memory_space<hbm>>
    tpu.wait_dma2 semaphore(%arg26 : memref<!tpu.dma_semaphore, #tpu.memory_space<semaphore_mem>>) src(%arg16 : memref<32x768xf32, #tpu.memory_space<vmem>>) dst(%dma_wait3A_438 : memref<32x768xf32, #tpu.memory_space<hbm>>)
    %dma_wait3A_439 = arith.constant 0 : i32
    %dma_wait3A_440 = tpu.memref_slice %arg10[%add3A_365, %dma_wait3A_439] : memref<8192x768xf32, #tpu.memory_space<hbm>> -> memref<32x768xf32, #tpu.memory_space<hbm>>
    %dma_wait3A_441 = arith.constant 0 : i32
    %dma_wait3A_442 = tpu.memref_slice %arg10[%add3A_365, %dma_wait3A_441] : memref<8192x768xf32, #tpu.memory_space<hbm>> -> memref<32x768xf32, #tpu.memory_space<hbm>>
    tpu.wait_dma2 semaphore(%arg31 : memref<!tpu.dma_semaphore, #tpu.memory_space<semaphore_mem>>) src(%arg16 : memref<32x768xf32, #tpu.memory_space<vmem>>) dst(%dma_wait3A_442 : memref<32x768xf32, #tpu.memory_space<hbm>>)
    %dma_start3A_443 = arith.constant 64 : i32
    %dma_start3A_444 = tpu.memref_slice %arg12[%dma_start3A_443] : memref<256xi32, #tpu.memory_space<vmem>> -> memref<32xi32, #tpu.memory_space<vmem>>
    %dma_start3A_445 = arith.constant 0 : i32
    %dma_start3A_446 = arith.constant 0 : i32
    %dma_start3A_447 = tpu.memref_slice %arg4[%dma_start3A_445, %dma_start3A_446] : memref<100000x768xf32, #tpu.memory_space<hbm>> -> memref<100000x768xf32, #tpu.memory_space<hbm>>
    tpu.enqueue_indirect_dma source(%dma_start3A_447 : memref<100000x768xf32, #tpu.memory_space<hbm>>) target(%arg16 : memref<32x768xf32, #tpu.memory_space<vmem>>) offsets(%dma_start3A_444 : memref<32xi32, #tpu.memory_space<vmem>>) semaphore(%arg21 : memref<!tpu.dma_semaphore, #tpu.memory_space<semaphore_mem>>)
    %add3A_448 = arith.constant 0 : i32
    %add3A_449 = arith.addi %mul3A_2, %add3A_448 : i32
    %dma_wait3A_450 = arith.constant 0 : i32
    %dma_wait3A_451 = tpu.memref_slice %arg12[%dma_wait3A_450] : memref<256xi32, #tpu.memory_space<vmem>> -> memref<32xi32, #tpu.memory_space<vmem>>
    %dma_wait3A_452 = arith.constant 0 : i32
    %dma_wait3A_453 = arith.constant 0 : i32
    %dma_wait3A_454 = tpu.memref_slice %arg4[%dma_wait3A_452, %dma_wait3A_453] : memref<100000x768xf32, #tpu.memory_space<hbm>> -> memref<100000x768xf32, #tpu.memory_space<hbm>>
    tpu.wait_indirect_dma semaphore(%arg19 : memref<!tpu.dma_semaphore, #tpu.memory_space<semaphore_mem>>) src(%dma_wait3A_454 : memref<100000x768xf32, #tpu.memory_space<hbm>>) dst(%arg14 : memref<32x768xf32, #tpu.memory_space<vmem>>)
    %dma_start3A_455 = arith.constant 0 : i32
    %dma_start3A_456 = tpu.memref_slice %arg8[%add3A_449, %dma_start3A_455] : memref<8192x768xf32, #tpu.memory_space<hbm>> -> memref<32x768xf32, #tpu.memory_space<hbm>>
    %dma_start3A_457 = arith.constant 0 : i32
    %dma_start3A_458 = tpu.memref_slice %arg8[%add3A_449, %dma_start3A_457] : memref<8192x768xf32, #tpu.memory_space<hbm>> -> memref<32x768xf32, #tpu.memory_space<hbm>>
    tpu.enqueue_dma source(%arg14 : memref<32x768xf32, #tpu.memory_space<vmem>>) target(%dma_start3A_458 : memref<32x768xf32, #tpu.memory_space<hbm>>) target_semaphore(%arg24 : memref<!tpu.dma_semaphore, #tpu.memory_space<semaphore_mem>>)
    %dma_start3A_459 = arith.constant 0 : i32
    %dma_start3A_460 = tpu.memref_slice %arg9[%add3A_449, %dma_start3A_459] : memref<8192x768xf32, #tpu.memory_space<hbm>> -> memref<32x768xf32, #tpu.memory_space<hbm>>
    %dma_start3A_461 = arith.constant 0 : i32
    %dma_start3A_462 = tpu.memref_slice %arg9[%add3A_449, %dma_start3A_461] : memref<8192x768xf32, #tpu.memory_space<hbm>> -> memref<32x768xf32, #tpu.memory_space<hbm>>
    tpu.enqueue_dma source(%arg14 : memref<32x768xf32, #tpu.memory_space<vmem>>) target(%dma_start3A_462 : memref<32x768xf32, #tpu.memory_space<hbm>>) target_semaphore(%arg29 : memref<!tpu.dma_semaphore, #tpu.memory_space<semaphore_mem>>)
    %dma_wait3A_463 = arith.constant 0 : i32
    %dma_wait3A_464 = tpu.memref_slice %arg7[%add3A_393, %dma_wait3A_463] : memref<8192x768xf32, #tpu.memory_space<hbm>> -> memref<32x768xf32, #tpu.memory_space<hbm>>
    %dma_wait3A_465 = arith.constant 0 : i32
    %dma_wait3A_466 = tpu.memref_slice %arg7[%add3A_393, %dma_wait3A_465] : memref<8192x768xf32, #tpu.memory_space<hbm>> -> memref<32x768xf32, #tpu.memory_space<hbm>>
    tpu.wait_dma2 semaphore(%arg27 : memref<!tpu.dma_semaphore, #tpu.memory_space<semaphore_mem>>) src(%arg17 : memref<32x768xf32, #tpu.memory_space<vmem>>) dst(%dma_wait3A_466 : memref<32x768xf32, #tpu.memory_space<hbm>>)
    %dma_wait3A_467 = arith.constant 0 : i32
    %dma_wait3A_468 = tpu.memref_slice %arg10[%add3A_393, %dma_wait3A_467] : memref<8192x768xf32, #tpu.memory_space<hbm>> -> memref<32x768xf32, #tpu.memory_space<hbm>>
    %dma_wait3A_469 = arith.constant 0 : i32
    %dma_wait3A_470 = tpu.memref_slice %arg10[%add3A_393, %dma_wait3A_469] : memref<8192x768xf32, #tpu.memory_space<hbm>> -> memref<32x768xf32, #tpu.memory_space<hbm>>
    tpu.wait_dma2 semaphore(%arg32 : memref<!tpu.dma_semaphore, #tpu.memory_space<semaphore_mem>>) src(%arg17 : memref<32x768xf32, #tpu.memory_space<vmem>>) dst(%dma_wait3A_470 : memref<32x768xf32, #tpu.memory_space<hbm>>)
    %dma_start3A_471 = arith.constant 96 : i32
    %dma_start3A_472 = tpu.memref_slice %arg12[%dma_start3A_471] : memref<256xi32, #tpu.memory_space<vmem>> -> memref<32xi32, #tpu.memory_space<vmem>>
    %dma_start3A_473 = arith.constant 0 : i32
    %dma_start3A_474 = arith.constant 0 : i32
    %dma_start3A_475 = tpu.memref_slice %arg4[%dma_start3A_473, %dma_start3A_474] : memref<100000x768xf32, #tpu.memory_space<hbm>> -> memref<100000x768xf32, #tpu.memory_space<hbm>>
    tpu.enqueue_indirect_dma source(%dma_start3A_475 : memref<100000x768xf32, #tpu.memory_space<hbm>>) target(%arg17 : memref<32x768xf32, #tpu.memory_space<vmem>>) offsets(%dma_start3A_472 : memref<32xi32, #tpu.memory_space<vmem>>) semaphore(%arg22 : memref<!tpu.dma_semaphore, #tpu.memory_space<semaphore_mem>>)
    %add3A_476 = arith.constant 32 : i32
    %add3A_477 = arith.addi %mul3A_2, %add3A_476 : i32
    %dma_wait3A_478 = arith.constant 32 : i32
    %dma_wait3A_479 = tpu.memref_slice %arg12[%dma_wait3A_478] : memref<256xi32, #tpu.memory_space<vmem>> -> memref<32xi32, #tpu.memory_space<vmem>>
    %dma_wait3A_480 = arith.constant 0 : i32
    %dma_wait3A_481 = arith.constant 0 : i32
    %dma_wait3A_482 = tpu.memref_slice %arg4[%dma_wait3A_480, %dma_wait3A_481] : memref<100000x768xf32, #tpu.memory_space<hbm>> -> memref<100000x768xf32, #tpu.memory_space<hbm>>
    tpu.wait_indirect_dma semaphore(%arg20 : memref<!tpu.dma_semaphore, #tpu.memory_space<semaphore_mem>>) src(%dma_wait3A_482 : memref<100000x768xf32, #tpu.memory_space<hbm>>) dst(%arg15 : memref<32x768xf32, #tpu.memory_space<vmem>>)
    %dma_start3A_483 = arith.constant 0 : i32
    %dma_start3A_484 = tpu.memref_slice %arg8[%add3A_477, %dma_start3A_483] : memref<8192x768xf32, #tpu.memory_space<hbm>> -> memref<32x768xf32, #tpu.memory_space<hbm>>
    %dma_start3A_485 = arith.constant 0 : i32
    %dma_start3A_486 = tpu.memref_slice %arg8[%add3A_477, %dma_start3A_485] : memref<8192x768xf32, #tpu.memory_space<hbm>> -> memref<32x768xf32, #tpu.memory_space<hbm>>
    tpu.enqueue_dma source(%arg15 : memref<32x768xf32, #tpu.memory_space<vmem>>) target(%dma_start3A_486 : memref<32x768xf32, #tpu.memory_space<hbm>>) target_semaphore(%arg25 : memref<!tpu.dma_semaphore, #tpu.memory_space<semaphore_mem>>)
    %dma_start3A_487 = arith.constant 0 : i32
    %dma_start3A_488 = tpu.memref_slice %arg9[%add3A_477, %dma_start3A_487] : memref<8192x768xf32, #tpu.memory_space<hbm>> -> memref<32x768xf32, #tpu.memory_space<hbm>>
    %dma_start3A_489 = arith.constant 0 : i32
    %dma_start3A_490 = tpu.memref_slice %arg9[%add3A_477, %dma_start3A_489] : memref<8192x768xf32, #tpu.memory_space<hbm>> -> memref<32x768xf32, #tpu.memory_space<hbm>>
    tpu.enqueue_dma source(%arg15 : memref<32x768xf32, #tpu.memory_space<vmem>>) target(%dma_start3A_490 : memref<32x768xf32, #tpu.memory_space<hbm>>) target_semaphore(%arg30 : memref<!tpu.dma_semaphore, #tpu.memory_space<semaphore_mem>>)
    %dma_wait3A_491 = arith.constant 0 : i32
    %dma_wait3A_492 = tpu.memref_slice %arg7[%add3A_421, %dma_wait3A_491] : memref<8192x768xf32, #tpu.memory_space<hbm>> -> memref<32x768xf32, #tpu.memory_space<hbm>>
    %dma_wait3A_493 = arith.constant 0 : i32
    %dma_wait3A_494 = tpu.memref_slice %arg7[%add3A_421, %dma_wait3A_493] : memref<8192x768xf32, #tpu.memory_space<hbm>> -> memref<32x768xf32, #tpu.memory_space<hbm>>
    tpu.wait_dma2 semaphore(%arg23 : memref<!tpu.dma_semaphore, #tpu.memory_space<semaphore_mem>>) src(%arg13 : memref<32x768xf32, #tpu.memory_space<vmem>>) dst(%dma_wait3A_494 : memref<32x768xf32, #tpu.memory_space<hbm>>)
    %dma_wait3A_495 = arith.constant 0 : i32
    %dma_wait3A_496 = tpu.memref_slice %arg10[%add3A_421, %dma_wait3A_495] : memref<8192x768xf32, #tpu.memory_space<hbm>> -> memref<32x768xf32, #tpu.memory_space<hbm>>
    %dma_wait3A_497 = arith.constant 0 : i32
    %dma_wait3A_498 = tpu.memref_slice %arg10[%add3A_421, %dma_wait3A_497] : memref<8192x768xf32, #tpu.memory_space<hbm>> -> memref<32x768xf32, #tpu.memory_space<hbm>>
    tpu.wait_dma2 semaphore(%arg28 : memref<!tpu.dma_semaphore, #tpu.memory_space<semaphore_mem>>) src(%arg13 : memref<32x768xf32, #tpu.memory_space<vmem>>) dst(%dma_wait3A_498 : memref<32x768xf32, #tpu.memory_space<hbm>>)
    %dma_start3A_499 = arith.constant 128 : i32
    %dma_start3A_500 = tpu.memref_slice %arg12[%dma_start3A_499] : memref<256xi32, #tpu.memory_space<vmem>> -> memref<32xi32, #tpu.memory_space<vmem>>
    %dma_start3A_501 = arith.constant 0 : i32
    %dma_start3A_502 = arith.constant 0 : i32
    %dma_start3A_503 = tpu.memref_slice %arg4[%dma_start3A_501, %dma_start3A_502] : memref<100000x768xf32, #tpu.memory_space<hbm>> -> memref<100000x768xf32, #tpu.memory_space<hbm>>
    tpu.enqueue_indirect_dma source(%dma_start3A_503 : memref<100000x768xf32, #tpu.memory_space<hbm>>) target(%arg13 : memref<32x768xf32, #tpu.memory_space<vmem>>) offsets(%dma_start3A_500 : memref<32xi32, #tpu.memory_space<vmem>>) semaphore(%arg18 : memref<!tpu.dma_semaphore, #tpu.memory_space<semaphore_mem>>)
    %add3A_504 = arith.constant 64 : i32
    %add3A_505 = arith.addi %mul3A_2, %add3A_504 : i32
    %dma_wait3A_506 = arith.constant 64 : i32
    %dma_wait3A_507 = tpu.memref_slice %arg12[%dma_wait3A_506] : memref<256xi32, #tpu.memory_space<vmem>> -> memref<32xi32, #tpu.memory_space<vmem>>
    %dma_wait3A_508 = arith.constant 0 : i32
    %dma_wait3A_509 = arith.constant 0 : i32
    %dma_wait3A_510 = tpu.memref_slice %arg4[%dma_wait3A_508, %dma_wait3A_509] : memref<100000x768xf32, #tpu.memory_space<hbm>> -> memref<100000x768xf32, #tpu.memory_space<hbm>>
    tpu.wait_indirect_dma semaphore(%arg21 : memref<!tpu.dma_semaphore, #tpu.memory_space<semaphore_mem>>) src(%dma_wait3A_510 : memref<100000x768xf32, #tpu.memory_space<hbm>>) dst(%arg16 : memref<32x768xf32, #tpu.memory_space<vmem>>)
    %dma_start3A_511 = arith.constant 0 : i32
    %dma_start3A_512 = tpu.memref_slice %arg8[%add3A_505, %dma_start3A_511] : memref<8192x768xf32, #tpu.memory_space<hbm>> -> memref<32x768xf32, #tpu.memory_space<hbm>>
    %dma_start3A_513 = arith.constant 0 : i32
    %dma_start3A_514 = tpu.memref_slice %arg8[%add3A_505, %dma_start3A_513] : memref<8192x768xf32, #tpu.memory_space<hbm>> -> memref<32x768xf32, #tpu.memory_space<hbm>>
    tpu.enqueue_dma source(%arg16 : memref<32x768xf32, #tpu.memory_space<vmem>>) target(%dma_start3A_514 : memref<32x768xf32, #tpu.memory_space<hbm>>) target_semaphore(%arg26 : memref<!tpu.dma_semaphore, #tpu.memory_space<semaphore_mem>>)
    %dma_start3A_515 = arith.constant 0 : i32
    %dma_start3A_516 = tpu.memref_slice %arg9[%add3A_505, %dma_start3A_515] : memref<8192x768xf32, #tpu.memory_space<hbm>> -> memref<32x768xf32, #tpu.memory_space<hbm>>
    %dma_start3A_517 = arith.constant 0 : i32
    %dma_start3A_518 = tpu.memref_slice %arg9[%add3A_505, %dma_start3A_517] : memref<8192x768xf32, #tpu.memory_space<hbm>> -> memref<32x768xf32, #tpu.memory_space<hbm>>
    tpu.enqueue_dma source(%arg16 : memref<32x768xf32, #tpu.memory_space<vmem>>) target(%dma_start3A_518 : memref<32x768xf32, #tpu.memory_space<hbm>>) target_semaphore(%arg31 : memref<!tpu.dma_semaphore, #tpu.memory_space<semaphore_mem>>)
    %dma_wait3A_519 = arith.constant 0 : i32
    %dma_wait3A_520 = tpu.memref_slice %arg8[%add3A_449, %dma_wait3A_519] : memref<8192x768xf32, #tpu.memory_space<hbm>> -> memref<32x768xf32, #tpu.memory_space<hbm>>
    %dma_wait3A_521 = arith.constant 0 : i32
    %dma_wait3A_522 = tpu.memref_slice %arg8[%add3A_449, %dma_wait3A_521] : memref<8192x768xf32, #tpu.memory_space<hbm>> -> memref<32x768xf32, #tpu.memory_space<hbm>>
    tpu.wait_dma2 semaphore(%arg24 : memref<!tpu.dma_semaphore, #tpu.memory_space<semaphore_mem>>) src(%arg14 : memref<32x768xf32, #tpu.memory_space<vmem>>) dst(%dma_wait3A_522 : memref<32x768xf32, #tpu.memory_space<hbm>>)
    %dma_wait3A_523 = arith.constant 0 : i32
    %dma_wait3A_524 = tpu.memref_slice %arg9[%add3A_449, %dma_wait3A_523] : memref<8192x768xf32, #tpu.memory_space<hbm>> -> memref<32x768xf32, #tpu.memory_space<hbm>>
    %dma_wait3A_525 = arith.constant 0 : i32
    %dma_wait3A_526 = tpu.memref_slice %arg9[%add3A_449, %dma_wait3A_525] : memref<8192x768xf32, #tpu.memory_space<hbm>> -> memref<32x768xf32, #tpu.memory_space<hbm>>
    tpu.wait_dma2 semaphore(%arg29 : memref<!tpu.dma_semaphore, #tpu.memory_space<semaphore_mem>>) src(%arg14 : memref<32x768xf32, #tpu.memory_space<vmem>>) dst(%dma_wait3A_526 : memref<32x768xf32, #tpu.memory_space<hbm>>)
    %dma_start3A_527 = arith.constant 160 : i32
    %dma_start3A_528 = tpu.memref_slice %arg12[%dma_start3A_527] : memref<256xi32, #tpu.memory_space<vmem>> -> memref<32xi32, #tpu.memory_space<vmem>>
    %dma_start3A_529 = arith.constant 0 : i32
    %dma_start3A_530 = arith.constant 0 : i32
    %dma_start3A_531 = tpu.memref_slice %arg4[%dma_start3A_529, %dma_start3A_530] : memref<100000x768xf32, #tpu.memory_space<hbm>> -> memref<100000x768xf32, #tpu.memory_space<hbm>>
    tpu.enqueue_indirect_dma source(%dma_start3A_531 : memref<100000x768xf32, #tpu.memory_space<hbm>>) target(%arg14 : memref<32x768xf32, #tpu.memory_space<vmem>>) offsets(%dma_start3A_528 : memref<32xi32, #tpu.memory_space<vmem>>) semaphore(%arg19 : memref<!tpu.dma_semaphore, #tpu.memory_space<semaphore_mem>>)
    %add3A_532 = arith.constant 96 : i32
    %add3A_533 = arith.addi %mul3A_2, %add3A_532 : i32
    %dma_wait3A_534 = arith.constant 96 : i32
    %dma_wait3A_535 = tpu.memref_slice %arg12[%dma_wait3A_534] : memref<256xi32, #tpu.memory_space<vmem>> -> memref<32xi32, #tpu.memory_space<vmem>>
    %dma_wait3A_536 = arith.constant 0 : i32
    %dma_wait3A_537 = arith.constant 0 : i32
    %dma_wait3A_538 = tpu.memref_slice %arg4[%dma_wait3A_536, %dma_wait3A_537] : memref<100000x768xf32, #tpu.memory_space<hbm>> -> memref<100000x768xf32, #tpu.memory_space<hbm>>
    tpu.wait_indirect_dma semaphore(%arg22 : memref<!tpu.dma_semaphore, #tpu.memory_space<semaphore_mem>>) src(%dma_wait3A_538 : memref<100000x768xf32, #tpu.memory_space<hbm>>) dst(%arg17 : memref<32x768xf32, #tpu.memory_space<vmem>>)
    %dma_start3A_539 = arith.constant 0 : i32
    %dma_start3A_540 = tpu.memref_slice %arg8[%add3A_533, %dma_start3A_539] : memref<8192x768xf32, #tpu.memory_space<hbm>> -> memref<32x768xf32, #tpu.memory_space<hbm>>
    %dma_start3A_541 = arith.constant 0 : i32
    %dma_start3A_542 = tpu.memref_slice %arg8[%add3A_533, %dma_start3A_541] : memref<8192x768xf32, #tpu.memory_space<hbm>> -> memref<32x768xf32, #tpu.memory_space<hbm>>
    tpu.enqueue_dma source(%arg17 : memref<32x768xf32, #tpu.memory_space<vmem>>) target(%dma_start3A_542 : memref<32x768xf32, #tpu.memory_space<hbm>>) target_semaphore(%arg27 : memref<!tpu.dma_semaphore, #tpu.memory_space<semaphore_mem>>)
    %dma_start3A_543 = arith.constant 0 : i32
    %dma_start3A_544 = tpu.memref_slice %arg9[%add3A_533, %dma_start3A_543] : memref<8192x768xf32, #tpu.memory_space<hbm>> -> memref<32x768xf32, #tpu.memory_space<hbm>>
    %dma_start3A_545 = arith.constant 0 : i32
    %dma_start3A_546 = tpu.memref_slice %arg9[%add3A_533, %dma_start3A_545] : memref<8192x768xf32, #tpu.memory_space<hbm>> -> memref<32x768xf32, #tpu.memory_space<hbm>>
    tpu.enqueue_dma source(%arg17 : memref<32x768xf32, #tpu.memory_space<vmem>>) target(%dma_start3A_546 : memref<32x768xf32, #tpu.memory_space<hbm>>) target_semaphore(%arg32 : memref<!tpu.dma_semaphore, #tpu.memory_space<semaphore_mem>>)
    %dma_wait3A_547 = arith.constant 0 : i32
    %dma_wait3A_548 = tpu.memref_slice %arg8[%add3A_477, %dma_wait3A_547] : memref<8192x768xf32, #tpu.memory_space<hbm>> -> memref<32x768xf32, #tpu.memory_space<hbm>>
    %dma_wait3A_549 = arith.constant 0 : i32
    %dma_wait3A_550 = tpu.memref_slice %arg8[%add3A_477, %dma_wait3A_549] : memref<8192x768xf32, #tpu.memory_space<hbm>> -> memref<32x768xf32, #tpu.memory_space<hbm>>
    tpu.wait_dma2 semaphore(%arg25 : memref<!tpu.dma_semaphore, #tpu.memory_space<semaphore_mem>>) src(%arg15 : memref<32x768xf32, #tpu.memory_space<vmem>>) dst(%dma_wait3A_550 : memref<32x768xf32, #tpu.memory_space<hbm>>)
    %dma_wait3A_551 = arith.constant 0 : i32
    %dma_wait3A_552 = tpu.memref_slice %arg9[%add3A_477, %dma_wait3A_551] : memref<8192x768xf32, #tpu.memory_space<hbm>> -> memref<32x768xf32, #tpu.memory_space<hbm>>
    %dma_wait3A_553 = arith.constant 0 : i32
    %dma_wait3A_554 = tpu.memref_slice %arg9[%add3A_477, %dma_wait3A_553] : memref<8192x768xf32, #tpu.memory_space<hbm>> -> memref<32x768xf32, #tpu.memory_space<hbm>>
    tpu.wait_dma2 semaphore(%arg30 : memref<!tpu.dma_semaphore, #tpu.memory_space<semaphore_mem>>) src(%arg15 : memref<32x768xf32, #tpu.memory_space<vmem>>) dst(%dma_wait3A_554 : memref<32x768xf32, #tpu.memory_space<hbm>>)
    %dma_start3A_555 = arith.constant 192 : i32
    %dma_start3A_556 = tpu.memref_slice %arg12[%dma_start3A_555] : memref<256xi32, #tpu.memory_space<vmem>> -> memref<32xi32, #tpu.memory_space<vmem>>
    %dma_start3A_557 = arith.constant 0 : i32
    %dma_start3A_558 = arith.constant 0 : i32
    %dma_start3A_559 = tpu.memref_slice %arg4[%dma_start3A_557, %dma_start3A_558] : memref<100000x768xf32, #tpu.memory_space<hbm>> -> memref<100000x768xf32, #tpu.memory_space<hbm>>
    tpu.enqueue_indirect_dma source(%dma_start3A_559 : memref<100000x768xf32, #tpu.memory_space<hbm>>) target(%arg15 : memref<32x768xf32, #tpu.memory_space<vmem>>) offsets(%dma_start3A_556 : memref<32xi32, #tpu.memory_space<vmem>>) semaphore(%arg20 : memref<!tpu.dma_semaphore, #tpu.memory_space<semaphore_mem>>)
    %add3A_560 = arith.constant 128 : i32
    %add3A_561 = arith.addi %mul3A_2, %add3A_560 : i32
    %dma_wait3A_562 = arith.constant 128 : i32
    %dma_wait3A_563 = tpu.memref_slice %arg12[%dma_wait3A_562] : memref<256xi32, #tpu.memory_space<vmem>> -> memref<32xi32, #tpu.memory_space<vmem>>
    %dma_wait3A_564 = arith.constant 0 : i32
    %dma_wait3A_565 = arith.constant 0 : i32
    %dma_wait3A_566 = tpu.memref_slice %arg4[%dma_wait3A_564, %dma_wait3A_565] : memref<100000x768xf32, #tpu.memory_space<hbm>> -> memref<100000x768xf32, #tpu.memory_space<hbm>>
    tpu.wait_indirect_dma semaphore(%arg18 : memref<!tpu.dma_semaphore, #tpu.memory_space<semaphore_mem>>) src(%dma_wait3A_566 : memref<100000x768xf32, #tpu.memory_space<hbm>>) dst(%arg13 : memref<32x768xf32, #tpu.memory_space<vmem>>)
    %dma_start3A_567 = arith.constant 0 : i32
    %dma_start3A_568 = tpu.memref_slice %arg8[%add3A_561, %dma_start3A_567] : memref<8192x768xf32, #tpu.memory_space<hbm>> -> memref<32x768xf32, #tpu.memory_space<hbm>>
    %dma_start3A_569 = arith.constant 0 : i32
    %dma_start3A_570 = tpu.memref_slice %arg8[%add3A_561, %dma_start3A_569] : memref<8192x768xf32, #tpu.memory_space<hbm>> -> memref<32x768xf32, #tpu.memory_space<hbm>>
    tpu.enqueue_dma source(%arg13 : memref<32x768xf32, #tpu.memory_space<vmem>>) target(%dma_start3A_570 : memref<32x768xf32, #tpu.memory_space<hbm>>) target_semaphore(%arg23 : memref<!tpu.dma_semaphore, #tpu.memory_space<semaphore_mem>>)
    %dma_start3A_571 = arith.constant 0 : i32
    %dma_start3A_572 = tpu.memref_slice %arg9[%add3A_561, %dma_start3A_571] : memref<8192x768xf32, #tpu.memory_space<hbm>> -> memref<32x768xf32, #tpu.memory_space<hbm>>
    %dma_start3A_573 = arith.constant 0 : i32
    %dma_start3A_574 = tpu.memref_slice %arg9[%add3A_561, %dma_start3A_573] : memref<8192x768xf32, #tpu.memory_space<hbm>> -> memref<32x768xf32, #tpu.memory_space<hbm>>
    tpu.enqueue_dma source(%arg13 : memref<32x768xf32, #tpu.memory_space<vmem>>) target(%dma_start3A_574 : memref<32x768xf32, #tpu.memory_space<hbm>>) target_semaphore(%arg28 : memref<!tpu.dma_semaphore, #tpu.memory_space<semaphore_mem>>)
    %dma_wait3A_575 = arith.constant 0 : i32
    %dma_wait3A_576 = tpu.memref_slice %arg8[%add3A_505, %dma_wait3A_575] : memref<8192x768xf32, #tpu.memory_space<hbm>> -> memref<32x768xf32, #tpu.memory_space<hbm>>
    %dma_wait3A_577 = arith.constant 0 : i32
    %dma_wait3A_578 = tpu.memref_slice %arg8[%add3A_505, %dma_wait3A_577] : memref<8192x768xf32, #tpu.memory_space<hbm>> -> memref<32x768xf32, #tpu.memory_space<hbm>>
    tpu.wait_dma2 semaphore(%arg26 : memref<!tpu.dma_semaphore, #tpu.memory_space<semaphore_mem>>) src(%arg16 : memref<32x768xf32, #tpu.memory_space<vmem>>) dst(%dma_wait3A_578 : memref<32x768xf32, #tpu.memory_space<hbm>>)
    %dma_wait3A_579 = arith.constant 0 : i32
    %dma_wait3A_580 = tpu.memref_slice %arg9[%add3A_505, %dma_wait3A_579] : memref<8192x768xf32, #tpu.memory_space<hbm>> -> memref<32x768xf32, #tpu.memory_space<hbm>>
    %dma_wait3A_581 = arith.constant 0 : i32
    %dma_wait3A_582 = tpu.memref_slice %arg9[%add3A_505, %dma_wait3A_581] : memref<8192x768xf32, #tpu.memory_space<hbm>> -> memref<32x768xf32, #tpu.memory_space<hbm>>
    tpu.wait_dma2 semaphore(%arg31 : memref<!tpu.dma_semaphore, #tpu.memory_space<semaphore_mem>>) src(%arg16 : memref<32x768xf32, #tpu.memory_space<vmem>>) dst(%dma_wait3A_582 : memref<32x768xf32, #tpu.memory_space<hbm>>)
    %dma_start3A_583 = arith.constant 224 : i32
    %dma_start3A_584 = tpu.memref_slice %arg12[%dma_start3A_583] : memref<256xi32, #tpu.memory_space<vmem>> -> memref<32xi32, #tpu.memory_space<vmem>>
    %dma_start3A_585 = arith.constant 0 : i32
    %dma_start3A_586 = arith.constant 0 : i32
    %dma_start3A_587 = tpu.memref_slice %arg4[%dma_start3A_585, %dma_start3A_586] : memref<100000x768xf32, #tpu.memory_space<hbm>> -> memref<100000x768xf32, #tpu.memory_space<hbm>>
    tpu.enqueue_indirect_dma source(%dma_start3A_587 : memref<100000x768xf32, #tpu.memory_space<hbm>>) target(%arg16 : memref<32x768xf32, #tpu.memory_space<vmem>>) offsets(%dma_start3A_584 : memref<32xi32, #tpu.memory_space<vmem>>) semaphore(%arg21 : memref<!tpu.dma_semaphore, #tpu.memory_space<semaphore_mem>>)
    %add3A_588 = arith.constant 160 : i32
    %add3A_589 = arith.addi %mul3A_2, %add3A_588 : i32
    %dma_wait3A_590 = arith.constant 160 : i32
    %dma_wait3A_591 = tpu.memref_slice %arg12[%dma_wait3A_590] : memref<256xi32, #tpu.memory_space<vmem>> -> memref<32xi32, #tpu.memory_space<vmem>>
    %dma_wait3A_592 = arith.constant 0 : i32
    %dma_wait3A_593 = arith.constant 0 : i32
    %dma_wait3A_594 = tpu.memref_slice %arg4[%dma_wait3A_592, %dma_wait3A_593] : memref<100000x768xf32, #tpu.memory_space<hbm>> -> memref<100000x768xf32, #tpu.memory_space<hbm>>
    tpu.wait_indirect_dma semaphore(%arg19 : memref<!tpu.dma_semaphore, #tpu.memory_space<semaphore_mem>>) src(%dma_wait3A_594 : memref<100000x768xf32, #tpu.memory_space<hbm>>) dst(%arg14 : memref<32x768xf32, #tpu.memory_space<vmem>>)
    %dma_start3A_595 = arith.constant 0 : i32
    %dma_start3A_596 = tpu.memref_slice %arg8[%add3A_589, %dma_start3A_595] : memref<8192x768xf32, #tpu.memory_space<hbm>> -> memref<32x768xf32, #tpu.memory_space<hbm>>
    %dma_start3A_597 = arith.constant 0 : i32
    %dma_start3A_598 = tpu.memref_slice %arg8[%add3A_589, %dma_start3A_597] : memref<8192x768xf32, #tpu.memory_space<hbm>> -> memref<32x768xf32, #tpu.memory_space<hbm>>
    tpu.enqueue_dma source(%arg14 : memref<32x768xf32, #tpu.memory_space<vmem>>) target(%dma_start3A_598 : memref<32x768xf32, #tpu.memory_space<hbm>>) target_semaphore(%arg24 : memref<!tpu.dma_semaphore, #tpu.memory_space<semaphore_mem>>)
    %dma_start3A_599 = arith.constant 0 : i32
    %dma_start3A_600 = tpu.memref_slice %arg9[%add3A_589, %dma_start3A_599] : memref<8192x768xf32, #tpu.memory_space<hbm>> -> memref<32x768xf32, #tpu.memory_space<hbm>>
    %dma_start3A_601 = arith.constant 0 : i32
    %dma_start3A_602 = tpu.memref_slice %arg9[%add3A_589, %dma_start3A_601] : memref<8192x768xf32, #tpu.memory_space<hbm>> -> memref<32x768xf32, #tpu.memory_space<hbm>>
    tpu.enqueue_dma source(%arg14 : memref<32x768xf32, #tpu.memory_space<vmem>>) target(%dma_start3A_602 : memref<32x768xf32, #tpu.memory_space<hbm>>) target_semaphore(%arg29 : memref<!tpu.dma_semaphore, #tpu.memory_space<semaphore_mem>>)
    %add3A_603 = arith.constant 192 : i32
    %add3A_604 = arith.addi %mul3A_2, %add3A_603 : i32
    %dma_wait3A_605 = arith.constant 192 : i32
    %dma_wait3A_606 = tpu.memref_slice %arg12[%dma_wait3A_605] : memref<256xi32, #tpu.memory_space<vmem>> -> memref<32xi32, #tpu.memory_space<vmem>>
    %dma_wait3A_607 = arith.constant 0 : i32
    %dma_wait3A_608 = arith.constant 0 : i32
    %dma_wait3A_609 = tpu.memref_slice %arg4[%dma_wait3A_607, %dma_wait3A_608] : memref<100000x768xf32, #tpu.memory_space<hbm>> -> memref<100000x768xf32, #tpu.memory_space<hbm>>
    tpu.wait_indirect_dma semaphore(%arg20 : memref<!tpu.dma_semaphore, #tpu.memory_space<semaphore_mem>>) src(%dma_wait3A_609 : memref<100000x768xf32, #tpu.memory_space<hbm>>) dst(%arg15 : memref<32x768xf32, #tpu.memory_space<vmem>>)
    %dma_start3A_610 = arith.constant 0 : i32
    %dma_start3A_611 = tpu.memref_slice %arg8[%add3A_604, %dma_start3A_610] : memref<8192x768xf32, #tpu.memory_space<hbm>> -> memref<32x768xf32, #tpu.memory_space<hbm>>
    %dma_start3A_612 = arith.constant 0 : i32
    %dma_start3A_613 = tpu.memref_slice %arg8[%add3A_604, %dma_start3A_612] : memref<8192x768xf32, #tpu.memory_space<hbm>> -> memref<32x768xf32, #tpu.memory_space<hbm>>
    tpu.enqueue_dma source(%arg15 : memref<32x768xf32, #tpu.memory_space<vmem>>) target(%dma_start3A_613 : memref<32x768xf32, #tpu.memory_space<hbm>>) target_semaphore(%arg25 : memref<!tpu.dma_semaphore, #tpu.memory_space<semaphore_mem>>)
    %dma_start3A_614 = arith.constant 0 : i32
    %dma_start3A_615 = tpu.memref_slice %arg9[%add3A_604, %dma_start3A_614] : memref<8192x768xf32, #tpu.memory_space<hbm>> -> memref<32x768xf32, #tpu.memory_space<hbm>>
    %dma_start3A_616 = arith.constant 0 : i32
    %dma_start3A_617 = tpu.memref_slice %arg9[%add3A_604, %dma_start3A_616] : memref<8192x768xf32, #tpu.memory_space<hbm>> -> memref<32x768xf32, #tpu.memory_space<hbm>>
    tpu.enqueue_dma source(%arg15 : memref<32x768xf32, #tpu.memory_space<vmem>>) target(%dma_start3A_617 : memref<32x768xf32, #tpu.memory_space<hbm>>) target_semaphore(%arg30 : memref<!tpu.dma_semaphore, #tpu.memory_space<semaphore_mem>>)
    %add3A_618 = arith.constant 224 : i32
    %add3A_619 = arith.addi %mul3A_2, %add3A_618 : i32
    %dma_wait3A_620 = arith.constant 224 : i32
    %dma_wait3A_621 = tpu.memref_slice %arg12[%dma_wait3A_620] : memref<256xi32, #tpu.memory_space<vmem>> -> memref<32xi32, #tpu.memory_space<vmem>>
    %dma_wait3A_622 = arith.constant 0 : i32
    %dma_wait3A_623 = arith.constant 0 : i32
    %dma_wait3A_624 = tpu.memref_slice %arg4[%dma_wait3A_622, %dma_wait3A_623] : memref<100000x768xf32, #tpu.memory_space<hbm>> -> memref<100000x768xf32, #tpu.memory_space<hbm>>
    tpu.wait_indirect_dma semaphore(%arg21 : memref<!tpu.dma_semaphore, #tpu.memory_space<semaphore_mem>>) src(%dma_wait3A_624 : memref<100000x768xf32, #tpu.memory_space<hbm>>) dst(%arg16 : memref<32x768xf32, #tpu.memory_space<vmem>>)
    %dma_start3A_625 = arith.constant 0 : i32
    %dma_start3A_626 = tpu.memref_slice %arg8[%add3A_619, %dma_start3A_625] : memref<8192x768xf32, #tpu.memory_space<hbm>> -> memref<32x768xf32, #tpu.memory_space<hbm>>
    %dma_start3A_627 = arith.constant 0 : i32
    %dma_start3A_628 = tpu.memref_slice %arg8[%add3A_619, %dma_start3A_627] : memref<8192x768xf32, #tpu.memory_space<hbm>> -> memref<32x768xf32, #tpu.memory_space<hbm>>
    tpu.enqueue_dma source(%arg16 : memref<32x768xf32, #tpu.memory_space<vmem>>) target(%dma_start3A_628 : memref<32x768xf32, #tpu.memory_space<hbm>>) target_semaphore(%arg26 : memref<!tpu.dma_semaphore, #tpu.memory_space<semaphore_mem>>)
    %dma_start3A_629 = arith.constant 0 : i32
    %dma_start3A_630 = tpu.memref_slice %arg9[%add3A_619, %dma_start3A_629] : memref<8192x768xf32, #tpu.memory_space<hbm>> -> memref<32x768xf32, #tpu.memory_space<hbm>>
    %dma_start3A_631 = arith.constant 0 : i32
    %dma_start3A_632 = tpu.memref_slice %arg9[%add3A_619, %dma_start3A_631] : memref<8192x768xf32, #tpu.memory_space<hbm>> -> memref<32x768xf32, #tpu.memory_space<hbm>>
    tpu.enqueue_dma source(%arg16 : memref<32x768xf32, #tpu.memory_space<vmem>>) target(%dma_start3A_632 : memref<32x768xf32, #tpu.memory_space<hbm>>) target_semaphore(%arg31 : memref<!tpu.dma_semaphore, #tpu.memory_space<semaphore_mem>>)
    %dma_wait3A_633 = arith.constant 0 : i32
    %dma_wait3A_634 = tpu.memref_slice %arg8[%add3A_561, %dma_wait3A_633] : memref<8192x768xf32, #tpu.memory_space<hbm>> -> memref<32x768xf32, #tpu.memory_space<hbm>>
    %dma_wait3A_635 = arith.constant 0 : i32
    %dma_wait3A_636 = tpu.memref_slice %arg8[%add3A_561, %dma_wait3A_635] : memref<8192x768xf32, #tpu.memory_space<hbm>> -> memref<32x768xf32, #tpu.memory_space<hbm>>
    tpu.wait_dma2 semaphore(%arg23 : memref<!tpu.dma_semaphore, #tpu.memory_space<semaphore_mem>>) src(%arg13 : memref<32x768xf32, #tpu.memory_space<vmem>>) dst(%dma_wait3A_636 : memref<32x768xf32, #tpu.memory_space<hbm>>)
    %dma_wait3A_637 = arith.constant 0 : i32
    %dma_wait3A_638 = tpu.memref_slice %arg9[%add3A_561, %dma_wait3A_637] : memref<8192x768xf32, #tpu.memory_space<hbm>> -> memref<32x768xf32, #tpu.memory_space<hbm>>
    %dma_wait3A_639 = arith.constant 0 : i32
    %dma_wait3A_640 = tpu.memref_slice %arg9[%add3A_561, %dma_wait3A_639] : memref<8192x768xf32, #tpu.memory_space<hbm>> -> memref<32x768xf32, #tpu.memory_space<hbm>>
    tpu.wait_dma2 semaphore(%arg28 : memref<!tpu.dma_semaphore, #tpu.memory_space<semaphore_mem>>) src(%arg13 : memref<32x768xf32, #tpu.memory_space<vmem>>) dst(%dma_wait3A_640 : memref<32x768xf32, #tpu.memory_space<hbm>>)
    %dma_wait3A_641 = arith.constant 0 : i32
    %dma_wait3A_642 = tpu.memref_slice %arg8[%add3A_589, %dma_wait3A_641] : memref<8192x768xf32, #tpu.memory_space<hbm>> -> memref<32x768xf32, #tpu.memory_space<hbm>>
    %dma_wait3A_643 = arith.constant 0 : i32
    %dma_wait3A_644 = tpu.memref_slice %arg8[%add3A_589, %dma_wait3A_643] : memref<8192x768xf32, #tpu.memory_space<hbm>> -> memref<32x768xf32, #tpu.memory_space<hbm>>
    tpu.wait_dma2 semaphore(%arg24 : memref<!tpu.dma_semaphore, #tpu.memory_space<semaphore_mem>>) src(%arg14 : memref<32x768xf32, #tpu.memory_space<vmem>>) dst(%dma_wait3A_644 : memref<32x768xf32, #tpu.memory_space<hbm>>)
    %dma_wait3A_645 = arith.constant 0 : i32
    %dma_wait3A_646 = tpu.memref_slice %arg9[%add3A_589, %dma_wait3A_645] : memref<8192x768xf32, #tpu.memory_space<hbm>> -> memref<32x768xf32, #tpu.memory_space<hbm>>
    %dma_wait3A_647 = arith.constant 0 : i32
    %dma_wait3A_648 = tpu.memref_slice %arg9[%add3A_589, %dma_wait3A_647] : memref<8192x768xf32, #tpu.memory_space<hbm>> -> memref<32x768xf32, #tpu.memory_space<hbm>>
    tpu.wait_dma2 semaphore(%arg29 : memref<!tpu.dma_semaphore, #tpu.memory_space<semaphore_mem>>) src(%arg14 : memref<32x768xf32, #tpu.memory_space<vmem>>) dst(%dma_wait3A_648 : memref<32x768xf32, #tpu.memory_space<hbm>>)
    %dma_wait3A_649 = arith.constant 0 : i32
    %dma_wait3A_650 = tpu.memref_slice %arg8[%add3A_604, %dma_wait3A_649] : memref<8192x768xf32, #tpu.memory_space<hbm>> -> memref<32x768xf32, #tpu.memory_space<hbm>>
    %dma_wait3A_651 = arith.constant 0 : i32
    %dma_wait3A_652 = tpu.memref_slice %arg8[%add3A_604, %dma_wait3A_651] : memref<8192x768xf32, #tpu.memory_space<hbm>> -> memref<32x768xf32, #tpu.memory_space<hbm>>
    tpu.wait_dma2 semaphore(%arg25 : memref<!tpu.dma_semaphore, #tpu.memory_space<semaphore_mem>>) src(%arg15 : memref<32x768xf32, #tpu.memory_space<vmem>>) dst(%dma_wait3A_652 : memref<32x768xf32, #tpu.memory_space<hbm>>)
    %dma_wait3A_653 = arith.constant 0 : i32
    %dma_wait3A_654 = tpu.memref_slice %arg9[%add3A_604, %dma_wait3A_653] : memref<8192x768xf32, #tpu.memory_space<hbm>> -> memref<32x768xf32, #tpu.memory_space<hbm>>
    %dma_wait3A_655 = arith.constant 0 : i32
    %dma_wait3A_656 = tpu.memref_slice %arg9[%add3A_604, %dma_wait3A_655] : memref<8192x768xf32, #tpu.memory_space<hbm>> -> memref<32x768xf32, #tpu.memory_space<hbm>>
    tpu.wait_dma2 semaphore(%arg30 : memref<!tpu.dma_semaphore, #tpu.memory_space<semaphore_mem>>) src(%arg15 : memref<32x768xf32, #tpu.memory_space<vmem>>) dst(%dma_wait3A_656 : memref<32x768xf32, #tpu.memory_space<hbm>>)
    %dma_wait3A_657 = arith.constant 0 : i32
    %dma_wait3A_658 = tpu.memref_slice %arg8[%add3A_619, %dma_wait3A_657] : memref<8192x768xf32, #tpu.memory_space<hbm>> -> memref<32x768xf32, #tpu.memory_space<hbm>>
    %dma_wait3A_659 = arith.constant 0 : i32
    %dma_wait3A_660 = tpu.memref_slice %arg8[%add3A_619, %dma_wait3A_659] : memref<8192x768xf32, #tpu.memory_space<hbm>> -> memref<32x768xf32, #tpu.memory_space<hbm>>
    tpu.wait_dma2 semaphore(%arg26 : memref<!tpu.dma_semaphore, #tpu.memory_space<semaphore_mem>>) src(%arg16 : memref<32x768xf32, #tpu.memory_space<vmem>>) dst(%dma_wait3A_660 : memref<32x768xf32, #tpu.memory_space<hbm>>)
    %dma_wait3A_661 = arith.constant 0 : i32
    %dma_wait3A_662 = tpu.memref_slice %arg9[%add3A_619, %dma_wait3A_661] : memref<8192x768xf32, #tpu.memory_space<hbm>> -> memref<32x768xf32, #tpu.memory_space<hbm>>
    %dma_wait3A_663 = arith.constant 0 : i32
    %dma_wait3A_664 = tpu.memref_slice %arg9[%add3A_619, %dma_wait3A_663] : memref<8192x768xf32, #tpu.memory_space<hbm>> -> memref<32x768xf32, #tpu.memory_space<hbm>>
    tpu.wait_dma2 semaphore(%arg31 : memref<!tpu.dma_semaphore, #tpu.memory_space<semaphore_mem>>) src(%arg16 : memref<32x768xf32, #tpu.memory_space<vmem>>) dst(%dma_wait3A_664 : memref<32x768xf32, #tpu.memory_space<hbm>>)
    %dma_wait3A_665 = arith.constant 0 : i32
    %dma_wait3A_666 = tpu.memref_slice %arg8[%add3A_533, %dma_wait3A_665] : memref<8192x768xf32, #tpu.memory_space<hbm>> -> memref<32x768xf32, #tpu.memory_space<hbm>>
    %dma_wait3A_667 = arith.constant 0 : i32
    %dma_wait3A_668 = tpu.memref_slice %arg8[%add3A_533, %dma_wait3A_667] : memref<8192x768xf32, #tpu.memory_space<hbm>> -> memref<32x768xf32, #tpu.memory_space<hbm>>
    tpu.wait_dma2 semaphore(%arg27 : memref<!tpu.dma_semaphore, #tpu.memory_space<semaphore_mem>>) src(%arg17 : memref<32x768xf32, #tpu.memory_space<vmem>>) dst(%dma_wait3A_668 : memref<32x768xf32, #tpu.memory_space<hbm>>)
    %dma_wait3A_669 = arith.constant 0 : i32
    %dma_wait3A_670 = tpu.memref_slice %arg9[%add3A_533, %dma_wait3A_669] : memref<8192x768xf32, #tpu.memory_space<hbm>> -> memref<32x768xf32, #tpu.memory_space<hbm>>
    %dma_wait3A_671 = arith.constant 0 : i32
    %dma_wait3A_672 = tpu.memref_slice %arg9[%add3A_533, %dma_wait3A_671] : memref<8192x768xf32, #tpu.memory_space<hbm>> -> memref<32x768xf32, #tpu.memory_space<hbm>>
    tpu.wait_dma2 semaphore(%arg32 : memref<!tpu.dma_semaphore, #tpu.memory_space<semaphore_mem>>) src(%arg17 : memref<32x768xf32, #tpu.memory_space<vmem>>) dst(%dma_wait3A_672 : memref<32x768xf32, #tpu.memory_space<hbm>>)
    return
  }
}

</mosaic_0001>

<sc_bundles>
// kernel: _sc_gather3.3.cloned.1.call-start
scs
__scs_entry_jumppad:
0x0: {  	(pc) =	sbr.rel $0x88, $3  }
0x1: {  	(tag) =	ssettag $0x0;
	lr =	simm.s32 $0x1  }
0x2: {  	[smem:$0x3F9D] =	sst lr;
	_ =	strace $0xD0000000  }
0x3: {  	_ = 	snop  }
0x4: {  	_ = 	snop  }
0x5: {  	_ = 	snop  }
0x6: {  	_ = 	snop  }
0x7: {  	_ = 	snop  }
__scs_overlays_trampoline_lowered:
0x8: {  	[smem:$0x3FAC] =	sst s0  }
0x9: {  	[smem:$0x3FAD] =	sst s1  }
0xa: {  	[smem:$0x3FAE] =	sst s2  }
0xb: {  	[smem:$0x3FAF] =	sst s3  }
0xc: {  	[smem:$0x3FB0] =	sst s4  }
0xd: {  	[smem:$0x3FB1] =	sst s5  }
0xe: {  	[smem:$0x3FB2] =	sst s6  }
0xf: {  	[smem:$0x3FB3] =	sst s7  }
0x10: {  	[smem:$0x3FB4] =	sst s8  }
0x11: {  	[smem:$0x3FB5] =	sst s9;
	s0 =	simm.s32 @!p0 $0x0  }
0x12: {  	s1 =	sld [smem:$0x3F9B];
	s0 =	simm.s32 @p0 $0x1  }
0x13: {  	[smem:$0x3FB6] =	sst s0;
	s0 =	simm.s32 @!p1 $0x0  }
0x14: {  	s2 =	sld [smem:$0x3F9A];
	s0 =	simm.s32 @p1 $0x1  }
0x15: {  	[smem:$0x3FB7] =	sst s0;
	s0 =	simm.s32 @!p2 $0x0  }
0x16: {  	s3 =	sld [smem:$0x3FDB];
	s0 =	simm.s32 @p2 $0x1  }
0x17: {  	s4 =	simm.s32 $0x1BF5;
	[smem:$0x3FB9] =	sst s0  }
0x18: {  	s0 =	sld [smem:$0x3F9C];
	_ =	swait.ge [sflag:s4], $0x0  }
0x19: {  	s7 =	sld [smem:$0x3F9D]  }
0x1a: {  	s8 =	sadd.s32 $0xFFFFE003, lr  }
0x1b: {  	s9 =	sadd.s32 $0xFFFFFEF7, lr;
	s5 =	simm.s32 $0xFFFFFFFF;
	p2 =	slt.u32 s8, $0xFFFFF086  }
0x1c: {  	p1 =	slt.u32 s9, $0xF7A;
	s5 =	simm.s32 @!p2 $0x0  }
0x1d: {  	s5 =	simm.s32 @p1 $0x1;
	p0 =	seq.s32 s7, s2  }
0x1e: {  	s7 =	smul.u32 @!p0 $0xF7A, s2;
	p2 =	seq.s32 @!p0 s5, $0x0  }
0x1f: {  	s9 =	smul.u32 $0xF7A, s1;
	s8 =	simm.s32 @!p0 $0x1BF5;
	p2 =	por !p2, p0  }
0x20: {  	[sflag:s8] =	ssyncset.s32 @!p0 $0xFFFFF086;
	s6 =	sadd.s32 @!p0 s3, s7;
	s7 =	simm.s32 @!p0 $0x108  }
0x21: {  	s3 =	sadd.s32 s3, s9;
	s6 =	sadd.s32 @!p0 $0x88, s6;
	s7 =	simm.s32 @p2 $0x1082  }
0x22: {  	[simem:s7], [sflag:s8] =	dma.local @!p0 [hbm:s6], $0xF7A  }
0x23: {  	s9 =	sor.u32 $0xD0000000, s2;
	s6 =	simm.s32 $0x108;
	_ =	swait.ge @!p0 [sflag:s8], $0x0  }
0x24: {  	s3 =	sadd.s32 $0x88, s3;
	s6 =	simm.s32 @!p1 $0x1082;
	[sflag:s4] =	ssyncset.s32 $0xFFFFF086  }
0x25: {  	[simem:s6], [sflag:s4] =	dma.local [hbm:s3], $0xF7A  }
0x26: {  	[smem:$0x3F9D] =	sst s1;
	(tag) =	ssettag s2;
	_ =	strace s9  }
0x27: {  	s1 =	sld [smem:$0x3FAD]  }
0x28: {  	s2 =	sld [smem:$0x3FAE]  }
0x29: {  	s4 =	sld [smem:$0x3FB0]  }
0x2a: {  	p0 =	seq.s32 s5, $0x0;
	s5 =	sld [smem:$0x3FB1]  }
0x2b: {  	s6 =	sld [smem:$0x3FB2]  }
0x2c: {  	s7 =	sld [smem:$0x3FB3]  }
0x2d: {  	s3 =	simm.s32 $0x108;
	s8 =	sld [smem:$0x3FB4]  }
0x2e: {  	s3 =	simm.s32 @!p0 $0x1082;
	s9 =	sld [smem:$0x3FB5]  }
0x2f: {  	lr =	sadd.s32 s0, s3;
	s0 =	sld [smem:$0x3FAC]  }
0x30: {  	s3 =	sld [smem:$0x3FAF]  }
0x31: {  	[smem:$0x3FB8] =	sst s10  }
0x32: {  	s10 =	sld [smem:$0x3FB6];
	_ =	sdelay $0x3  }
0x33: {  	p0 =	seq.s32 s10, $0x1;
	s10 =	sld [smem:$0x3FB8];
	_ =	sdelay $0x3  }
0x34: {  	[smem:$0x3FB8] =	sst s10  }
0x35: {  	s10 =	sld [smem:$0x3FB7];
	_ =	sdelay $0x3  }
0x36: {  	p1 =	seq.s32 s10, $0x1;
	s10 =	sld [smem:$0x3FB8];
	_ =	sdelay $0x3  }
0x37: {  	[smem:$0x3FB8] =	sst s10  }
0x38: {  	s10 =	sld [smem:$0x3FB9]  }
0x39: {  	_ = 	snop;
	(pc) =	sbr.ind lr, $3  }
0x3a: {  	_ = 	snop  }
0x3b: {  	_ = 	snop  }
0x3c: {  	p2 =	seq.s32 s10, $0x1;
	s10 =	sld [smem:$0x3FB8]  }
0x3d: {  	_ =	shalt  }
0x3e: {  	_ =	shalt  }
0x3f: {  	_ =	shalt  }
0x40: {  	_ =	shalt  }
0x41: {  	_ =	shalt  }
0x42: {  	_ =	shalt  }
0x43: {  	_ =	shalt  }
0x44: {  	_ =	shalt  }
0x45: {  	_ =	shalt  }
0x46: {  	_ =	shalt  }
0x47: {  	_ =	shalt  }
0x48: {  	_ =	shalt  }
0x49: {  	_ =	shalt  }
0x4a: {  	_ =	shalt  }
0x4b: {  	_ =	shalt  }
0x4c: {  	_ =	shalt  }
0x4d: {  	_ =	shalt  }
0x4e: {  	_ =	shalt  }
0x4f: {  	_ =	shalt  }
0x50: {  	_ =	shalt  }
0x51: {  	_ =	shalt  }
0x52: {  	_ =	shalt  }
0x53: {  	_ =	shalt  }
0x54: {  	_ =	shalt  }
0x55: {  	_ =	shalt  }
0x56: {  	_ =	shalt  }
0x57: {  	_ =	shalt  }
0x58: {  	_ =	shalt  }
0x59: {  	_ =	shalt  }
0x5a: {  	_ =	shalt  }
0x5b: {  	_ =	shalt  }
0x5c: {  	_ =	shalt  }
0x5d: {  	_ =	shalt  }
0x5e: {  	_ =	shalt  }
0x5f: {  	_ =	shalt  }
0x60: {  	_ =	shalt  }
0x61: {  	_ =	shalt  }
0x62: {  	_ =	shalt  }
0x63: {  	_ =	shalt  }
0x64: {  	_ =	shalt  }
0x65: {  	_ =	shalt  }
0x66: {  	_ =	shalt  }
0x67: {  	_ =	shalt  }
0x68: {  	_ =	shalt  }
0x69: {  	_ =	shalt  }
0x6a: {  	_ =	shalt  }
0x6b: {  	_ =	shalt  }
0x6c: {  	_ =	shalt  }
0x6d: {  	_ =	shalt  }
0x6e: {  	_ =	shalt  }
0x6f: {  	_ =	shalt  }
0x70: {  	_ =	shalt  }
0x71: {  	_ =	shalt  }
0x72: {  	_ =	shalt  }
0x73: {  	_ =	shalt  }
0x74: {  	_ =	shalt  }
0x75: {  	_ =	shalt  }
0x76: {  	_ =	shalt  }
0x77: {  	_ =	shalt  }
0x78: {  	_ =	shalt  }
0x79: {  	_ =	shalt  }
0x7a: {  	_ =	shalt  }
0x7b: {  	_ =	shalt  }
0x7c: {  	_ =	shalt  }
0x7d: {  	_ =	shalt  }
0x7e: {  	_ =	shalt  }
0x7f: {  	_ =	shalt  }
0x80: {  	_ =	shalt  }
0x81: {  	_ =	shalt  }
0x82: {  	_ =	shalt  }
0x83: {  	_ =	shalt  }
0x84: {  	_ =	shalt  }
0x85: {  	_ =	shalt  }
0x86: {  	_ =	shalt  }
0x87: {  	_ =	shalt  }
.Lfunc_end0:
.L_simem_size_0:
called_computation_lowered:
.L_overlay_start_0:
0x88: {  	s2 =	sld [smem:$0x3FD9]  }
0x89: {  	s3 =	sld [smem:$0x3FFE];
	_ =	sdelay $0x1  }
0x8a: {  	s1 =	srdreg.scid  }
0x8b: {  	s0 =	sand.u32 $0x1, s1  }
0x8c: {  	s15 =	sshll.u32 s0, $0xA;
	s2 =	sadd.s32 s3, s2  }
0x8d: {  	s2 =	sadd.s32 s2, s15  }
0x8e: {  	[smem:$0x3FC4] =	sst s2  }
0x8f: {  	_ = 	snop  }
0x90: {  	s2 =	sld [smem:$0x3FC9]  }
0x91: {  	s16 =	sld [smem:$0x3FD0]  }
0x92: {  	s4 =	sld [smem:$0x3FC8]  }
0x93: {  	s5 =	sld [smem:$0x3FC7]  }
0x94: {  	s7 =	simm.s32 $0xA;
	s8 =	simm.s32 $0x10;
	s6 =	sld [smem:$0x3FC6]  }
0x95: {  	[smem:s8], [sflag:s7] =	dma.local [hbm:s16], $0x1  }
0x96: {  	_ =	swait.eq [sflag:s7], $0x1  }
0x97: {  	s17 =	sld [smem:$0x10]  }
0x98: {  	s18 =	sld [smem:$0x11]  }
0x99: {  	s9 =	sld [smem:$0x12]  }
0x9a: {  	s10 =	sld [smem:$0x13];
	[sflag:s7] =	ssyncset.done $0x0  }
0x9b: {  	s11 =	sld [smem:$0x14];
	[sflag:s7] =	ssyncadd.s32 $0xFFFFFFFF  }
0x9c: {  	s19 =	sld [smem:$0x15];
	(tm) =	ssettm $0x1  }
0x9d: {  	s12 =	sld [smem:$0x3FFB];
	_ =	sdelay $0x3  }
0x9e: {  	_ =	strace s12  }
0x9f: {  	s12 =	sld [smem:$0x3FFC];
	_ =	sdelay $0x3  }
0xa0: {  	_ =	strace s12  }
0xa1: {  	s12 =	sld [smem:$0x3FFD];
	_ =	sdelay $0x3  }
0xa2: {  	_ =	strace s12  }
0xa3: {  	_ =	strace $0x8FFFFFFF  }
0xa4: {  	s20 =	sld [smem:$0x3FDB];
	_ =	sdelay $0x1  }
0xa5: {  	s13 =	simm.s32 $_scs_section_size  }
0xa6: {  	s14 =	simm.s32 $_size__tile_overlayer_lowered;
	s15 =	simm.s32 $_tile_overlayer_lowered  }
0xa7: {  	s23 =	simm.s32 $0x1BFF;
	s22 =	sshll.u32 s15, $0x1;
	s12 =	sadd.s32 s13, s20  }
0xa8: {  	s21 =	sshll.u32 s14, $0x1;
	s16 =	simm.s32 $0x0;
	s14 =	sadd.s32 s22, s12  }
0xa9: {  	[timem:s16], [sflag:s23] =	dma.local [hbm:s14], s21  }
0xaa: {  	_ =	swait.ge [sflag:s23], s21  }
0xab: {  	s13 =	ssub.s32 $0x0, s21;
	[sflag:s23] =	ssyncset.done $0x0  }
0xac: {  	[sflag:s23] =	ssyncadd.s32 s13;
	_ =	sdelay $0x1  }
0xad: {  	s24 =	simm.s32 $0x1B8B  }
0xae: {  	_ =	swait.ge [sflag:s24], $0x1  }
0xaf: {  	[sflag:s24] =	ssyncset.done $0x0  }
0xb0: {  	s25 =	simm.s32 $0x1B8E;
	[sflag:s24] =	ssyncadd.s32 $0xFFFFFFFF  }
0xb1: {  	s26 =	simm.s32 $execute0_lowered;
	[smem:$0x3FD2] =	sst s25  }
0xb2: {  	s13 =	sshll.u32 s26, $0x1;
	_ =	strace $0x80000046;
	[dreg:$0x1] =	wrdreg $0xFFFFFFFF  }
0xb3: {  	s28 =	simm.s32 $_size_execute0_lowered;
	s12 =	sadd.s32 s12, s13;
	[dreg:$0x0] =	wrdreg $0x0  }
0xb4: {  	s13 =	sshll.u32 s28, $0x1;
	[dreg:$0x2] =	wrdreg s12  }
0xb5: {  	[dreg:$0x3] =	wrdreg s13  }
0xb6: {  	[dreg:$0x4] =	wrdreg $0xC0  }
0xb7: {  	_ =	task [dreg:s16], $0x5FFFF  }
0xb8: {  	[dreg:$0x1] =	wrdreg $0xFFFFFFFF  }
0xb9: {  	[dreg:$0x0] =	wrdreg $0x60  }
0xba: {  	[dreg:$0x2] =	wrdreg s2  }
0xbb: {  	[dreg:$0x3] =	wrdreg s4  }
0xbc: {  	[dreg:$0x4] =	wrdreg s5  }
0xbd: {  	[dreg:$0x5] =	wrdreg s6  }
0xbe: {  	[dreg:$0x6] =	wrdreg s17  }
0xbf: {  	[dreg:$0x7] =	wrdreg s18  }
0xc0: {  	[dreg:$0x8] =	wrdreg s9  }
0xc1: {  	[dreg:$0x9] =	wrdreg s10  }
0xc2: {  	[dreg:$0xa] =	wrdreg s11  }
0xc3: {  	[dreg:$0xb] =	wrdreg s19  }
0xc4: {  	[dreg:$0xc] =	wrdreg $0x9  }
0xc5: {  	_ =	task.clear_ibuf [dreg:s16], $0xDFFFF;
	_ =	strace $0x90000046  }
0xc6: {  	s29 =	simm.s32 $0x9;
	_ =	strace $0x80000048  }
0xc7: {  	_ =	swait.ge [sflag:s29], $0x1  }
0xc8: {  	[sflag:s29] =	ssyncadd.s32 $0xFFFFFFFF  }
0xc9: {  	_ =	strace $0x90000048  }
0xca: {  	_ =	sfence  }
0xcb: {  	s30 =	sld [smem:$0x0];
	_ =	sdelay $0x2  }
0xcc: {  	s31 =	sshll.u32 s1, $0xD;
	s1 =	sshrl.u32 s1, $0x2  }
0xcd: {  	s3 =	sand.u32 $0x4000, s31;
	s1 =	sadd.s32 s1, s30  }
0xce: {  	s0 =	sor.u32 s3, s0;
	s1 =	sshll.u32 s1, $0x11  }
0xcf: {  	s0 =	sor.u32 s1, s0  }
0xd0: {  	s0 =	sadd.s32 $0x8F2B, s0  }
0xd1: {  	[sflag:s0] =	ssyncadd.remote.s32 $0x1  }
0xd2: {  	_ =	sfence.sel $0xFFFF  }
0xd3: {  	[dreg:$0x0] =	wrdreg $0xFFFFFFFF;
	(pc) =	sbr.abs _section_cstart, $3  }
0xd4: {  	[dreg:$0x1] =	wrdreg $0xFFFFFFFF  }
0xd5: {  	_ =	task.clear_ibuf [dreg:s16], $0x2FFFF;
	_ =	strace $0x9FFFFFFF  }
0xd6: {  	(tm) =	ssettm $0x7FFFFFFF  }
0xd7: {  	_ =	shalt  }
tec
execute0_lowered:
.L_overlay_start_1:
0x0: {  	(tag) =	ssettag $0x1  }
0x1: {  	s19 =	rddreg [dreg:$0x0]  }
0x2: {  	s1 =	rddreg [dreg:$0x1]  }
0x3: {  	s2 =	rddreg [dreg:$0x2]  }
0x4: {  	s10 =	rddreg [dreg:$0x3]  }
0x5: {  	s17 =	rddreg [dreg:$0x4]  }
0x6: {  	s7 =	rddreg [dreg:$0x5];
	s5 =	srdreg.scid  }
0x7: {  	s4 =	rddreg [dreg:$0x6];
	s9 =	stileid.u32;
	s6 =	sand.u32 $0x1, s5  }
0x8: {  	s3 =	rddreg [dreg:$0x7];
	s9 =	sshll.u32 s9, $0x6;
	s11 =	sshll.u32 s6, $0x5  }
0x9: {  	s8 =	rddreg [dreg:$0x8];
	s11 =	sor.u32 s11, s9  }
0xa: {  	s18 =	rddreg [dreg:$0x9];
	s5 =	simm.s32 $0x0;
	s9 =	smul.u32 $0x300, s11  }
0xb: {  	[smem:$0x7FF] =	sst s5;
	s10 =	sadd.s32 s10, s11  }
0xc: {  	_ =	strace $0x80000047;
	[dreg:$0xb] =	wrdreg s10;
	s23 =	sadd.s32 s17, s9  }
0xd: {  	s12 =	sadd.s32 s18, s9;
	s10 =	sor.u32 $0xC00, s9;
	[dreg:$0xc] =	wrdreg s23  }
0xe: {  	s11 =	smul.u32 $0x1800, s11;
	[dreg:$0xd] =	wrdreg s12;
	s24 =	sadd.s32 s17, s10  }
0xf: {  	s14 =	sor.u32 $0x1800, s9;
	s25 =	sadd.s32 s18, s10;
	[dreg:$0xe] =	wrdreg s24  }
0x10: {  	s0 =	sshrl.u32 s11, $0x3;
	s26 =	sadd.s32 s17, s14;
	[dreg:$0xf] =	wrdreg s25  }
0x11: {  	s28 =	sadd.s32 s18, s14;
	s16 =	sadd.s32 $0x2400, s0;
	[dreg:$0x10] =	wrdreg s26  }
0x12: {  	[dreg:$0x11] =	wrdreg s28;
	s30 =	sadd.s32 s17, s16  }
0x13: {  	s15 =	sadd.s32 $0x3000, s0;
	s12 =	sadd.s32 s18, s16;
	[dreg:$0x12] =	wrdreg s30  }
0x14: {  	s13 =	sadd.s32 s17, s15;
	[dreg:$0x13] =	wrdreg s12  }
0x15: {  	s11 =	sadd.s32 $0x4800, s0;
	s20 =	sadd.s32 s18, s15;
	[dreg:$0x14] =	wrdreg s13  }
0x16: {  	s23 =	sadd.s32 s17, s11;
	[dreg:$0x15] =	wrdreg s20  }
0x17: {  	s25 =	sadd.s32 s7, s9;
	[dreg:$0x18] =	wrdreg s23  }
0x18: {  	s26 =	sadd.s32 s8, s9;
	[dreg:$0x1c] =	wrdreg s25  }
0x19: {  	s28 =	sadd.s32 s7, s10;
	[dreg:$0x1d] =	wrdreg s26  }
0x1a: {  	s20 =	sadd.s32 s18, s11;
	[dreg:$0x1e] =	wrdreg s28  }
0x1b: {  	s13 =	sadd.s32 $0x3C00, s0;
	s30 =	sadd.s32 s8, s10;
	[dreg:$0x19] =	wrdreg s20  }
0x1c: {  	s12 =	sadd.s32 $0x5400, s0;
	s0 =	sadd.s32 s7, s14;
	[dreg:$0x1f] =	wrdreg s30  }
0x1d: {  	s23 =	sadd.s32 s8, s15;
	[smem:$0x7E2] =	sst s0  }
0x1e: {  	s26 =	sadd.s32 s7, s11;
	[smem:$0x7E7] =	sst s23  }
0x1f: {  	s28 =	sadd.s32 s8, s11;
	[smem:$0x7EA] =	sst s26  }
0x20: {  	s21 =	sadd.s32 s17, s13;
	[smem:$0x7EB] =	sst s28  }
0x21: {  	s22 =	sadd.s32 s18, s13;
	[dreg:$0x16] =	wrdreg s21  }
0x22: {  	s17 =	sadd.s32 s17, s12;
	[dreg:$0x17] =	wrdreg s22  }
0x23: {  	s24 =	sadd.s32 s18, s12;
	[dreg:$0x1a] =	wrdreg s17  }
0x24: {  	s18 =	sadd.s32 s8, s14;
	[dreg:$0x1b] =	wrdreg s24  }
0x25: {  	s20 =	sadd.s32 s7, s16;
	[smem:$0x7E3] =	sst s18  }
0x26: {  	s25 =	sadd.s32 s8, s13;
	[smem:$0x7E4] =	sst s20  }
0x27: {  	s30 =	sadd.s32 s8, s12;
	[smem:$0x7E9] =	sst s25  }
0x28: {  	s0 =	sadd.s32 s4, s9;
	[smem:$0x7ED] =	sst s30  }
0x29: {  	s23 =	sadd.s32 s4, s15;
	[smem:$0x7EE] =	sst s0  }
0x2a: {  	s26 =	sadd.s32 s4, s13;
	[smem:$0x7F6] =	sst s23  }
0x2b: {  	s28 =	sadd.s32 s3, s13;
	[smem:$0x7F8] =	sst s26  }
0x2c: {  	s21 =	sadd.s32 s8, s16;
	[smem:$0x7F9] =	sst s28  }
0x2d: {  	s22 =	sadd.s32 s7, s15;
	[smem:$0x7E5] =	sst s21  }
0x2e: {  	s24 =	sadd.s32 s7, s13;
	[smem:$0x7E6] =	sst s22  }
0x2f: {  	s29 =	simm.s32 $0x12100;
	s7 =	sadd.s32 s7, s12;
	[smem:$0x7E8] =	sst s24  }
0x30: {  	s31 =	simm.s32 $0x2;
	s8 =	sadd.s32 s3, s9;
	[smem:$0x7EC] =	sst s7  }
0x31: {  	s6 =	ssub.s32 $0x2, s6;
	s9 =	sadd.s32 s4, s10;
	[smem:$0x7EF] =	sst s8  }
0x32: {  	s10 =	sadd.s32 s3, s10;
	s17 =	sadd.s32 s4, s14;
	[smem:$0x7F0] =	sst s9  }
0x33: {  	s18 =	sadd.s32 s3, s14;
	s20 =	sadd.s32 s4, s16;
	[smem:$0x7F1] =	sst s10  }
0x34: {  	s25 =	sadd.s32 s3, s15;
	s30 =	sadd.s32 s4, s11;
	[smem:$0x7F2] =	sst s17  }
0x35: {  	s11 =	sadd.s32 s3, s11;
	s4 =	sadd.s32 s4, s12;
	[smem:$0x7F3] =	sst s18  }
0x36: {  	s15 =	simm.s32 $0x6;
	[smem:$0x7F4] =	sst s20;
	s21 =	sadd.s32 s3, s16  }
0x37: {  	s22 =	sshrl.u32 s6, $0x1;
	[smem:$0x7F7] =	sst s25;
	s7 =	sadd.s32 $0x200, s19  }
0x38: {  	s8 =	sadd.s32 $0x100, s1;
	s9 =	sadd.s32 $0x200, s1;
	[smem:$0x7FA] =	sst s30  }
0x39: {  	s10 =	sadd.s32 $0x100, s2;
	[smem:$0x7FB] =	sst s11;
	s11 =	sadd.s32 $0x200, s2  }
0x3a: {  	v2 =	vlaneseq.u32;
	[smem:$0x7FC] =	sst s4;
	s3 =	sadd.s32 s3, s12;
	s4 =	simm.s32 $0x3  }
0x3b: {  	vm0 =	vmmov $0xffff;
	v1 =	vshrl.u32 v2, $0x3;
	s16 =	simm.s32 $0xB;
	[smem:$0x7F5] =	sst s21;
	s24 =	ssub.s32 s6, s22  }
0x3c: {  	v0 =	vand.u32 $0x7, v2;
	v2 =	vor.u32 $0x8, v2;
	v1 =	vmul.u32 $0x8, v1;
	s6 =	sadd.s32 $0x100, s19;
	[smem:$0x7FD] =	sst s3;
	s12 =	smax.u32 s24, $0x1  }
.LBB2_1:
0x3d: {  	[smem:$0x7E1] =	sst s12  }
0x3e: {  	s30 =	rddreg [dreg:$0xb];
	s20 =	simm.s32 $0x10  }
0x3f: {  	[tilespmem:s5], [sflag:$0x10] =	stream.linear.gather [hbm4b:s30+s5], $0x100, $0x38;
	[tilespmem:$0x1E100] =	vst v63  }
0x40: {  	_ =	swait.ge [sflag:s20], $0x100  }
0x41: {  	[sflag:s20] =	ssyncset.done $0x0  }
0x42: {  	[sflag:s20] =	ssyncadd.s32 $0xFFFFFF00  }
0x43: {  	v3 =	vld [tilespmem:$0x0];
	_ =	sdelay $0x4  }
0x44: {  	v4 =	vshrl.u32 v3, $0x3  }
0x45: {  	v4 =	vmul.u32 $0x30, v4  }
0x46: {  	v3 =	vand.u32 $0x7, v3  }
0x47: {  	v3 =	vor.u32 v3, v4  }
0x48: {  	v4 =	vperm.xlane v3, v0;
	_ =	sdelay $0x1  }
0x49: {  	v4 =	vadd.s32 v1, v4;
	_ =	sdelay $0x3  }
0x4a: {  	s26 =	simm.s32 $0x100;
	v3 =	vperm.xlane v3, v2  }
0x4b: {  	[tilespmem:s26], [sflag:$0x1] =	stream.indirect_vreg.gather [hbm4b:s19+s5], $0x80, v4, vm0, $0xb8;
	[tilespmem:$0x1E100] =	vst v63  }
0x4c: {  	s3 =	simm.s32 $0x900;
	v3 =	vadd.s32 v1, v3  }
0x4d: {  	[tilespmem:s3], [sflag:$0x1] =	stream.indirect_vreg.gather [hbm4b:s6+s5], $0x80, v4, vm0, $0xb8;
	[tilespmem:$0x1E100] =	vst v63  }
0x4e: {  	s14 =	simm.s32 $0x1100  }
0x4f: {  	[tilespmem:s14], [sflag:$0x1] =	stream.indirect_vreg.gather [hbm4b:s7+s5], $0x80, v4, vm0, $0xb8;
	[tilespmem:$0x1E100] =	vst v63  }
0x50: {  	s17 =	simm.s32 $0x1900  }
0x51: {  	[tilespmem:s17], [sflag:$0x1] =	stream.indirect_vreg.gather [hbm4b:s19+s5], $0x80, v3, vm0, $0xb8;
	[tilespmem:$0x1E100] =	vst v63  }
0x52: {  	s18 =	simm.s32 $0x2100  }
0x53: {  	[tilespmem:s18], [sflag:$0x1] =	stream.indirect_vreg.gather [hbm4b:s6+s5], $0x80, v3, vm0, $0xb8;
	[tilespmem:$0x1E100] =	vst v63  }
0x54: {  	s20 =	simm.s32 $0x2900  }
0x55: {  	[tilespmem:s20], [sflag:$0x1] =	stream.indirect_vreg.gather [hbm4b:s7+s5], $0x80, v3, vm0, $0xb8;
	[tilespmem:$0x1E100] =	vst v63  }
0x56: {  	v3 =	vld [tilespmem:$0x10];
	_ =	sdelay $0x4  }
0x57: {  	v17 =	vshrl.u32 v3, $0x3  }
0x58: {  	v4 =	vmul.u32 $0x30, v17  }
0x59: {  	v3 =	vand.u32 $0x7, v3  }
0x5a: {  	v3 =	vor.u32 v3, v4  }
0x5b: {  	v4 =	vperm.xlane v3, v0;
	_ =	sdelay $0x1  }
0x5c: {  	v4 =	vadd.s32 v1, v4;
	_ =	sdelay $0x3  }
0x5d: {  	s22 =	simm.s32 $0x3100;
	v3 =	vperm.xlane v3, v2  }
0x5e: {  	[tilespmem:s22], [sflag:$0x1] =	stream.indirect_vreg.gather [hbm4b:s19+s5], $0x80, v4, vm0, $0xb8;
	[tilespmem:$0x1E100] =	vst v63  }
0x5f: {  	s23 =	simm.s32 $0x3900;
	v3 =	vadd.s32 v1, v3  }
0x60: {  	[tilespmem:s23], [sflag:$0x1] =	stream.indirect_vreg.gather [hbm4b:s6+s5], $0x80, v4, vm0, $0xb8;
	[tilespmem:$0x1E100] =	vst v63  }
0x61: {  	s24 =	simm.s32 $0x4100  }
0x62: {  	[tilespmem:s24], [sflag:$0x1] =	stream.indirect_vreg.gather [hbm4b:s7+s5], $0x80, v4, vm0, $0xb8;
	[tilespmem:$0x1E100] =	vst v63  }
0x63: {  	s30 =	simm.s32 $0x4900  }
0x64: {  	[tilespmem:s30], [sflag:$0x1] =	stream.indirect_vreg.gather [hbm4b:s19+s5], $0x80, v3, vm0, $0xb8;
	[tilespmem:$0x1E100] =	vst v63  }
0x65: {  	s0 =	simm.s32 $0x5100  }
0x66: {  	[tilespmem:s0], [sflag:$0x1] =	stream.indirect_vreg.gather [hbm4b:s6+s5], $0x80, v3, vm0, $0xb8;
	[tilespmem:$0x1E100] =	vst v63  }
0x67: {  	s12 =	simm.s32 $0x5900  }
0x68: {  	[tilespmem:s12], [sflag:$0x1] =	stream.indirect_vreg.gather [hbm4b:s7+s5], $0x80, v3, vm0, $0xb8;
	[tilespmem:$0x1E100] =	vst v63  }
0x69: {  	v3 =	vld [tilespmem:$0x20];
	_ =	sdelay $0x4  }
0x6a: {  	v18 =	vshrl.u32 v3, $0x3  }
0x6b: {  	v4 =	vmul.u32 $0x30, v18  }
0x6c: {  	v3 =	vand.u32 $0x7, v3  }
0x6d: {  	v3 =	vor.u32 v3, v4  }
0x6e: {  	v4 =	vperm.xlane v3, v0;
	_ =	sdelay $0x1  }
0x6f: {  	v4 =	vadd.s32 v1, v4;
	_ =	sdelay $0x3  }
0x70: {  	s13 =	simm.s32 $0x6100;
	v3 =	vperm.xlane v3, v2  }
0x71: {  	[tilespmem:s13], [sflag:$0x2] =	stream.indirect_vreg.gather [hbm4b:s19+s5], $0x80, v4, vm0, $0xb8;
	[tilespmem:$0x1E100] =	vst v63  }
0x72: {  	s20 =	simm.s32 $0x6900;
	v3 =	vadd.s32 v1, v3  }
0x73: {  	[tilespmem:s20], [sflag:$0x2] =	stream.indirect_vreg.gather [hbm4b:s6+s5], $0x80, v4, vm0, $0xb8;
	[tilespmem:$0x1E100] =	vst v63  }
0x74: {  	s30 =	simm.s32 $0x7100  }
0x75: {  	[tilespmem:s30], [sflag:$0x2] =	stream.indirect_vreg.gather [hbm4b:s7+s5], $0x80, v4, vm0, $0xb8;
	[tilespmem:$0x1E100] =	vst v63  }
0x76: {  	s0 =	simm.s32 $0x7900  }
0x77: {  	[tilespmem:s0], [sflag:$0x2] =	stream.indirect_vreg.gather [hbm4b:s19+s5], $0x80, v3, vm0, $0xb8;
	[tilespmem:$0x1E100] =	vst v63  }
0x78: {  	s12 =	simm.s32 $0x8100  }
0x79: {  	[tilespmem:s12], [sflag:$0x2] =	stream.indirect_vreg.gather [hbm4b:s6+s5], $0x80, v3, vm0, $0xb8;
	[tilespmem:$0x1E100] =	vst v63  }
0x7a: {  	s13 =	simm.s32 $0x8900  }
0x7b: {  	[tilespmem:s13], [sflag:$0x2] =	stream.indirect_vreg.gather [hbm4b:s7+s5], $0x80, v3, vm0, $0xb8;
	[tilespmem:$0x1E100] =	vst v63  }
0x7c: {  	v3 =	vld [tilespmem:$0x30];
	_ =	sdelay $0x4  }
0x7d: {  	v19 =	vshrl.u32 v3, $0x3  }
0x7e: {  	v4 =	vmul.u32 $0x30, v19  }
0x7f: {  	v3 =	vand.u32 $0x7, v3  }
0x80: {  	v3 =	vor.u32 v3, v4  }
0x81: {  	v4 =	vperm.xlane v3, v0;
	_ =	sdelay $0x1  }
0x82: {  	v4 =	vadd.s32 v1, v4;
	_ =	sdelay $0x3  }
0x83: {  	s20 =	simm.s32 $0x9100;
	v3 =	vperm.xlane v3, v2  }
0x84: {  	[tilespmem:s20], [sflag:$0x2] =	stream.indirect_vreg.gather [hbm4b:s19+s5], $0x80, v4, vm0, $0xb8;
	[tilespmem:$0x1E100] =	vst v63  }
0x85: {  	s30 =	simm.s32 $0x9900;
	v3 =	vadd.s32 v1, v3  }
0x86: {  	[tilespmem:s30], [sflag:$0x2] =	stream.indirect_vreg.gather [hbm4b:s6+s5], $0x80, v4, vm0, $0xb8;
	[tilespmem:$0x1E100] =	vst v63  }
0x87: {  	s0 =	simm.s32 $0xA100  }
0x88: {  	[tilespmem:s0], [sflag:$0x2] =	stream.indirect_vreg.gather [hbm4b:s7+s5], $0x80, v4, vm0, $0xb8;
	[tilespmem:$0x1E100] =	vst v63  }
0x89: {  	s12 =	simm.s32 $0xA900  }
0x8a: {  	[tilespmem:s12], [sflag:$0x2] =	stream.indirect_vreg.gather [hbm4b:s19+s5], $0x80, v3, vm0, $0xb8;
	[tilespmem:$0x1E100] =	vst v63  }
0x8b: {  	s13 =	simm.s32 $0xB100  }
0x8c: {  	[tilespmem:s13], [sflag:$0x2] =	stream.indirect_vreg.gather [hbm4b:s6+s5], $0x80, v3, vm0, $0xb8;
	[tilespmem:$0x1E100] =	vst v63  }
0x8d: {  	s20 =	simm.s32 $0xB900  }
0x8e: {  	[tilespmem:s20], [sflag:$0x2] =	stream.indirect_vreg.gather [hbm4b:s7+s5], $0x80, v3, vm0, $0xb8;
	[tilespmem:$0x1E100] =	vst v63  }
0x8f: {  	v3 =	vld [tilespmem:$0x40];
	_ =	sdelay $0x4  }
0x90: {  	v20 =	vshrl.u32 v3, $0x3  }
0x91: {  	v4 =	vmul.u32 $0x30, v20  }
0x92: {  	v3 =	vand.u32 $0x7, v3  }
0x93: {  	v3 =	vor.u32 v3, v4  }
0x94: {  	v4 =	vperm.xlane v3, v0;
	_ =	sdelay $0x1  }
0x95: {  	v4 =	vadd.s32 v1, v4;
	_ =	sdelay $0x3  }
0x96: {  	s0 =	simm.s32 $0xC100;
	v3 =	vperm.xlane v3, v2  }
0x97: {  	[tilespmem:s0], [sflag:$0x3] =	stream.indirect_vreg.gather [hbm4b:s19+s5], $0x80, v4, vm0, $0xb8;
	[tilespmem:$0x1E100] =	vst v63  }
0x98: {  	s30 =	simm.s32 $0xC900;
	v3 =	vadd.s32 v1, v3  }
0x99: {  	[tilespmem:s30], [sflag:$0x3] =	stream.indirect_vreg.gather [hbm4b:s6+s5], $0x80, v4, vm0, $0xb8;
	[tilespmem:$0x1E100] =	vst v63  }
0x9a: {  	s0 =	simm.s32 $0xD100  }
0x9b: {  	[tilespmem:s0], [sflag:$0x3] =	stream.indirect_vreg.gather [hbm4b:s7+s5], $0x80, v4, vm0, $0xb8;
	[tilespmem:$0x1E100] =	vst v63  }
0x9c: {  	s12 =	simm.s32 $0xD900  }
0x9d: {  	[tilespmem:s12], [sflag:$0x3] =	stream.indirect_vreg.gather [hbm4b:s19+s5], $0x80, v3, vm0, $0xb8;
	[tilespmem:$0x1E100] =	vst v63  }
0x9e: {  	s13 =	simm.s32 $0xE100  }
0x9f: {  	[tilespmem:s13], [sflag:$0x3] =	stream.indirect_vreg.gather [hbm4b:s6+s5], $0x80, v3, vm0, $0xb8;
	[tilespmem:$0x1E100] =	vst v63  }
0xa0: {  	s20 =	simm.s32 $0xE900  }
0xa1: {  	[tilespmem:s20], [sflag:$0x3] =	stream.indirect_vreg.gather [hbm4b:s7+s5], $0x80, v3, vm0, $0xb8;
	[tilespmem:$0x1E100] =	vst v63  }
0xa2: {  	v3 =	vld [tilespmem:$0x50];
	_ =	sdelay $0x4  }
0xa3: {  	v21 =	vshrl.u32 v3, $0x3  }
0xa4: {  	v4 =	vmul.u32 $0x30, v21  }
0xa5: {  	v3 =	vand.u32 $0x7, v3  }
0xa6: {  	v3 =	vor.u32 v3, v4  }
0xa7: {  	v4 =	vperm.xlane v3, v0;
	_ =	sdelay $0x1  }
0xa8: {  	v4 =	vadd.s32 v1, v4;
	_ =	sdelay $0x3  }
0xa9: {  	s30 =	simm.s32 $0xF100;
	v3 =	vperm.xlane v3, v2  }
0xaa: {  	[tilespmem:s30], [sflag:$0x3] =	stream.indirect_vreg.gather [hbm4b:s19+s5], $0x80, v4, vm0, $0xb8;
	[tilespmem:$0x1E100] =	vst v63  }
0xab: {  	s0 =	simm.s32 $0xF900;
	v3 =	vadd.s32 v1, v3  }
0xac: {  	[tilespmem:s0], [sflag:$0x3] =	stream.indirect_vreg.gather [hbm4b:s6+s5], $0x80, v4, vm0, $0xb8;
	[tilespmem:$0x1E100] =	vst v63  }
0xad: {  	s12 =	simm.s32 $0x10100  }
0xae: {  	[tilespmem:s12], [sflag:$0x3] =	stream.indirect_vreg.gather [hbm4b:s7+s5], $0x80, v4, vm0, $0xb8;
	[tilespmem:$0x1E100] =	vst v63  }
0xaf: {  	s13 =	simm.s32 $0x10900  }
0xb0: {  	[tilespmem:s13], [sflag:$0x3] =	stream.indirect_vreg.gather [hbm4b:s19+s5], $0x80, v3, vm0, $0xb8;
	[tilespmem:$0x1E100] =	vst v63  }
0xb1: {  	s20 =	simm.s32 $0x11100  }
0xb2: {  	[tilespmem:s20], [sflag:$0x3] =	stream.indirect_vreg.gather [hbm4b:s6+s5], $0x80, v3, vm0, $0xb8;
	[tilespmem:$0x1E100] =	vst v63  }
0xb3: {  	s30 =	simm.s32 $0x11900;
	s13 =	simm.s32 $0x1  }
0xb4: {  	[tilespmem:s30], [sflag:$0x3] =	stream.indirect_vreg.gather [hbm4b:s7+s5], $0x80, v3, vm0, $0xb8;
	[tilespmem:$0x1E100] =	vst v63  }
0xb5: {  	_ =	swait.ge [sflag:s13], $0x6000  }
0xb6: {  	[sflag:s13] =	ssyncset.done $0x0  }
0xb7: {  	s0 =	rddreg [dreg:$0xc];
	[sflag:s13] =	ssyncadd.s32 $0xFFFFA000  }
0xb8: {  	[hbm4b:s0+s5] =	stream.linear.scatter [tilespmem:s26], [sflag:$0x6], $0x6000, $0x38;
	[tilespmem:$0x1E100] =	vst v63  }
0xb9: {  	s3 =	rddreg [dreg:$0xd]  }
0xba: {  	[hbm4b:s3+s5] =	stream.linear.scatter [tilespmem:s26], [sflag:$0xB], $0x6000, $0x38;
	[tilespmem:$0x1E100] =	vst v63  }
0xbb: {  	v3 =	vld [tilespmem:$0x60];
	_ =	sdelay $0x4  }
0xbc: {  	v22 =	vshrl.u32 v3, $0x3  }
0xbd: {  	v4 =	vmul.u32 $0x30, v22  }
0xbe: {  	v3 =	vand.u32 $0x7, v3  }
0xbf: {  	v3 =	vor.u32 v3, v4  }
0xc0: {  	v4 =	vperm.xlane v3, v0;
	_ =	sdelay $0x1  }
0xc1: {  	v4 =	vadd.s32 v1, v4;
	_ =	sdelay $0x3  }
0xc2: {  	v3 =	vperm.xlane v3, v2  }
0xc3: {  	[tilespmem:s29], [sflag:$0x4] =	stream.indirect_vreg.gather [hbm4b:s19+s5], $0x80, v4, vm0, $0xb8;
	[tilespmem:$0x1E100] =	vst v63  }
0xc4: {  	s12 =	simm.s32 $0x12900;
	v3 =	vadd.s32 v1, v3  }
0xc5: {  	[tilespmem:s12], [sflag:$0x4] =	stream.indirect_vreg.gather [hbm4b:s6+s5], $0x80, v4, vm0, $0xb8;
	[tilespmem:$0x1E100] =	vst v63  }
0xc6: {  	s20 =	simm.s32 $0x13100  }
0xc7: {  	[tilespmem:s20], [sflag:$0x4] =	stream.indirect_vreg.gather [hbm4b:s7+s5], $0x80, v4, vm0, $0xb8;
	[tilespmem:$0x1E100] =	vst v63  }
0xc8: {  	s30 =	simm.s32 $0x13900  }
0xc9: {  	[tilespmem:s30], [sflag:$0x4] =	stream.indirect_vreg.gather [hbm4b:s19+s5], $0x80, v3, vm0, $0xb8;
	[tilespmem:$0x1E100] =	vst v63  }
0xca: {  	s0 =	simm.s32 $0x14100  }
0xcb: {  	[tilespmem:s0], [sflag:$0x4] =	stream.indirect_vreg.gather [hbm4b:s6+s5], $0x80, v3, vm0, $0xb8;
	[tilespmem:$0x1E100] =	vst v63  }
0xcc: {  	s12 =	simm.s32 $0x14900  }
0xcd: {  	[tilespmem:s12], [sflag:$0x4] =	stream.indirect_vreg.gather [hbm4b:s7+s5], $0x80, v3, vm0, $0xb8;
	[tilespmem:$0x1E100] =	vst v63  }
0xce: {  	v3 =	vld [tilespmem:$0x70];
	_ =	sdelay $0x4  }
0xcf: {  	v23 =	vshrl.u32 v3, $0x3  }
0xd0: {  	v4 =	vmul.u32 $0x30, v23  }
0xd1: {  	v3 =	vand.u32 $0x7, v3  }
0xd2: {  	v3 =	vor.u32 v3, v4  }
0xd3: {  	v4 =	vperm.xlane v3, v0;
	_ =	sdelay $0x1  }
0xd4: {  	v4 =	vadd.s32 v1, v4;
	_ =	sdelay $0x3  }
0xd5: {  	s20 =	simm.s32 $0x15100;
	v3 =	vperm.xlane v3, v2  }
0xd6: {  	[tilespmem:s20], [sflag:$0x4] =	stream.indirect_vreg.gather [hbm4b:s19+s5], $0x80, v4, vm0, $0xb8;
	[tilespmem:$0x1E100] =	vst v63  }
0xd7: {  	s30 =	simm.s32 $0x15900;
	v3 =	vadd.s32 v1, v3  }
0xd8: {  	[tilespmem:s30], [sflag:$0x4] =	stream.indirect_vreg.gather [hbm4b:s6+s5], $0x80, v4, vm0, $0xb8;
	[tilespmem:$0x1E100] =	vst v63  }
0xd9: {  	s0 =	simm.s32 $0x16100  }
0xda: {  	[tilespmem:s0], [sflag:$0x4] =	stream.indirect_vreg.gather [hbm4b:s7+s5], $0x80, v4, vm0, $0xb8;
	[tilespmem:$0x1E100] =	vst v63  }
0xdb: {  	s12 =	simm.s32 $0x16900  }
0xdc: {  	[tilespmem:s12], [sflag:$0x4] =	stream.indirect_vreg.gather [hbm4b:s19+s5], $0x80, v3, vm0, $0xb8;
	[tilespmem:$0x1E100] =	vst v63  }
0xdd: {  	s20 =	simm.s32 $0x17100  }
0xde: {  	[tilespmem:s20], [sflag:$0x4] =	stream.indirect_vreg.gather [hbm4b:s6+s5], $0x80, v3, vm0, $0xb8;
	[tilespmem:$0x1E100] =	vst v63  }
0xdf: {  	s30 =	simm.s32 $0x17900  }
0xe0: {  	[tilespmem:s30], [sflag:$0x4] =	stream.indirect_vreg.gather [hbm4b:s7+s5], $0x80, v3, vm0, $0xb8;
	[tilespmem:$0x1E100] =	vst v63  }
0xe1: {  	_ =	swait.ge [sflag:s31], $0x6000  }
0xe2: {  	[sflag:s31] =	ssyncset.done $0x0  }
0xe3: {  	s12 =	simm.s32 $0x6100;
	s0 =	rddreg [dreg:$0xe];
	[sflag:s31] =	ssyncadd.s32 $0xFFFFA000  }
0xe4: {  	[hbm4b:s0+s5] =	stream.linear.scatter [tilespmem:s12], [sflag:$0x7], $0x6000, $0x38;
	[tilespmem:$0x1E100] =	vst v63  }
0xe5: {  	s3 =	rddreg [dreg:$0xf]  }
0xe6: {  	[hbm4b:s3+s5] =	stream.linear.scatter [tilespmem:s12], [sflag:$0xC], $0x6000, $0x38;
	[tilespmem:$0x1E100] =	vst v63  }
0xe7: {  	v3 =	vld [tilespmem:$0x80];
	_ =	sdelay $0x4  }
0xe8: {  	v24 =	vshrl.u32 v3, $0x3  }
0xe9: {  	v4 =	vmul.u32 $0x30, v24  }
0xea: {  	v3 =	vand.u32 $0x7, v3  }
0xeb: {  	v3 =	vor.u32 v3, v4  }
0xec: {  	v4 =	vperm.xlane v3, v0;
	_ =	sdelay $0x1  }
0xed: {  	v4 =	vadd.s32 v1, v4;
	_ =	sdelay $0x3  }
0xee: {  	s0 =	simm.s32 $0x18100;
	v3 =	vperm.xlane v3, v2  }
0xef: {  	[tilespmem:s0], [sflag:$0x5] =	stream.indirect_vreg.gather [hbm4b:s19+s5], $0x80, v4, vm0, $0xb8;
	[tilespmem:$0x1E100] =	vst v63  }
0xf0: {  	s20 =	simm.s32 $0x18900;
	v3 =	vadd.s32 v1, v3  }
0xf1: {  	[tilespmem:s20], [sflag:$0x5] =	stream.indirect_vreg.gather [hbm4b:s6+s5], $0x80, v4, vm0, $0xb8;
	[tilespmem:$0x1E100] =	vst v63  }
0xf2: {  	s30 =	simm.s32 $0x19100  }
0xf3: {  	[tilespmem:s30], [sflag:$0x5] =	stream.indirect_vreg.gather [hbm4b:s7+s5], $0x80, v4, vm0, $0xb8;
	[tilespmem:$0x1E100] =	vst v63  }
0xf4: {  	s0 =	simm.s32 $0x19900  }
0xf5: {  	[tilespmem:s0], [sflag:$0x5] =	stream.indirect_vreg.gather [hbm4b:s19+s5], $0x80, v3, vm0, $0xb8;
	[tilespmem:$0x1E100] =	vst v63  }
0xf6: {  	s20 =	simm.s32 $0x1A100  }
0xf7: {  	[tilespmem:s20], [sflag:$0x5] =	stream.indirect_vreg.gather [hbm4b:s6+s5], $0x80, v3, vm0, $0xb8;
	[tilespmem:$0x1E100] =	vst v63  }
0xf8: {  	s30 =	simm.s32 $0x1A900  }
0xf9: {  	[tilespmem:s30], [sflag:$0x5] =	stream.indirect_vreg.gather [hbm4b:s7+s5], $0x80, v3, vm0, $0xb8;
	[tilespmem:$0x1E100] =	vst v63  }
0xfa: {  	v3 =	vld [tilespmem:$0x90];
	_ =	sdelay $0x4  }
0xfb: {  	v25 =	vshrl.u32 v3, $0x3  }
0xfc: {  	v4 =	vmul.u32 $0x30, v25  }
0xfd: {  	v3 =	vand.u32 $0x7, v3  }
0xfe: {  	v3 =	vor.u32 v3, v4  }
0xff: {  	v4 =	vperm.xlane v3, v0;
	_ =	sdelay $0x1  }
0x100: {  	v4 =	vadd.s32 v1, v4;
	_ =	sdelay $0x3  }
0x101: {  	s0 =	simm.s32 $0x1B100;
	v3 =	vperm.xlane v3, v2  }
0x102: {  	[tilespmem:s0], [sflag:$0x5] =	stream.indirect_vreg.gather [hbm4b:s19+s5], $0x80, v4, vm0, $0xb8;
	[tilespmem:$0x1E100] =	vst v63  }
0x103: {  	s20 =	simm.s32 $0x1B900;
	v3 =	vadd.s32 v1, v3  }
0x104: {  	[tilespmem:s20], [sflag:$0x5] =	stream.indirect_vreg.gather [hbm4b:s6+s5], $0x80, v4, vm0, $0xb8;
	[tilespmem:$0x1E100] =	vst v63  }
0x105: {  	s30 =	simm.s32 $0x1C100  }
0x106: {  	[tilespmem:s30], [sflag:$0x5] =	stream.indirect_vreg.gather [hbm4b:s7+s5], $0x80, v4, vm0, $0xb8;
	[tilespmem:$0x1E100] =	vst v63  }
0x107: {  	s0 =	simm.s32 $0x1C900  }
0x108: {  	[tilespmem:s0], [sflag:$0x5] =	stream.indirect_vreg.gather [hbm4b:s19+s5], $0x80, v3, vm0, $0xb8;
	[tilespmem:$0x1E100] =	vst v63  }
0x109: {  	s20 =	simm.s32 $0x1D100  }
0x10a: {  	[tilespmem:s20], [sflag:$0x5] =	stream.indirect_vreg.gather [hbm4b:s6+s5], $0x80, v3, vm0, $0xb8;
	[tilespmem:$0x1E100] =	vst v63  }
0x10b: {  	s30 =	simm.s32 $0x1D900  }
0x10c: {  	[tilespmem:s30], [sflag:$0x5] =	stream.indirect_vreg.gather [hbm4b:s7+s5], $0x80, v3, vm0, $0xb8;
	[tilespmem:$0x1E100] =	vst v63  }
0x10d: {  	_ =	swait.ge [sflag:s4], $0x6000  }
0x10e: {  	[sflag:s4] =	ssyncset.done $0x0  }
0x10f: {  	s3 =	simm.s32 $0xC100;
	s20 =	rddreg [dreg:$0x10];
	[sflag:s4] =	ssyncadd.s32 $0xFFFFA000  }
0x110: {  	[hbm4b:s20+s5] =	stream.linear.scatter [tilespmem:s3], [sflag:$0x8], $0x6000, $0x38;
	[tilespmem:$0x1E100] =	vst v63  }
0x111: {  	s0 =	rddreg [dreg:$0x11]  }
0x112: {  	[hbm4b:s0+s5] =	stream.linear.scatter [tilespmem:s3], [sflag:$0xD], $0x6000, $0x38;
	[tilespmem:$0x1E100] =	vst v63  }
0x113: {  	_ =	swait.ge [sflag:s15], $0x6000  }
0x114: {  	[sflag:s15] =	ssyncset.done $0x0  }
0x115: {  	[sflag:s15] =	ssyncadd.s32 $0xFFFFA000  }
0x116: {  	_ =	swait.ge [sflag:s16], $0x6000  }
0x117: {  	[sflag:s16] =	ssyncset.done $0x0  }
0x118: {  	[sflag:s16] =	ssyncadd.s32 $0xFFFFA000  }
0x119: {  	v3 =	vld [tilespmem:$0xA0];
	_ =	sdelay $0x4  }
0x11a: {  	v26 =	vshrl.u32 v3, $0x3  }
0x11b: {  	v4 =	vmul.u32 $0x30, v26  }
0x11c: {  	v3 =	vand.u32 $0x7, v3  }
0x11d: {  	v3 =	vor.u32 v3, v4  }
0x11e: {  	v4 =	vperm.xlane v3, v0;
	_ =	sdelay $0x1  }
0x11f: {  	v4 =	vadd.s32 v1, v4;
	_ =	sdelay $0x3  }
0x120: {  	v3 =	vperm.xlane v3, v2  }
0x121: {  	[tilespmem:s26], [sflag:$0x1] =	stream.indirect_vreg.gather [hbm4b:s19+s5], $0x80, v4, vm0, $0xb8;
	[tilespmem:$0x1E100] =	vst v63  }
0x122: {  	s30 =	simm.s32 $0x900;
	v3 =	vadd.s32 v1, v3  }
0x123: {  	[tilespmem:s30], [sflag:$0x1] =	stream.indirect_vreg.gather [hbm4b:s6+s5], $0x80, v4, vm0, $0xb8;
	[tilespmem:$0x1E100] =	vst v63  }
0x124: {  	s20 =	simm.s32 $0x1100  }
0x125: {  	[tilespmem:s20], [sflag:$0x1] =	stream.indirect_vreg.gather [hbm4b:s7+s5], $0x80, v4, vm0, $0xb8;
	[tilespmem:$0x1E100] =	vst v63  }
0x126: {  	s21 =	simm.s32 $0x1900  }
0x127: {  	[tilespmem:s21], [sflag:$0x1] =	stream.indirect_vreg.gather [hbm4b:s19+s5], $0x80, v3, vm0, $0xb8;
	[tilespmem:$0x1E100] =	vst v63  }
0x128: {  	s25 =	simm.s32 $0x2100  }
0x129: {  	[tilespmem:s25], [sflag:$0x1] =	stream.indirect_vreg.gather [hbm4b:s6+s5], $0x80, v3, vm0, $0xb8;
	[tilespmem:$0x1E100] =	vst v63  }
0x12a: {  	s18 =	simm.s32 $0x2900  }
0x12b: {  	[tilespmem:s18], [sflag:$0x1] =	stream.indirect_vreg.gather [hbm4b:s7+s5], $0x80, v3, vm0, $0xb8;
	[tilespmem:$0x1E100] =	vst v63  }
0x12c: {  	v3 =	vld [tilespmem:$0xB0];
	_ =	sdelay $0x4  }
0x12d: {  	v27 =	vshrl.u32 v3, $0x3  }
0x12e: {  	v4 =	vmul.u32 $0x30, v27  }
0x12f: {  	v3 =	vand.u32 $0x7, v3  }
0x130: {  	v3 =	vor.u32 v3, v4  }
0x131: {  	v4 =	vperm.xlane v3, v0;
	_ =	sdelay $0x1  }
0x132: {  	v4 =	vadd.s32 v1, v4;
	_ =	sdelay $0x3  }
0x133: {  	s14 =	simm.s32 $0x3100;
	v3 =	vperm.xlane v3, v2  }
0x134: {  	[tilespmem:s14], [sflag:$0x1] =	stream.indirect_vreg.gather [hbm4b:s19+s5], $0x80, v4, vm0, $0xb8;
	[tilespmem:$0x1E100] =	vst v63  }
0x135: {  	s28 =	simm.s32 $0x3900;
	v3 =	vadd.s32 v1, v3  }
0x136: {  	[tilespmem:s28], [sflag:$0x1] =	stream.indirect_vreg.gather [hbm4b:s6+s5], $0x80, v4, vm0, $0xb8;
	[tilespmem:$0x1E100] =	vst v63  }
0x137: {  	s22 =	simm.s32 $0x4100  }
0x138: {  	[tilespmem:s22], [sflag:$0x1] =	stream.indirect_vreg.gather [hbm4b:s7+s5], $0x80, v4, vm0, $0xb8;
	[tilespmem:$0x1E100] =	vst v63  }
0x139: {  	s23 =	simm.s32 $0x4900  }
0x13a: {  	[tilespmem:s23], [sflag:$0x1] =	stream.indirect_vreg.gather [hbm4b:s19+s5], $0x80, v3, vm0, $0xb8;
	[tilespmem:$0x1E100] =	vst v63  }
0x13b: {  	s24 =	simm.s32 $0x5100  }
0x13c: {  	[tilespmem:s24], [sflag:$0x1] =	stream.indirect_vreg.gather [hbm4b:s6+s5], $0x80, v3, vm0, $0xb8;
	[tilespmem:$0x1E100] =	vst v63  }
0x13d: {  	s17 =	simm.s32 $0x5900  }
0x13e: {  	[tilespmem:s17], [sflag:$0x1] =	stream.indirect_vreg.gather [hbm4b:s7+s5], $0x80, v3, vm0, $0xb8;
	[tilespmem:$0x1E100] =	vst v63  }
0x13f: {  	s17 =	simm.s32 $0x4  }
0x140: {  	_ =	swait.ge [sflag:s17], $0x6000  }
0x141: {  	[sflag:s17] =	ssyncset.done $0x0  }
0x142: {  	s21 =	rddreg [dreg:$0x12];
	[sflag:s17] =	ssyncadd.s32 $0xFFFFA000  }
0x143: {  	[hbm4b:s21+s5] =	stream.linear.scatter [tilespmem:s29], [sflag:$0x9], $0x6000, $0x38;
	[tilespmem:$0x1E100] =	vst v63  }
0x144: {  	s18 =	simm.s32 $0x7;
	s22 =	rddreg [dreg:$0x13]  }
0x145: {  	[hbm4b:s22+s5] =	stream.linear.scatter [tilespmem:s29], [sflag:$0xE], $0x6000, $0x38;
	[tilespmem:$0x1E100] =	vst v63  }
0x146: {  	_ =	swait.ge [sflag:s18], $0x6000  }
0x147: {  	[sflag:s18] =	ssyncset.done $0x0  }
0x148: {  	s21 =	simm.s32 $0xC;
	[sflag:s18] =	ssyncadd.s32 $0xFFFFA000  }
0x149: {  	_ =	swait.ge [sflag:s21], $0x6000  }
0x14a: {  	[sflag:s21] =	ssyncset.done $0x0  }
0x14b: {  	[sflag:s21] =	ssyncadd.s32 $0xFFFFA000  }
0x14c: {  	v3 =	vld [tilespmem:$0xC0];
	_ =	sdelay $0x4  }
0x14d: {  	v28 =	vshrl.u32 v3, $0x3  }
0x14e: {  	v4 =	vmul.u32 $0x30, v28  }
0x14f: {  	v3 =	vand.u32 $0x7, v3  }
0x150: {  	v3 =	vor.u32 v3, v4  }
0x151: {  	v4 =	vperm.xlane v3, v0;
	_ =	sdelay $0x1  }
0x152: {  	v4 =	vadd.s32 v1, v4;
	_ =	sdelay $0x3  }
0x153: {  	s12 =	simm.s32 $0x6100;
	v3 =	vperm.xlane v3, v2  }
0x154: {  	[tilespmem:s12], [sflag:$0x2] =	stream.indirect_vreg.gather [hbm4b:s19+s5], $0x80, v4, vm0, $0xb8;
	[tilespmem:$0x1E100] =	vst v63  }
0x155: {  	s23 =	simm.s32 $0x6900;
	v3 =	vadd.s32 v1, v3  }
0x156: {  	[tilespmem:s23], [sflag:$0x2] =	stream.indirect_vreg.gather [hbm4b:s6+s5], $0x80, v4, vm0, $0xb8;
	[tilespmem:$0x1E100] =	vst v63  }
0x157: {  	s24 =	simm.s32 $0x7100  }
0x158: {  	[tilespmem:s24], [sflag:$0x2] =	stream.indirect_vreg.gather [hbm4b:s7+s5], $0x80, v4, vm0, $0xb8;
	[tilespmem:$0x1E100] =	vst v63  }
0x159: {  	s25 =	simm.s32 $0x7900  }
0x15a: {  	[tilespmem:s25], [sflag:$0x2] =	stream.indirect_vreg.gather [hbm4b:s19+s5], $0x80, v3, vm0, $0xb8;
	[tilespmem:$0x1E100] =	vst v63  }
0x15b: {  	s28 =	simm.s32 $0x8100  }
0x15c: {  	[tilespmem:s28], [sflag:$0x2] =	stream.indirect_vreg.gather [hbm4b:s6+s5], $0x80, v3, vm0, $0xb8;
	[tilespmem:$0x1E100] =	vst v63  }
0x15d: {  	s30 =	simm.s32 $0x8900  }
0x15e: {  	[tilespmem:s30], [sflag:$0x2] =	stream.indirect_vreg.gather [hbm4b:s7+s5], $0x80, v3, vm0, $0xb8;
	[tilespmem:$0x1E100] =	vst v63  }
0x15f: {  	v3 =	vld [tilespmem:$0xD0];
	_ =	sdelay $0x4  }
0x160: {  	v29 =	vshrl.u32 v3, $0x3  }
0x161: {  	v4 =	vmul.u32 $0x30, v29  }
0x162: {  	v3 =	vand.u32 $0x7, v3  }
0x163: {  	v3 =	vor.u32 v3, v4  }
0x164: {  	v4 =	vperm.xlane v3, v0;
	_ =	sdelay $0x1  }
0x165: {  	v4 =	vadd.s32 v1, v4;
	_ =	sdelay $0x3  }
0x166: {  	s12 =	simm.s32 $0x9100;
	v3 =	vperm.xlane v3, v2  }
0x167: {  	[tilespmem:s12], [sflag:$0x2] =	stream.indirect_vreg.gather [hbm4b:s19+s5], $0x80, v4, vm0, $0xb8;
	[tilespmem:$0x1E100] =	vst v63  }
0x168: {  	s14 =	simm.s32 $0x9900;
	v3 =	vadd.s32 v1, v3  }
0x169: {  	[tilespmem:s14], [sflag:$0x2] =	stream.indirect_vreg.gather [hbm4b:s6+s5], $0x80, v4, vm0, $0xb8;
	[tilespmem:$0x1E100] =	vst v63  }
0x16a: {  	s20 =	simm.s32 $0xA100  }
0x16b: {  	[tilespmem:s20], [sflag:$0x2] =	stream.indirect_vreg.gather [hbm4b:s7+s5], $0x80, v4, vm0, $0xb8;
	[tilespmem:$0x1E100] =	vst v63  }
0x16c: {  	s22 =	simm.s32 $0xA900  }
0x16d: {  	[tilespmem:s22], [sflag:$0x2] =	stream.indirect_vreg.gather [hbm4b:s19+s5], $0x80, v3, vm0, $0xb8;
	[tilespmem:$0x1E100] =	vst v63  }
0x16e: {  	s23 =	simm.s32 $0xB100  }
0x16f: {  	[tilespmem:s23], [sflag:$0x2] =	stream.indirect_vreg.gather [hbm4b:s6+s5], $0x80, v3, vm0, $0xb8;
	[tilespmem:$0x1E100] =	vst v63  }
0x170: {  	s24 =	simm.s32 $0xB900;
	s28 =	simm.s32 $0x5  }
0x171: {  	[tilespmem:s24], [sflag:$0x2] =	stream.indirect_vreg.gather [hbm4b:s7+s5], $0x80, v3, vm0, $0xb8;
	[tilespmem:$0x1E100] =	vst v63  }
0x172: {  	_ =	swait.ge [sflag:s28], $0x6000  }
0x173: {  	[sflag:s28] =	ssyncset.done $0x0  }
0x174: {  	s12 =	simm.s32 $0x18100;
	s25 =	rddreg [dreg:$0x14];
	[sflag:s28] =	ssyncadd.s32 $0xFFFFA000  }
0x175: {  	[hbm4b:s25+s5] =	stream.linear.scatter [tilespmem:s12], [sflag:$0xA], $0x6000, $0x38;
	[tilespmem:$0x1E100] =	vst v63  }
0x176: {  	s22 =	simm.s32 $0x8;
	s3 =	rddreg [dreg:$0x15]  }
0x177: {  	[hbm4b:s3+s5] =	stream.linear.scatter [tilespmem:s12], [sflag:$0xF], $0x6000, $0x38;
	[tilespmem:$0x1E100] =	vst v63  }
0x178: {  	_ =	swait.ge [sflag:s22], $0x6000  }
0x179: {  	[sflag:s22] =	ssyncset.done $0x0  }
0x17a: {  	s23 =	simm.s32 $0xD;
	[sflag:s22] =	ssyncadd.s32 $0xFFFFA000  }
0x17b: {  	_ =	swait.ge [sflag:s23], $0x6000  }
0x17c: {  	[sflag:s23] =	ssyncset.done $0x0  }
0x17d: {  	[sflag:s23] =	ssyncadd.s32 $0xFFFFA000  }
0x17e: {  	v3 =	vld [tilespmem:$0xE0];
	_ =	sdelay $0x4  }
0x17f: {  	v30 =	vshrl.u32 v3, $0x3  }
0x180: {  	v4 =	vmul.u32 $0x30, v30  }
0x181: {  	v3 =	vand.u32 $0x7, v3  }
0x182: {  	v3 =	vor.u32 v3, v4  }
0x183: {  	v4 =	vperm.xlane v3, v0;
	_ =	sdelay $0x1  }
0x184: {  	v4 =	vadd.s32 v1, v4;
	_ =	sdelay $0x3  }
0x185: {  	s0 =	simm.s32 $0xC100;
	v3 =	vperm.xlane v3, v2  }
0x186: {  	[tilespmem:s0], [sflag:$0x3] =	stream.indirect_vreg.gather [hbm4b:s19+s5], $0x80, v4, vm0, $0xb8;
	[tilespmem:$0x1E100] =	vst v63  }
0x187: {  	s14 =	simm.s32 $0xC900;
	v3 =	vadd.s32 v1, v3  }
0x188: {  	[tilespmem:s14], [sflag:$0x3] =	stream.indirect_vreg.gather [hbm4b:s6+s5], $0x80, v4, vm0, $0xb8;
	[tilespmem:$0x1E100] =	vst v63  }
0x189: {  	s20 =	simm.s32 $0xD100  }
0x18a: {  	[tilespmem:s20], [sflag:$0x3] =	stream.indirect_vreg.gather [hbm4b:s7+s5], $0x80, v4, vm0, $0xb8;
	[tilespmem:$0x1E100] =	vst v63  }
0x18b: {  	s24 =	simm.s32 $0xD900  }
0x18c: {  	[tilespmem:s24], [sflag:$0x3] =	stream.indirect_vreg.gather [hbm4b:s19+s5], $0x80, v3, vm0, $0xb8;
	[tilespmem:$0x1E100] =	vst v63  }
0x18d: {  	s25 =	simm.s32 $0xE100  }
0x18e: {  	[tilespmem:s25], [sflag:$0x3] =	stream.indirect_vreg.gather [hbm4b:s6+s5], $0x80, v3, vm0, $0xb8;
	[tilespmem:$0x1E100] =	vst v63  }
0x18f: {  	s30 =	simm.s32 $0xE900  }
0x190: {  	[tilespmem:s30], [sflag:$0x3] =	stream.indirect_vreg.gather [hbm4b:s7+s5], $0x80, v3, vm0, $0xb8;
	[tilespmem:$0x1E100] =	vst v63  }
0x191: {  	v3 =	vld [tilespmem:$0xF0];
	_ =	sdelay $0x4  }
0x192: {  	v31 =	vshrl.u32 v3, $0x3  }
0x193: {  	v4 =	vmul.u32 $0x30, v31  }
0x194: {  	v3 =	vand.u32 $0x7, v3  }
0x195: {  	v3 =	vor.u32 v3, v4  }
0x196: {  	v4 =	vperm.xlane v3, v0;
	_ =	sdelay $0x1  }
0x197: {  	v4 =	vadd.s32 v1, v4;
	_ =	sdelay $0x3  }
0x198: {  	s12 =	simm.s32 $0xF100;
	v3 =	vperm.xlane v3, v2  }
0x199: {  	[tilespmem:s12], [sflag:$0x3] =	stream.indirect_vreg.gather [hbm4b:s19+s5], $0x80, v4, vm0, $0xb8;
	[tilespmem:$0x1E100] =	vst v63  }
0x19a: {  	s14 =	simm.s32 $0xF900;
	v3 =	vadd.s32 v1, v3  }
0x19b: {  	[tilespmem:s14], [sflag:$0x3] =	stream.indirect_vreg.gather [hbm4b:s6+s5], $0x80, v4, vm0, $0xb8;
	[tilespmem:$0x1E100] =	vst v63  }
0x19c: {  	s20 =	simm.s32 $0x10100  }
0x19d: {  	[tilespmem:s20], [sflag:$0x3] =	stream.indirect_vreg.gather [hbm4b:s7+s5], $0x80, v4, vm0, $0xb8;
	[tilespmem:$0x1E100] =	vst v63  }
0x19e: {  	s24 =	simm.s32 $0x10900  }
0x19f: {  	[tilespmem:s24], [sflag:$0x3] =	stream.indirect_vreg.gather [hbm4b:s19+s5], $0x80, v3, vm0, $0xb8;
	[tilespmem:$0x1E100] =	vst v63  }
0x1a0: {  	s25 =	simm.s32 $0x11100  }
0x1a1: {  	[tilespmem:s25], [sflag:$0x3] =	stream.indirect_vreg.gather [hbm4b:s6+s5], $0x80, v3, vm0, $0xb8;
	[tilespmem:$0x1E100] =	vst v63  }
0x1a2: {  	s30 =	simm.s32 $0x11900  }
0x1a3: {  	[tilespmem:s30], [sflag:$0x3] =	stream.indirect_vreg.gather [hbm4b:s7+s5], $0x80, v3, vm0, $0xb8;
	[tilespmem:$0x1E100] =	vst v63  }
0x1a4: {  	_ =	swait.ge [sflag:s13], $0x6000  }
0x1a5: {  	[sflag:s13] =	ssyncset.done $0x0  }
0x1a6: {  	s12 =	rddreg [dreg:$0x16];
	[sflag:s13] =	ssyncadd.s32 $0xFFFFA000  }
0x1a7: {  	[hbm4b:s12+s5] =	stream.linear.scatter [tilespmem:s26], [sflag:$0x6], $0x6000, $0x38;
	[tilespmem:$0x1E100] =	vst v63  }
0x1a8: {  	s24 =	simm.s32 $0x9;
	s14 =	rddreg [dreg:$0x17]  }
0x1a9: {  	[hbm4b:s14+s5] =	stream.linear.scatter [tilespmem:s26], [sflag:$0xB], $0x6000, $0x38;
	[tilespmem:$0x1E100] =	vst v63  }
0x1aa: {  	_ =	swait.ge [sflag:s24], $0x6000  }
0x1ab: {  	[sflag:s24] =	ssyncset.done $0x0  }
0x1ac: {  	s3 =	simm.s32 $0xE;
	[sflag:s24] =	ssyncadd.s32 $0xFFFFA000  }
0x1ad: {  	_ =	swait.ge [sflag:s3], $0x6000  }
0x1ae: {  	[sflag:s3] =	ssyncset.done $0x0  }
0x1af: {  	[sflag:s3] =	ssyncadd.s32 $0xFFFFA000  }
0x1b0: {  	v3 =	vld [tilespmem:$0x0];
	_ =	sdelay $0x4  }
0x1b1: {  	v32 =	vshrl.u32 v3, $0x3  }
0x1b2: {  	v4 =	vmul.u32 $0x30, v32  }
0x1b3: {  	v3 =	vand.u32 $0x7, v3  }
0x1b4: {  	v3 =	vor.u32 v3, v4  }
0x1b5: {  	v4 =	vperm.xlane v3, v0;
	_ =	sdelay $0x1  }
0x1b6: {  	v4 =	vadd.s32 v1, v4;
	_ =	sdelay $0x3  }
0x1b7: {  	v3 =	vperm.xlane v3, v2  }
0x1b8: {  	[tilespmem:s29], [sflag:$0x4] =	stream.indirect_vreg.gather [hbm4b:s1+s5], $0x80, v4, vm0, $0xb8;
	[tilespmem:$0x1E100] =	vst v63  }
0x1b9: {  	s20 =	simm.s32 $0x12900;
	v3 =	vadd.s32 v1, v3  }
0x1ba: {  	[tilespmem:s20], [sflag:$0x4] =	stream.indirect_vreg.gather [hbm4b:s8+s5], $0x80, v4, vm0, $0xb8;
	[tilespmem:$0x1E100] =	vst v63  }
0x1bb: {  	s25 =	simm.s32 $0x13100  }
0x1bc: {  	[tilespmem:s25], [sflag:$0x4] =	stream.indirect_vreg.gather [hbm4b:s9+s5], $0x80, v4, vm0, $0xb8;
	[tilespmem:$0x1E100] =	vst v63  }
0x1bd: {  	s30 =	simm.s32 $0x13900  }
0x1be: {  	[tilespmem:s30], [sflag:$0x4] =	stream.indirect_vreg.gather [hbm4b:s1+s5], $0x80, v3, vm0, $0xb8;
	[tilespmem:$0x1E100] =	vst v63  }
0x1bf: {  	s14 =	simm.s32 $0x14100  }
0x1c0: {  	[tilespmem:s14], [sflag:$0x4] =	stream.indirect_vreg.gather [hbm4b:s8+s5], $0x80, v3, vm0, $0xb8;
	[tilespmem:$0x1E100] =	vst v63  }
0x1c1: {  	s20 =	simm.s32 $0x14900  }
0x1c2: {  	[tilespmem:s20], [sflag:$0x4] =	stream.indirect_vreg.gather [hbm4b:s9+s5], $0x80, v3, vm0, $0xb8;
	[tilespmem:$0x1E100] =	vst v63  }
0x1c3: {  	v3 =	vld [tilespmem:$0x10];
	_ =	sdelay $0x4  }
0x1c4: {  	v33 =	vshrl.u32 v3, $0x3  }
0x1c5: {  	v4 =	vmul.u32 $0x30, v33  }
0x1c6: {  	v3 =	vand.u32 $0x7, v3  }
0x1c7: {  	v3 =	vor.u32 v3, v4  }
0x1c8: {  	v4 =	vperm.xlane v3, v0;
	_ =	sdelay $0x1  }
0x1c9: {  	v4 =	vadd.s32 v1, v4;
	_ =	sdelay $0x3  }
0x1ca: {  	s25 =	simm.s32 $0x15100;
	v3 =	vperm.xlane v3, v2  }
0x1cb: {  	[tilespmem:s25], [sflag:$0x4] =	stream.indirect_vreg.gather [hbm4b:s1+s5], $0x80, v4, vm0, $0xb8;
	[tilespmem:$0x1E100] =	vst v63  }
0x1cc: {  	s30 =	simm.s32 $0x15900;
	v3 =	vadd.s32 v1, v3  }
0x1cd: {  	[tilespmem:s30], [sflag:$0x4] =	stream.indirect_vreg.gather [hbm4b:s8+s5], $0x80, v4, vm0, $0xb8;
	[tilespmem:$0x1E100] =	vst v63  }
0x1ce: {  	s14 =	simm.s32 $0x16100  }
0x1cf: {  	[tilespmem:s14], [sflag:$0x4] =	stream.indirect_vreg.gather [hbm4b:s9+s5], $0x80, v4, vm0, $0xb8;
	[tilespmem:$0x1E100] =	vst v63  }
0x1d0: {  	s20 =	simm.s32 $0x16900  }
0x1d1: {  	[tilespmem:s20], [sflag:$0x4] =	stream.indirect_vreg.gather [hbm4b:s1+s5], $0x80, v3, vm0, $0xb8;
	[tilespmem:$0x1E100] =	vst v63  }
0x1d2: {  	s25 =	simm.s32 $0x17100  }
0x1d3: {  	[tilespmem:s25], [sflag:$0x4] =	stream.indirect_vreg.gather [hbm4b:s8+s5], $0x80, v3, vm0, $0xb8;
	[tilespmem:$0x1E100] =	vst v63  }
0x1d4: {  	s30 =	simm.s32 $0x17900  }
0x1d5: {  	[tilespmem:s30], [sflag:$0x4] =	stream.indirect_vreg.gather [hbm4b:s9+s5], $0x80, v3, vm0, $0xb8;
	[tilespmem:$0x1E100] =	vst v63  }
0x1d6: {  	_ =	swait.ge [sflag:s31], $0x6000  }
0x1d7: {  	[sflag:s31] =	ssyncset.done $0x0  }
0x1d8: {  	s25 =	simm.s32 $0x6100;
	s12 =	rddreg [dreg:$0x18];
	[sflag:s31] =	ssyncadd.s32 $0xFFFFA000  }
0x1d9: {  	[hbm4b:s12+s5] =	stream.linear.scatter [tilespmem:s25], [sflag:$0x7], $0x6000, $0x38;
	[tilespmem:$0x1E100] =	vst v63  }
0x1da: {  	s14 =	rddreg [dreg:$0x19];
	s12 =	simm.s32 $0xA  }
0x1db: {  	[hbm4b:s14+s5] =	stream.linear.scatter [tilespmem:s25], [sflag:$0xC], $0x6000, $0x38;
	[tilespmem:$0x1E100] =	vst v63  }
0x1dc: {  	_ =	swait.ge [sflag:s12], $0x6000  }
0x1dd: {  	[sflag:s12] =	ssyncset.done $0x0  }
0x1de: {  	s14 =	simm.s32 $0xF;
	[sflag:s12] =	ssyncadd.s32 $0xFFFFA000  }
0x1df: {  	_ =	swait.ge [sflag:s14], $0x6000  }
0x1e0: {  	[sflag:s14] =	ssyncset.done $0x0  }
0x1e1: {  	[sflag:s14] =	ssyncadd.s32 $0xFFFFA000  }
0x1e2: {  	v3 =	vld [tilespmem:$0x20];
	_ =	sdelay $0x4  }
0x1e3: {  	v34 =	vshrl.u32 v3, $0x3  }
0x1e4: {  	v4 =	vmul.u32 $0x30, v34  }
0x1e5: {  	v3 =	vand.u32 $0x7, v3  }
0x1e6: {  	v3 =	vor.u32 v3, v4  }
0x1e7: {  	v4 =	vperm.xlane v3, v0;
	_ =	sdelay $0x1  }
0x1e8: {  	v4 =	vadd.s32 v1, v4;
	_ =	sdelay $0x3  }
0x1e9: {  	s30 =	simm.s32 $0x18100;
	v3 =	vperm.xlane v3, v2  }
0x1ea: {  	[tilespmem:s30], [sflag:$0x5] =	stream.indirect_vreg.gather [hbm4b:s1+s5], $0x80, v4, vm0, $0xb8;
	[tilespmem:$0x1E100] =	vst v63  }
0x1eb: {  	v3 =	vadd.s32 v1, v3;
	s30 =	simm.s32 $0x18900  }
0x1ec: {  	[tilespmem:s30], [sflag:$0x5] =	stream.indirect_vreg.gather [hbm4b:s8+s5], $0x80, v4, vm0, $0xb8;
	[tilespmem:$0x1E100] =	vst v63  }
0x1ed: {  	s30 =	simm.s32 $0x19100  }
0x1ee: {  	[tilespmem:s30], [sflag:$0x5] =	stream.indirect_vreg.gather [hbm4b:s9+s5], $0x80, v4, vm0, $0xb8;
	[tilespmem:$0x1E100] =	vst v63  }
0x1ef: {  	s30 =	simm.s32 $0x19900  }
0x1f0: {  	[tilespmem:s30], [sflag:$0x5] =	stream.indirect_vreg.gather [hbm4b:s1+s5], $0x80, v3, vm0, $0xb8;
	[tilespmem:$0x1E100] =	vst v63  }
0x1f1: {  	s30 =	simm.s32 $0x1A100  }
0x1f2: {  	[tilespmem:s30], [sflag:$0x5] =	stream.indirect_vreg.gather [hbm4b:s8+s5], $0x80, v3, vm0, $0xb8;
	[tilespmem:$0x1E100] =	vst v63  }
0x1f3: {  	s30 =	simm.s32 $0x1A900  }
0x1f4: {  	[tilespmem:s30], [sflag:$0x5] =	stream.indirect_vreg.gather [hbm4b:s9+s5], $0x80, v3, vm0, $0xb8;
	[tilespmem:$0x1E100] =	vst v63  }
0x1f5: {  	v3 =	vld [tilespmem:$0x30];
	_ =	sdelay $0x4  }
0x1f6: {  	v35 =	vshrl.u32 v3, $0x3  }
0x1f7: {  	v4 =	vmul.u32 $0x30, v35  }
0x1f8: {  	v3 =	vand.u32 $0x7, v3  }
0x1f9: {  	v3 =	vor.u32 v3, v4  }
0x1fa: {  	v4 =	vperm.xlane v3, v0;
	_ =	sdelay $0x1  }
0x1fb: {  	v4 =	vadd.s32 v1, v4;
	_ =	sdelay $0x3  }
0x1fc: {  	s30 =	simm.s32 $0x1B100;
	v3 =	vperm.xlane v3, v2  }
0x1fd: {  	[tilespmem:s30], [sflag:$0x5] =	stream.indirect_vreg.gather [hbm4b:s1+s5], $0x80, v4, vm0, $0xb8;
	[tilespmem:$0x1E100] =	vst v63  }
0x1fe: {  	v3 =	vadd.s32 v1, v3;
	s30 =	simm.s32 $0x1B900  }
0x1ff: {  	[tilespmem:s30], [sflag:$0x5] =	stream.indirect_vreg.gather [hbm4b:s8+s5], $0x80, v4, vm0, $0xb8;
	[tilespmem:$0x1E100] =	vst v63  }
0x200: {  	s30 =	simm.s32 $0x1C100  }
0x201: {  	[tilespmem:s30], [sflag:$0x5] =	stream.indirect_vreg.gather [hbm4b:s9+s5], $0x80, v4, vm0, $0xb8;
	[tilespmem:$0x1E100] =	vst v63  }
0x202: {  	s30 =	simm.s32 $0x1C900  }
0x203: {  	[tilespmem:s30], [sflag:$0x5] =	stream.indirect_vreg.gather [hbm4b:s1+s5], $0x80, v3, vm0, $0xb8;
	[tilespmem:$0x1E100] =	vst v63  }
0x204: {  	s30 =	simm.s32 $0x1D100  }
0x205: {  	[tilespmem:s30], [sflag:$0x5] =	stream.indirect_vreg.gather [hbm4b:s8+s5], $0x80, v3, vm0, $0xb8;
	[tilespmem:$0x1E100] =	vst v63  }
0x206: {  	s30 =	simm.s32 $0x1D900  }
0x207: {  	[tilespmem:s30], [sflag:$0x5] =	stream.indirect_vreg.gather [hbm4b:s9+s5], $0x80, v3, vm0, $0xb8;
	[tilespmem:$0x1E100] =	vst v63  }
0x208: {  	_ =	swait.ge [sflag:s4], $0x6000  }
0x209: {  	[sflag:s4] =	ssyncset.done $0x0  }
0x20a: {  	s20 =	rddreg [dreg:$0x1a];
	[sflag:s4] =	ssyncadd.s32 $0xFFFFA000  }
0x20b: {  	[hbm4b:s20+s5] =	stream.linear.scatter [tilespmem:s0], [sflag:$0x8], $0x6000, $0x38;
	[tilespmem:$0x1E100] =	vst v63  }
0x20c: {  	s30 =	rddreg [dreg:$0x1b]  }
0x20d: {  	[hbm4b:s30+s5] =	stream.linear.scatter [tilespmem:s0], [sflag:$0xD], $0x6000, $0x38;
	[tilespmem:$0x1E100] =	vst v63  }
0x20e: {  	_ =	swait.ge [sflag:s15], $0x6000  }
0x20f: {  	[sflag:s15] =	ssyncset.done $0x0  }
0x210: {  	[sflag:s15] =	ssyncadd.s32 $0xFFFFA000  }
0x211: {  	_ =	swait.ge [sflag:s16], $0x6000  }
0x212: {  	[sflag:s16] =	ssyncset.done $0x0  }
0x213: {  	[sflag:s16] =	ssyncadd.s32 $0xFFFFA000  }
0x214: {  	v3 =	vld [tilespmem:$0x40];
	_ =	sdelay $0x4  }
0x215: {  	v36 =	vshrl.u32 v3, $0x3  }
0x216: {  	v4 =	vmul.u32 $0x30, v36  }
0x217: {  	v3 =	vand.u32 $0x7, v3  }
0x218: {  	v3 =	vor.u32 v3, v4  }
0x219: {  	v4 =	vperm.xlane v3, v0;
	_ =	sdelay $0x1  }
0x21a: {  	v4 =	vadd.s32 v1, v4;
	_ =	sdelay $0x3  }
0x21b: {  	v3 =	vperm.xlane v3, v2  }
0x21c: {  	[tilespmem:s26], [sflag:$0x1] =	stream.indirect_vreg.gather [hbm4b:s1+s5], $0x80, v4, vm0, $0xb8;
	[tilespmem:$0x1E100] =	vst v63  }
0x21d: {  	s30 =	simm.s32 $0x900;
	v3 =	vadd.s32 v1, v3  }
0x21e: {  	[tilespmem:s30], [sflag:$0x1] =	stream.indirect_vreg.gather [hbm4b:s8+s5], $0x80, v4, vm0, $0xb8;
	[tilespmem:$0x1E100] =	vst v63  }
0x21f: {  	s30 =	simm.s32 $0x1100  }
0x220: {  	[tilespmem:s30], [sflag:$0x1] =	stream.indirect_vreg.gather [hbm4b:s9+s5], $0x80, v4, vm0, $0xb8;
	[tilespmem:$0x1E100] =	vst v63  }
0x221: {  	s30 =	simm.s32 $0x1900  }
0x222: {  	[tilespmem:s30], [sflag:$0x1] =	stream.indirect_vreg.gather [hbm4b:s1+s5], $0x80, v3, vm0, $0xb8;
	[tilespmem:$0x1E100] =	vst v63  }
0x223: {  	s30 =	simm.s32 $0x2100  }
0x224: {  	[tilespmem:s30], [sflag:$0x1] =	stream.indirect_vreg.gather [hbm4b:s8+s5], $0x80, v3, vm0, $0xb8;
	[tilespmem:$0x1E100] =	vst v63  }
0x225: {  	s30 =	simm.s32 $0x2900  }
0x226: {  	[tilespmem:s30], [sflag:$0x1] =	stream.indirect_vreg.gather [hbm4b:s9+s5], $0x80, v3, vm0, $0xb8;
	[tilespmem:$0x1E100] =	vst v63  }
0x227: {  	v3 =	vld [tilespmem:$0x50];
	_ =	sdelay $0x4  }
0x228: {  	v37 =	vshrl.u32 v3, $0x3  }
0x229: {  	v4 =	vmul.u32 $0x30, v37  }
0x22a: {  	v3 =	vand.u32 $0x7, v3  }
0x22b: {  	v3 =	vor.u32 v3, v4  }
0x22c: {  	v4 =	vperm.xlane v3, v0;
	_ =	sdelay $0x1  }
0x22d: {  	v4 =	vadd.s32 v1, v4;
	_ =	sdelay $0x3  }
0x22e: {  	s30 =	simm.s32 $0x3100;
	v3 =	vperm.xlane v3, v2  }
0x22f: {  	[tilespmem:s30], [sflag:$0x1] =	stream.indirect_vreg.gather [hbm4b:s1+s5], $0x80, v4, vm0, $0xb8;
	[tilespmem:$0x1E100] =	vst v63  }
0x230: {  	v3 =	vadd.s32 v1, v3;
	s30 =	simm.s32 $0x3900  }
0x231: {  	[tilespmem:s30], [sflag:$0x1] =	stream.indirect_vreg.gather [hbm4b:s8+s5], $0x80, v4, vm0, $0xb8;
	[tilespmem:$0x1E100] =	vst v63  }
0x232: {  	s30 =	simm.s32 $0x4100  }
0x233: {  	[tilespmem:s30], [sflag:$0x1] =	stream.indirect_vreg.gather [hbm4b:s9+s5], $0x80, v4, vm0, $0xb8;
	[tilespmem:$0x1E100] =	vst v63  }
0x234: {  	s30 =	simm.s32 $0x4900  }
0x235: {  	[tilespmem:s30], [sflag:$0x1] =	stream.indirect_vreg.gather [hbm4b:s1+s5], $0x80, v3, vm0, $0xb8;
	[tilespmem:$0x1E100] =	vst v63  }
0x236: {  	s30 =	simm.s32 $0x5100  }
0x237: {  	[tilespmem:s30], [sflag:$0x1] =	stream.indirect_vreg.gather [hbm4b:s8+s5], $0x80, v3, vm0, $0xb8;
	[tilespmem:$0x1E100] =	vst v63  }
0x238: {  	s30 =	simm.s32 $0x5900  }
0x239: {  	[tilespmem:s30], [sflag:$0x1] =	stream.indirect_vreg.gather [hbm4b:s9+s5], $0x80, v3, vm0, $0xb8;
	[tilespmem:$0x1E100] =	vst v63  }
0x23a: {  	_ =	swait.ge [sflag:s17], $0x6000  }
0x23b: {  	[sflag:s17] =	ssyncset.done $0x0  }
0x23c: {  	s20 =	rddreg [dreg:$0x1c];
	[sflag:s17] =	ssyncadd.s32 $0xFFFFA000  }
0x23d: {  	[hbm4b:s20+s5] =	stream.linear.scatter [tilespmem:s29], [sflag:$0x9], $0x6000, $0x38;
	[tilespmem:$0x1E100] =	vst v63  }
0x23e: {  	s30 =	rddreg [dreg:$0x1d]  }
0x23f: {  	[hbm4b:s30+s5] =	stream.linear.scatter [tilespmem:s29], [sflag:$0xE], $0x6000, $0x38;
	[tilespmem:$0x1E100] =	vst v63  }
0x240: {  	_ =	swait.ge [sflag:s18], $0x6000  }
0x241: {  	[sflag:s18] =	ssyncset.done $0x0  }
0x242: {  	[sflag:s18] =	ssyncadd.s32 $0xFFFFA000  }
0x243: {  	_ =	swait.ge [sflag:s21], $0x6000  }
0x244: {  	[sflag:s21] =	ssyncset.done $0x0  }
0x245: {  	[sflag:s21] =	ssyncadd.s32 $0xFFFFA000  }
0x246: {  	v3 =	vld [tilespmem:$0x60];
	_ =	sdelay $0x4  }
0x247: {  	v38 =	vshrl.u32 v3, $0x3  }
0x248: {  	v4 =	vmul.u32 $0x30, v38  }
0x249: {  	v3 =	vand.u32 $0x7, v3  }
0x24a: {  	v3 =	vor.u32 v3, v4  }
0x24b: {  	v4 =	vperm.xlane v3, v0;
	_ =	sdelay $0x1  }
0x24c: {  	v4 =	vadd.s32 v1, v4;
	_ =	sdelay $0x3  }
0x24d: {  	s25 =	simm.s32 $0x6100;
	v3 =	vperm.xlane v3, v2  }
0x24e: {  	[tilespmem:s25], [sflag:$0x2] =	stream.indirect_vreg.gather [hbm4b:s1+s5], $0x80, v4, vm0, $0xb8;
	[tilespmem:$0x1E100] =	vst v63  }
0x24f: {  	v3 =	vadd.s32 v1, v3;
	s25 =	simm.s32 $0x6900  }
0x250: {  	[tilespmem:s25], [sflag:$0x2] =	stream.indirect_vreg.gather [hbm4b:s8+s5], $0x80, v4, vm0, $0xb8;
	[tilespmem:$0x1E100] =	vst v63  }
0x251: {  	s30 =	simm.s32 $0x7100  }
0x252: {  	[tilespmem:s30], [sflag:$0x2] =	stream.indirect_vreg.gather [hbm4b:s9+s5], $0x80, v4, vm0, $0xb8;
	[tilespmem:$0x1E100] =	vst v63  }
0x253: {  	s25 =	simm.s32 $0x7900  }
0x254: {  	[tilespmem:s25], [sflag:$0x2] =	stream.indirect_vreg.gather [hbm4b:s1+s5], $0x80, v3, vm0, $0xb8;
	[tilespmem:$0x1E100] =	vst v63  }
0x255: {  	s30 =	simm.s32 $0x8100  }
0x256: {  	[tilespmem:s30], [sflag:$0x2] =	stream.indirect_vreg.gather [hbm4b:s8+s5], $0x80, v3, vm0, $0xb8;
	[tilespmem:$0x1E100] =	vst v63  }
0x257: {  	s25 =	simm.s32 $0x8900  }
0x258: {  	[tilespmem:s25], [sflag:$0x2] =	stream.indirect_vreg.gather [hbm4b:s9+s5], $0x80, v3, vm0, $0xb8;
	[tilespmem:$0x1E100] =	vst v63  }
0x259: {  	v3 =	vld [tilespmem:$0x70];
	_ =	sdelay $0x4  }
0x25a: {  	v39 =	vshrl.u32 v3, $0x3  }
0x25b: {  	v4 =	vmul.u32 $0x30, v39  }
0x25c: {  	v3 =	vand.u32 $0x7, v3  }
0x25d: {  	v3 =	vor.u32 v3, v4  }
0x25e: {  	v4 =	vperm.xlane v3, v0;
	_ =	sdelay $0x1  }
0x25f: {  	v4 =	vadd.s32 v1, v4;
	_ =	sdelay $0x3  }
0x260: {  	s30 =	simm.s32 $0x9100;
	v3 =	vperm.xlane v3, v2  }
0x261: {  	[tilespmem:s30], [sflag:$0x2] =	stream.indirect_vreg.gather [hbm4b:s1+s5], $0x80, v4, vm0, $0xb8;
	[tilespmem:$0x1E100] =	vst v63  }
0x262: {  	s25 =	simm.s32 $0x9900;
	v3 =	vadd.s32 v1, v3  }
0x263: {  	[tilespmem:s25], [sflag:$0x2] =	stream.indirect_vreg.gather [hbm4b:s8+s5], $0x80, v4, vm0, $0xb8;
	[tilespmem:$0x1E100] =	vst v63  }
0x264: {  	s30 =	simm.s32 $0xA100  }
0x265: {  	[tilespmem:s30], [sflag:$0x2] =	stream.indirect_vreg.gather [hbm4b:s9+s5], $0x80, v4, vm0, $0xb8;
	[tilespmem:$0x1E100] =	vst v63  }
0x266: {  	s25 =	simm.s32 $0xA900  }
0x267: {  	[tilespmem:s25], [sflag:$0x2] =	stream.indirect_vreg.gather [hbm4b:s1+s5], $0x80, v3, vm0, $0xb8;
	[tilespmem:$0x1E100] =	vst v63  }
0x268: {  	s30 =	simm.s32 $0xB100  }
0x269: {  	[tilespmem:s30], [sflag:$0x2] =	stream.indirect_vreg.gather [hbm4b:s8+s5], $0x80, v3, vm0, $0xb8;
	[tilespmem:$0x1E100] =	vst v63  }
0x26a: {  	s25 =	simm.s32 $0xB900  }
0x26b: {  	[tilespmem:s25], [sflag:$0x2] =	stream.indirect_vreg.gather [hbm4b:s9+s5], $0x80, v3, vm0, $0xb8;
	[tilespmem:$0x1E100] =	vst v63  }
0x26c: {  	_ =	swait.ge [sflag:s28], $0x6000  }
0x26d: {  	[sflag:s28] =	ssyncset.done $0x0  }
0x26e: {  	s25 =	simm.s32 $0x18100;
	s20 =	rddreg [dreg:$0x1e];
	[sflag:s28] =	ssyncadd.s32 $0xFFFFA000  }
0x26f: {  	[hbm4b:s20+s5] =	stream.linear.scatter [tilespmem:s25], [sflag:$0xA], $0x6000, $0x38;
	[tilespmem:$0x1E100] =	vst v63  }
0x270: {  	s30 =	rddreg [dreg:$0x1f]  }
0x271: {  	[hbm4b:s30+s5] =	stream.linear.scatter [tilespmem:s25], [sflag:$0xF], $0x6000, $0x38;
	[tilespmem:$0x1E100] =	vst v63  }
0x272: {  	_ =	swait.ge [sflag:s22], $0x6000  }
0x273: {  	[sflag:s22] =	ssyncset.done $0x0  }
0x274: {  	[sflag:s22] =	ssyncadd.s32 $0xFFFFA000  }
0x275: {  	_ =	swait.ge [sflag:s23], $0x6000  }
0x276: {  	[sflag:s23] =	ssyncset.done $0x0  }
0x277: {  	[sflag:s23] =	ssyncadd.s32 $0xFFFFA000  }
0x278: {  	v3 =	vld [tilespmem:$0x80];
	_ =	sdelay $0x4  }
0x279: {  	v40 =	vshrl.u32 v3, $0x3  }
0x27a: {  	v4 =	vmul.u32 $0x30, v40  }
0x27b: {  	v3 =	vand.u32 $0x7, v3  }
0x27c: {  	v3 =	vor.u32 v3, v4  }
0x27d: {  	v4 =	vperm.xlane v3, v0;
	_ =	sdelay $0x1  }
0x27e: {  	v4 =	vadd.s32 v1, v4;
	_ =	sdelay $0x3  }
0x27f: {  	v3 =	vperm.xlane v3, v2  }
0x280: {  	[tilespmem:s0], [sflag:$0x3] =	stream.indirect_vreg.gather [hbm4b:s1+s5], $0x80, v4, vm0, $0xb8;
	[tilespmem:$0x1E100] =	vst v63  }
0x281: {  	s30 =	simm.s32 $0xC900;
	v3 =	vadd.s32 v1, v3  }
0x282: {  	[tilespmem:s30], [sflag:$0x3] =	stream.indirect_vreg.gather [hbm4b:s8+s5], $0x80, v4, vm0, $0xb8;
	[tilespmem:$0x1E100] =	vst v63  }
0x283: {  	s0 =	simm.s32 $0xD100  }
0x284: {  	[tilespmem:s0], [sflag:$0x3] =	stream.indirect_vreg.gather [hbm4b:s9+s5], $0x80, v4, vm0, $0xb8;
	[tilespmem:$0x1E100] =	vst v63  }
0x285: {  	s30 =	simm.s32 $0xD900  }
0x286: {  	[tilespmem:s30], [sflag:$0x3] =	stream.indirect_vreg.gather [hbm4b:s1+s5], $0x80, v3, vm0, $0xb8;
	[tilespmem:$0x1E100] =	vst v63  }
0x287: {  	s0 =	simm.s32 $0xE100  }
0x288: {  	[tilespmem:s0], [sflag:$0x3] =	stream.indirect_vreg.gather [hbm4b:s8+s5], $0x80, v3, vm0, $0xb8;
	[tilespmem:$0x1E100] =	vst v63  }
0x289: {  	s30 =	simm.s32 $0xE900  }
0x28a: {  	[tilespmem:s30], [sflag:$0x3] =	stream.indirect_vreg.gather [hbm4b:s9+s5], $0x80, v3, vm0, $0xb8;
	[tilespmem:$0x1E100] =	vst v63  }
0x28b: {  	v3 =	vld [tilespmem:$0x90];
	_ =	sdelay $0x4  }
0x28c: {  	v41 =	vshrl.u32 v3, $0x3  }
0x28d: {  	v4 =	vmul.u32 $0x30, v41  }
0x28e: {  	v3 =	vand.u32 $0x7, v3  }
0x28f: {  	v3 =	vor.u32 v3, v4  }
0x290: {  	v4 =	vperm.xlane v3, v0;
	_ =	sdelay $0x1  }
0x291: {  	v4 =	vadd.s32 v1, v4;
	_ =	sdelay $0x3  }
0x292: {  	s0 =	simm.s32 $0xF100;
	v3 =	vperm.xlane v3, v2  }
0x293: {  	[tilespmem:s0], [sflag:$0x3] =	stream.indirect_vreg.gather [hbm4b:s1+s5], $0x80, v4, vm0, $0xb8;
	[tilespmem:$0x1E100] =	vst v63  }
0x294: {  	s30 =	simm.s32 $0xF900;
	v3 =	vadd.s32 v1, v3  }
0x295: {  	[tilespmem:s30], [sflag:$0x3] =	stream.indirect_vreg.gather [hbm4b:s8+s5], $0x80, v4, vm0, $0xb8;
	[tilespmem:$0x1E100] =	vst v63  }
0x296: {  	s0 =	simm.s32 $0x10100  }
0x297: {  	[tilespmem:s0], [sflag:$0x3] =	stream.indirect_vreg.gather [hbm4b:s9+s5], $0x80, v4, vm0, $0xb8;
	[tilespmem:$0x1E100] =	vst v63  }
0x298: {  	s30 =	simm.s32 $0x10900  }
0x299: {  	[tilespmem:s30], [sflag:$0x3] =	stream.indirect_vreg.gather [hbm4b:s1+s5], $0x80, v3, vm0, $0xb8;
	[tilespmem:$0x1E100] =	vst v63  }
0x29a: {  	s0 =	simm.s32 $0x11100  }
0x29b: {  	[tilespmem:s0], [sflag:$0x3] =	stream.indirect_vreg.gather [hbm4b:s8+s5], $0x80, v3, vm0, $0xb8;
	[tilespmem:$0x1E100] =	vst v63  }
0x29c: {  	s30 =	simm.s32 $0x11900  }
0x29d: {  	[tilespmem:s30], [sflag:$0x3] =	stream.indirect_vreg.gather [hbm4b:s9+s5], $0x80, v3, vm0, $0xb8;
	[tilespmem:$0x1E100] =	vst v63  }
0x29e: {  	_ =	swait.ge [sflag:s13], $0x6000  }
0x29f: {  	s20 =	sld [smem:$0x7E2]  }
0x2a0: {  	[sflag:s13] =	ssyncset.done $0x0  }
0x2a1: {  	s0 =	sld [smem:$0x7E3];
	[sflag:s13] =	ssyncadd.s32 $0xFFFFA000  }
0x2a2: {  	[hbm4b:s20+s5] =	stream.linear.scatter [tilespmem:s26], [sflag:$0x6], $0x6000, $0x38;
	[tilespmem:$0x1E100] =	vst v63  }
0x2a3: {  	_ = 	snop  }
0x2a4: {  	[hbm4b:s0+s5] =	stream.linear.scatter [tilespmem:s26], [sflag:$0xB], $0x6000, $0x38;
	[tilespmem:$0x1E100] =	vst v63  }
0x2a5: {  	_ =	swait.ge [sflag:s24], $0x6000  }
0x2a6: {  	[sflag:s24] =	ssyncset.done $0x0  }
0x2a7: {  	[sflag:s24] =	ssyncadd.s32 $0xFFFFA000  }
0x2a8: {  	_ =	swait.ge [sflag:s3], $0x6000  }
0x2a9: {  	[sflag:s3] =	ssyncset.done $0x0  }
0x2aa: {  	[sflag:s3] =	ssyncadd.s32 $0xFFFFA000  }
0x2ab: {  	v3 =	vld [tilespmem:$0xA0];
	_ =	sdelay $0x4  }
0x2ac: {  	v42 =	vshrl.u32 v3, $0x3  }
0x2ad: {  	v4 =	vmul.u32 $0x30, v42  }
0x2ae: {  	v3 =	vand.u32 $0x7, v3  }
0x2af: {  	v3 =	vor.u32 v3, v4  }
0x2b0: {  	v4 =	vperm.xlane v3, v0;
	_ =	sdelay $0x1  }
0x2b1: {  	v4 =	vadd.s32 v1, v4;
	_ =	sdelay $0x3  }
0x2b2: {  	v3 =	vperm.xlane v3, v2  }
0x2b3: {  	[tilespmem:s29], [sflag:$0x4] =	stream.indirect_vreg.gather [hbm4b:s1+s5], $0x80, v4, vm0, $0xb8;
	[tilespmem:$0x1E100] =	vst v63  }
0x2b4: {  	s0 =	simm.s32 $0x12900;
	v3 =	vadd.s32 v1, v3  }
0x2b5: {  	[tilespmem:s0], [sflag:$0x4] =	stream.indirect_vreg.gather [hbm4b:s8+s5], $0x80, v4, vm0, $0xb8;
	[tilespmem:$0x1E100] =	vst v63  }
0x2b6: {  	s30 =	simm.s32 $0x13100  }
0x2b7: {  	[tilespmem:s30], [sflag:$0x4] =	stream.indirect_vreg.gather [hbm4b:s9+s5], $0x80, v4, vm0, $0xb8;
	[tilespmem:$0x1E100] =	vst v63  }
0x2b8: {  	s0 =	simm.s32 $0x13900  }
0x2b9: {  	[tilespmem:s0], [sflag:$0x4] =	stream.indirect_vreg.gather [hbm4b:s1+s5], $0x80, v3, vm0, $0xb8;
	[tilespmem:$0x1E100] =	vst v63  }
0x2ba: {  	s30 =	simm.s32 $0x14100  }
0x2bb: {  	[tilespmem:s30], [sflag:$0x4] =	stream.indirect_vreg.gather [hbm4b:s8+s5], $0x80, v3, vm0, $0xb8;
	[tilespmem:$0x1E100] =	vst v63  }
0x2bc: {  	s0 =	simm.s32 $0x14900  }
0x2bd: {  	[tilespmem:s0], [sflag:$0x4] =	stream.indirect_vreg.gather [hbm4b:s9+s5], $0x80, v3, vm0, $0xb8;
	[tilespmem:$0x1E100] =	vst v63  }
0x2be: {  	v3 =	vld [tilespmem:$0xB0];
	_ =	sdelay $0x4  }
0x2bf: {  	v43 =	vshrl.u32 v3, $0x3  }
0x2c0: {  	v4 =	vmul.u32 $0x30, v43  }
0x2c1: {  	v3 =	vand.u32 $0x7, v3  }
0x2c2: {  	v3 =	vor.u32 v3, v4  }
0x2c3: {  	v4 =	vperm.xlane v3, v0;
	_ =	sdelay $0x1  }
0x2c4: {  	v4 =	vadd.s32 v1, v4;
	_ =	sdelay $0x3  }
0x2c5: {  	s30 =	simm.s32 $0x15100;
	v3 =	vperm.xlane v3, v2  }
0x2c6: {  	[tilespmem:s30], [sflag:$0x4] =	stream.indirect_vreg.gather [hbm4b:s1+s5], $0x80, v4, vm0, $0xb8;
	[tilespmem:$0x1E100] =	vst v63  }
0x2c7: {  	s0 =	simm.s32 $0x15900;
	v3 =	vadd.s32 v1, v3  }
0x2c8: {  	[tilespmem:s0], [sflag:$0x4] =	stream.indirect_vreg.gather [hbm4b:s8+s5], $0x80, v4, vm0, $0xb8;
	[tilespmem:$0x1E100] =	vst v63  }
0x2c9: {  	s30 =	simm.s32 $0x16100  }
0x2ca: {  	[tilespmem:s30], [sflag:$0x4] =	stream.indirect_vreg.gather [hbm4b:s9+s5], $0x80, v4, vm0, $0xb8;
	[tilespmem:$0x1E100] =	vst v63  }
0x2cb: {  	s0 =	simm.s32 $0x16900  }
0x2cc: {  	[tilespmem:s0], [sflag:$0x4] =	stream.indirect_vreg.gather [hbm4b:s1+s5], $0x80, v3, vm0, $0xb8;
	[tilespmem:$0x1E100] =	vst v63  }
0x2cd: {  	s30 =	simm.s32 $0x17100  }
0x2ce: {  	[tilespmem:s30], [sflag:$0x4] =	stream.indirect_vreg.gather [hbm4b:s8+s5], $0x80, v3, vm0, $0xb8;
	[tilespmem:$0x1E100] =	vst v63  }
0x2cf: {  	s0 =	simm.s32 $0x17900  }
0x2d0: {  	[tilespmem:s0], [sflag:$0x4] =	stream.indirect_vreg.gather [hbm4b:s9+s5], $0x80, v3, vm0, $0xb8;
	[tilespmem:$0x1E100] =	vst v63  }
0x2d1: {  	_ =	swait.ge [sflag:s31], $0x6000  }
0x2d2: {  	s20 =	sld [smem:$0x7E4]  }
0x2d3: {  	[sflag:s31] =	ssyncset.done $0x0  }
0x2d4: {  	s0 =	simm.s32 $0x6100;
	s30 =	sld [smem:$0x7E5];
	[sflag:s31] =	ssyncadd.s32 $0xFFFFA000  }
0x2d5: {  	[hbm4b:s20+s5] =	stream.linear.scatter [tilespmem:s0], [sflag:$0x7], $0x6000, $0x38;
	[tilespmem:$0x1E100] =	vst v63  }
0x2d6: {  	_ = 	snop  }
0x2d7: {  	[hbm4b:s30+s5] =	stream.linear.scatter [tilespmem:s0], [sflag:$0xC], $0x6000, $0x38;
	[tilespmem:$0x1E100] =	vst v63  }
0x2d8: {  	_ =	swait.ge [sflag:s12], $0x6000  }
0x2d9: {  	[sflag:s12] =	ssyncset.done $0x0  }
0x2da: {  	[sflag:s12] =	ssyncadd.s32 $0xFFFFA000  }
0x2db: {  	_ =	swait.ge [sflag:s14], $0x6000  }
0x2dc: {  	[sflag:s14] =	ssyncset.done $0x0  }
0x2dd: {  	[sflag:s14] =	ssyncadd.s32 $0xFFFFA000  }
0x2de: {  	v3 =	vld [tilespmem:$0xC0];
	_ =	sdelay $0x4  }
0x2df: {  	v44 =	vshrl.u32 v3, $0x3  }
0x2e0: {  	v4 =	vmul.u32 $0x30, v44  }
0x2e1: {  	v3 =	vand.u32 $0x7, v3  }
0x2e2: {  	v3 =	vor.u32 v3, v4  }
0x2e3: {  	v4 =	vperm.xlane v3, v0;
	_ =	sdelay $0x1  }
0x2e4: {  	v4 =	vadd.s32 v1, v4;
	_ =	sdelay $0x3  }
0x2e5: {  	s25 =	simm.s32 $0x18100;
	v3 =	vperm.xlane v3, v2  }
0x2e6: {  	[tilespmem:s25], [sflag:$0x5] =	stream.indirect_vreg.gather [hbm4b:s1+s5], $0x80, v4, vm0, $0xb8;
	[tilespmem:$0x1E100] =	vst v63  }
0x2e7: {  	v3 =	vadd.s32 v1, v3;
	s25 =	simm.s32 $0x18900  }
0x2e8: {  	[tilespmem:s25], [sflag:$0x5] =	stream.indirect_vreg.gather [hbm4b:s8+s5], $0x80, v4, vm0, $0xb8;
	[tilespmem:$0x1E100] =	vst v63  }
0x2e9: {  	s30 =	simm.s32 $0x19100  }
0x2ea: {  	[tilespmem:s30], [sflag:$0x5] =	stream.indirect_vreg.gather [hbm4b:s9+s5], $0x80, v4, vm0, $0xb8;
	[tilespmem:$0x1E100] =	vst v63  }
0x2eb: {  	s0 =	simm.s32 $0x19900  }
0x2ec: {  	[tilespmem:s0], [sflag:$0x5] =	stream.indirect_vreg.gather [hbm4b:s1+s5], $0x80, v3, vm0, $0xb8;
	[tilespmem:$0x1E100] =	vst v63  }
0x2ed: {  	s25 =	simm.s32 $0x1A100  }
0x2ee: {  	[tilespmem:s25], [sflag:$0x5] =	stream.indirect_vreg.gather [hbm4b:s8+s5], $0x80, v3, vm0, $0xb8;
	[tilespmem:$0x1E100] =	vst v63  }
0x2ef: {  	s30 =	simm.s32 $0x1A900  }
0x2f0: {  	[tilespmem:s30], [sflag:$0x5] =	stream.indirect_vreg.gather [hbm4b:s9+s5], $0x80, v3, vm0, $0xb8;
	[tilespmem:$0x1E100] =	vst v63  }
0x2f1: {  	v3 =	vld [tilespmem:$0xD0];
	_ =	sdelay $0x4  }
0x2f2: {  	v45 =	vshrl.u32 v3, $0x3  }
0x2f3: {  	v4 =	vmul.u32 $0x30, v45  }
0x2f4: {  	v3 =	vand.u32 $0x7, v3  }
0x2f5: {  	v3 =	vor.u32 v3, v4  }
0x2f6: {  	v4 =	vperm.xlane v3, v0;
	_ =	sdelay $0x1  }
0x2f7: {  	v4 =	vadd.s32 v1, v4;
	_ =	sdelay $0x3  }
0x2f8: {  	s0 =	simm.s32 $0x1B100;
	v3 =	vperm.xlane v3, v2  }
0x2f9: {  	[tilespmem:s0], [sflag:$0x5] =	stream.indirect_vreg.gather [hbm4b:s1+s5], $0x80, v4, vm0, $0xb8;
	[tilespmem:$0x1E100] =	vst v63  }
0x2fa: {  	s25 =	simm.s32 $0x1B900;
	v3 =	vadd.s32 v1, v3  }
0x2fb: {  	[tilespmem:s25], [sflag:$0x5] =	stream.indirect_vreg.gather [hbm4b:s8+s5], $0x80, v4, vm0, $0xb8;
	[tilespmem:$0x1E100] =	vst v63  }
0x2fc: {  	s30 =	simm.s32 $0x1C100  }
0x2fd: {  	[tilespmem:s30], [sflag:$0x5] =	stream.indirect_vreg.gather [hbm4b:s9+s5], $0x80, v4, vm0, $0xb8;
	[tilespmem:$0x1E100] =	vst v63  }
0x2fe: {  	s0 =	simm.s32 $0x1C900  }
0x2ff: {  	[tilespmem:s0], [sflag:$0x5] =	stream.indirect_vreg.gather [hbm4b:s1+s5], $0x80, v3, vm0, $0xb8;
	[tilespmem:$0x1E100] =	vst v63  }
0x300: {  	s25 =	simm.s32 $0x1D100  }
0x301: {  	[tilespmem:s25], [sflag:$0x5] =	stream.indirect_vreg.gather [hbm4b:s8+s5], $0x80, v3, vm0, $0xb8;
	[tilespmem:$0x1E100] =	vst v63  }
0x302: {  	s30 =	simm.s32 $0x1D900  }
0x303: {  	[tilespmem:s30], [sflag:$0x5] =	stream.indirect_vreg.gather [hbm4b:s9+s5], $0x80, v3, vm0, $0xb8;
	[tilespmem:$0x1E100] =	vst v63  }
0x304: {  	_ =	swait.ge [sflag:s4], $0x6000  }
0x305: {  	s20 =	sld [smem:$0x7E6]  }
0x306: {  	[sflag:s4] =	ssyncset.done $0x0  }
0x307: {  	s25 =	simm.s32 $0xC100;
	s0 =	sld [smem:$0x7E7];
	[sflag:s4] =	ssyncadd.s32 $0xFFFFA000  }
0x308: {  	[hbm4b:s20+s5] =	stream.linear.scatter [tilespmem:s25], [sflag:$0x8], $0x6000, $0x38;
	[tilespmem:$0x1E100] =	vst v63  }
0x309: {  	_ = 	snop  }
0x30a: {  	[hbm4b:s0+s5] =	stream.linear.scatter [tilespmem:s25], [sflag:$0xD], $0x6000, $0x38;
	[tilespmem:$0x1E100] =	vst v63  }
0x30b: {  	_ =	swait.ge [sflag:s15], $0x6000  }
0x30c: {  	[sflag:s15] =	ssyncset.done $0x0  }
0x30d: {  	[sflag:s15] =	ssyncadd.s32 $0xFFFFA000  }
0x30e: {  	_ =	swait.ge [sflag:s16], $0x6000  }
0x30f: {  	[sflag:s16] =	ssyncset.done $0x0  }
0x310: {  	[sflag:s16] =	ssyncadd.s32 $0xFFFFA000  }
0x311: {  	v3 =	vld [tilespmem:$0xE0];
	_ =	sdelay $0x4  }
0x312: {  	v46 =	vshrl.u32 v3, $0x3  }
0x313: {  	v4 =	vmul.u32 $0x30, v46  }
0x314: {  	v3 =	vand.u32 $0x7, v3  }
0x315: {  	v3 =	vor.u32 v3, v4  }
0x316: {  	v4 =	vperm.xlane v3, v0;
	_ =	sdelay $0x1  }
0x317: {  	v4 =	vadd.s32 v1, v4;
	_ =	sdelay $0x3  }
0x318: {  	v3 =	vperm.xlane v3, v2  }
0x319: {  	[tilespmem:s26], [sflag:$0x1] =	stream.indirect_vreg.gather [hbm4b:s1+s5], $0x80, v4, vm0, $0xb8;
	[tilespmem:$0x1E100] =	vst v63  }
0x31a: {  	v3 =	vadd.s32 v1, v3;
	s26 =	simm.s32 $0x900  }
0x31b: {  	[tilespmem:s26], [sflag:$0x1] =	stream.indirect_vreg.gather [hbm4b:s8+s5], $0x80, v4, vm0, $0xb8;
	[tilespmem:$0x1E100] =	vst v63  }
0x31c: {  	s30 =	simm.s32 $0x1100  }
0x31d: {  	[tilespmem:s30], [sflag:$0x1] =	stream.indirect_vreg.gather [hbm4b:s9+s5], $0x80, v4, vm0, $0xb8;
	[tilespmem:$0x1E100] =	vst v63  }
0x31e: {  	s25 =	simm.s32 $0x1900  }
0x31f: {  	[tilespmem:s25], [sflag:$0x1] =	stream.indirect_vreg.gather [hbm4b:s1+s5], $0x80, v3, vm0, $0xb8;
	[tilespmem:$0x1E100] =	vst v63  }
0x320: {  	s26 =	simm.s32 $0x2100  }
0x321: {  	[tilespmem:s26], [sflag:$0x1] =	stream.indirect_vreg.gather [hbm4b:s8+s5], $0x80, v3, vm0, $0xb8;
	[tilespmem:$0x1E100] =	vst v63  }
0x322: {  	s30 =	simm.s32 $0x2900  }
0x323: {  	[tilespmem:s30], [sflag:$0x1] =	stream.indirect_vreg.gather [hbm4b:s9+s5], $0x80, v3, vm0, $0xb8;
	[tilespmem:$0x1E100] =	vst v63  }
0x324: {  	v3 =	vld [tilespmem:$0xF0];
	_ =	sdelay $0x4  }
0x325: {  	v47 =	vshrl.u32 v3, $0x3  }
0x326: {  	v4 =	vmul.u32 $0x30, v47  }
0x327: {  	v3 =	vand.u32 $0x7, v3  }
0x328: {  	v3 =	vor.u32 v3, v4  }
0x329: {  	v4 =	vperm.xlane v3, v0;
	_ =	sdelay $0x1  }
0x32a: {  	v4 =	vadd.s32 v1, v4;
	_ =	sdelay $0x3  }
0x32b: {  	s25 =	simm.s32 $0x3100;
	v3 =	vperm.xlane v3, v2  }
0x32c: {  	[tilespmem:s25], [sflag:$0x1] =	stream.indirect_vreg.gather [hbm4b:s1+s5], $0x80, v4, vm0, $0xb8;
	[tilespmem:$0x1E100] =	vst v63  }
0x32d: {  	s26 =	simm.s32 $0x3900;
	v3 =	vadd.s32 v1, v3  }
0x32e: {  	[tilespmem:s26], [sflag:$0x1] =	stream.indirect_vreg.gather [hbm4b:s8+s5], $0x80, v4, vm0, $0xb8;
	[tilespmem:$0x1E100] =	vst v63  }
0x32f: {  	s30 =	simm.s32 $0x4100  }
0x330: {  	[tilespmem:s30], [sflag:$0x1] =	stream.indirect_vreg.gather [hbm4b:s9+s5], $0x80, v4, vm0, $0xb8;
	[tilespmem:$0x1E100] =	vst v63  }
0x331: {  	s25 =	simm.s32 $0x4900  }
0x332: {  	[tilespmem:s25], [sflag:$0x1] =	stream.indirect_vreg.gather [hbm4b:s1+s5], $0x80, v3, vm0, $0xb8;
	[tilespmem:$0x1E100] =	vst v63  }
0x333: {  	s26 =	simm.s32 $0x5100  }
0x334: {  	[tilespmem:s26], [sflag:$0x1] =	stream.indirect_vreg.gather [hbm4b:s8+s5], $0x80, v3, vm0, $0xb8;
	[tilespmem:$0x1E100] =	vst v63  }
0x335: {  	s30 =	simm.s32 $0x5900  }
0x336: {  	[tilespmem:s30], [sflag:$0x1] =	stream.indirect_vreg.gather [hbm4b:s9+s5], $0x80, v3, vm0, $0xb8;
	[tilespmem:$0x1E100] =	vst v63  }
0x337: {  	_ =	swait.ge [sflag:s17], $0x6000  }
0x338: {  	s25 =	sld [smem:$0x7E8]  }
0x339: {  	[sflag:s17] =	ssyncset.done $0x0  }
0x33a: {  	s26 =	sld [smem:$0x7E9];
	[sflag:s17] =	ssyncadd.s32 $0xFFFFA000  }
0x33b: {  	[hbm4b:s25+s5] =	stream.linear.scatter [tilespmem:s29], [sflag:$0x9], $0x6000, $0x38;
	[tilespmem:$0x1E100] =	vst v63  }
0x33c: {  	_ = 	snop  }
0x33d: {  	[hbm4b:s26+s5] =	stream.linear.scatter [tilespmem:s29], [sflag:$0xE], $0x6000, $0x38;
	[tilespmem:$0x1E100] =	vst v63  }
0x33e: {  	_ =	swait.ge [sflag:s18], $0x6000  }
0x33f: {  	[sflag:s18] =	ssyncset.done $0x0  }
0x340: {  	[sflag:s18] =	ssyncadd.s32 $0xFFFFA000  }
0x341: {  	_ =	swait.ge [sflag:s21], $0x6000  }
0x342: {  	[sflag:s21] =	ssyncset.done $0x0  }
0x343: {  	[sflag:s21] =	ssyncadd.s32 $0xFFFFA000  }
0x344: {  	v3 =	vld [tilespmem:$0x0];
	_ =	sdelay $0x4  }
0x345: {  	v48 =	vshrl.u32 v3, $0x3  }
0x346: {  	v4 =	vmul.u32 $0x30, v48  }
0x347: {  	v3 =	vand.u32 $0x7, v3  }
0x348: {  	v3 =	vor.u32 v3, v4  }
0x349: {  	v4 =	vperm.xlane v3, v0;
	_ =	sdelay $0x1  }
0x34a: {  	v4 =	vadd.s32 v1, v4;
	_ =	sdelay $0x3  }
0x34b: {  	s25 =	simm.s32 $0x6100;
	v3 =	vperm.xlane v3, v2  }
0x34c: {  	[tilespmem:s25], [sflag:$0x2] =	stream.indirect_vreg.gather [hbm4b:s2+s5], $0x80, v4, vm0, $0xb8;
	[tilespmem:$0x1E100] =	vst v63  }
0x34d: {  	s26 =	simm.s32 $0x6900;
	v3 =	vadd.s32 v1, v3  }
0x34e: {  	[tilespmem:s26], [sflag:$0x2] =	stream.indirect_vreg.gather [hbm4b:s10+s5], $0x80, v4, vm0, $0xb8;
	[tilespmem:$0x1E100] =	vst v63  }
0x34f: {  	s30 =	simm.s32 $0x7100  }
0x350: {  	[tilespmem:s30], [sflag:$0x2] =	stream.indirect_vreg.gather [hbm4b:s11+s5], $0x80, v4, vm0, $0xb8;
	[tilespmem:$0x1E100] =	vst v63  }
0x351: {  	s25 =	simm.s32 $0x7900  }
0x352: {  	[tilespmem:s25], [sflag:$0x2] =	stream.indirect_vreg.gather [hbm4b:s2+s5], $0x80, v3, vm0, $0xb8;
	[tilespmem:$0x1E100] =	vst v63  }
0x353: {  	s26 =	simm.s32 $0x8100  }
0x354: {  	[tilespmem:s26], [sflag:$0x2] =	stream.indirect_vreg.gather [hbm4b:s10+s5], $0x80, v3, vm0, $0xb8;
	[tilespmem:$0x1E100] =	vst v63  }
0x355: {  	s30 =	simm.s32 $0x8900  }
0x356: {  	[tilespmem:s30], [sflag:$0x2] =	stream.indirect_vreg.gather [hbm4b:s11+s5], $0x80, v3, vm0, $0xb8;
	[tilespmem:$0x1E100] =	vst v63  }
0x357: {  	v3 =	vld [tilespmem:$0x10];
	_ =	sdelay $0x4  }
0x358: {  	v49 =	vshrl.u32 v3, $0x3  }
0x359: {  	v4 =	vmul.u32 $0x30, v49  }
0x35a: {  	v3 =	vand.u32 $0x7, v3  }
0x35b: {  	v3 =	vor.u32 v3, v4  }
0x35c: {  	v4 =	vperm.xlane v3, v0;
	_ =	sdelay $0x1  }
0x35d: {  	v4 =	vadd.s32 v1, v4;
	_ =	sdelay $0x3  }
0x35e: {  	s25 =	simm.s32 $0x9100;
	v3 =	vperm.xlane v3, v2  }
0x35f: {  	[tilespmem:s25], [sflag:$0x2] =	stream.indirect_vreg.gather [hbm4b:s2+s5], $0x80, v4, vm0, $0xb8;
	[tilespmem:$0x1E100] =	vst v63  }
0x360: {  	s26 =	simm.s32 $0x9900;
	v3 =	vadd.s32 v1, v3  }
0x361: {  	[tilespmem:s26], [sflag:$0x2] =	stream.indirect_vreg.gather [hbm4b:s10+s5], $0x80, v4, vm0, $0xb8;
	[tilespmem:$0x1E100] =	vst v63  }
0x362: {  	s30 =	simm.s32 $0xA100  }
0x363: {  	[tilespmem:s30], [sflag:$0x2] =	stream.indirect_vreg.gather [hbm4b:s11+s5], $0x80, v4, vm0, $0xb8;
	[tilespmem:$0x1E100] =	vst v63  }
0x364: {  	s25 =	simm.s32 $0xA900  }
0x365: {  	[tilespmem:s25], [sflag:$0x2] =	stream.indirect_vreg.gather [hbm4b:s2+s5], $0x80, v3, vm0, $0xb8;
	[tilespmem:$0x1E100] =	vst v63  }
0x366: {  	s26 =	simm.s32 $0xB100  }
0x367: {  	[tilespmem:s26], [sflag:$0x2] =	stream.indirect_vreg.gather [hbm4b:s10+s5], $0x80, v3, vm0, $0xb8;
	[tilespmem:$0x1E100] =	vst v63  }
0x368: {  	s30 =	simm.s32 $0xB900  }
0x369: {  	[tilespmem:s30], [sflag:$0x2] =	stream.indirect_vreg.gather [hbm4b:s11+s5], $0x80, v3, vm0, $0xb8;
	[tilespmem:$0x1E100] =	vst v63  }
0x36a: {  	_ =	swait.ge [sflag:s28], $0x6000  }
0x36b: {  	s20 =	sld [smem:$0x7EA]  }
0x36c: {  	[sflag:s28] =	ssyncset.done $0x0  }
0x36d: {  	s26 =	simm.s32 $0x18100;
	s25 =	sld [smem:$0x7EB];
	[sflag:s28] =	ssyncadd.s32 $0xFFFFA000  }
0x36e: {  	[hbm4b:s20+s5] =	stream.linear.scatter [tilespmem:s26], [sflag:$0xA], $0x6000, $0x38;
	[tilespmem:$0x1E100] =	vst v63  }
0x36f: {  	_ = 	snop  }
0x370: {  	[hbm4b:s25+s5] =	stream.linear.scatter [tilespmem:s26], [sflag:$0xF], $0x6000, $0x38;
	[tilespmem:$0x1E100] =	vst v63  }
0x371: {  	_ =	swait.ge [sflag:s22], $0x6000  }
0x372: {  	[sflag:s22] =	ssyncset.done $0x0  }
0x373: {  	[sflag:s22] =	ssyncadd.s32 $0xFFFFA000  }
0x374: {  	_ =	swait.ge [sflag:s23], $0x6000  }
0x375: {  	[sflag:s23] =	ssyncset.done $0x0  }
0x376: {  	[sflag:s23] =	ssyncadd.s32 $0xFFFFA000  }
0x377: {  	v3 =	vld [tilespmem:$0x20];
	_ =	sdelay $0x4  }
0x378: {  	v50 =	vshrl.u32 v3, $0x3  }
0x379: {  	v4 =	vmul.u32 $0x30, v50  }
0x37a: {  	v3 =	vand.u32 $0x7, v3  }
0x37b: {  	v3 =	vor.u32 v3, v4  }
0x37c: {  	v4 =	vperm.xlane v3, v0;
	_ =	sdelay $0x1  }
0x37d: {  	v4 =	vadd.s32 v1, v4;
	_ =	sdelay $0x3  }
0x37e: {  	s0 =	simm.s32 $0xC100;
	v3 =	vperm.xlane v3, v2  }
0x37f: {  	[tilespmem:s0], [sflag:$0x3] =	stream.indirect_vreg.gather [hbm4b:s2+s5], $0x80, v4, vm0, $0xb8;
	[tilespmem:$0x1E100] =	vst v63  }
0x380: {  	s30 =	simm.s32 $0xC900;
	v3 =	vadd.s32 v1, v3  }
0x381: {  	[tilespmem:s30], [sflag:$0x3] =	stream.indirect_vreg.gather [hbm4b:s10+s5], $0x80, v4, vm0, $0xb8;
	[tilespmem:$0x1E100] =	vst v63  }
0x382: {  	s25 =	simm.s32 $0xD100  }
0x383: {  	[tilespmem:s25], [sflag:$0x3] =	stream.indirect_vreg.gather [hbm4b:s11+s5], $0x80, v4, vm0, $0xb8;
	[tilespmem:$0x1E100] =	vst v63  }
0x384: {  	s30 =	simm.s32 $0xD900  }
0x385: {  	[tilespmem:s30], [sflag:$0x3] =	stream.indirect_vreg.gather [hbm4b:s2+s5], $0x80, v3, vm0, $0xb8;
	[tilespmem:$0x1E100] =	vst v63  }
0x386: {  	s25 =	simm.s32 $0xE100  }
0x387: {  	[tilespmem:s25], [sflag:$0x3] =	stream.indirect_vreg.gather [hbm4b:s10+s5], $0x80, v3, vm0, $0xb8;
	[tilespmem:$0x1E100] =	vst v63  }
0x388: {  	s30 =	simm.s32 $0xE900  }
0x389: {  	[tilespmem:s30], [sflag:$0x3] =	stream.indirect_vreg.gather [hbm4b:s11+s5], $0x80, v3, vm0, $0xb8;
	[tilespmem:$0x1E100] =	vst v63  }
0x38a: {  	v3 =	vld [tilespmem:$0x30];
	_ =	sdelay $0x4  }
0x38b: {  	v51 =	vshrl.u32 v3, $0x3  }
0x38c: {  	v4 =	vmul.u32 $0x30, v51  }
0x38d: {  	v3 =	vand.u32 $0x7, v3  }
0x38e: {  	v3 =	vor.u32 v3, v4  }
0x38f: {  	v4 =	vperm.xlane v3, v0;
	_ =	sdelay $0x1  }
0x390: {  	v4 =	vadd.s32 v1, v4;
	_ =	sdelay $0x3  }
0x391: {  	s25 =	simm.s32 $0xF100;
	v3 =	vperm.xlane v3, v2  }
0x392: {  	[tilespmem:s25], [sflag:$0x3] =	stream.indirect_vreg.gather [hbm4b:s2+s5], $0x80, v4, vm0, $0xb8;
	[tilespmem:$0x1E100] =	vst v63  }
0x393: {  	s30 =	simm.s32 $0xF900;
	v3 =	vadd.s32 v1, v3  }
0x394: {  	[tilespmem:s30], [sflag:$0x3] =	stream.indirect_vreg.gather [hbm4b:s10+s5], $0x80, v4, vm0, $0xb8;
	[tilespmem:$0x1E100] =	vst v63  }
0x395: {  	s25 =	simm.s32 $0x10100  }
0x396: {  	[tilespmem:s25], [sflag:$0x3] =	stream.indirect_vreg.gather [hbm4b:s11+s5], $0x80, v4, vm0, $0xb8;
	[tilespmem:$0x1E100] =	vst v63  }
0x397: {  	s30 =	simm.s32 $0x10900  }
0x398: {  	[tilespmem:s30], [sflag:$0x3] =	stream.indirect_vreg.gather [hbm4b:s2+s5], $0x80, v3, vm0, $0xb8;
	[tilespmem:$0x1E100] =	vst v63  }
0x399: {  	s25 =	simm.s32 $0x11100  }
0x39a: {  	[tilespmem:s25], [sflag:$0x3] =	stream.indirect_vreg.gather [hbm4b:s10+s5], $0x80, v3, vm0, $0xb8;
	[tilespmem:$0x1E100] =	vst v63  }
0x39b: {  	s30 =	simm.s32 $0x11900  }
0x39c: {  	[tilespmem:s30], [sflag:$0x3] =	stream.indirect_vreg.gather [hbm4b:s11+s5], $0x80, v3, vm0, $0xb8;
	[tilespmem:$0x1E100] =	vst v63  }
0x39d: {  	_ =	swait.ge [sflag:s13], $0x6000  }
0x39e: {  	s20 =	sld [smem:$0x7EC]  }
0x39f: {  	[sflag:s13] =	ssyncset.done $0x0  }
0x3a0: {  	s25 =	simm.s32 $0x100;
	s30 =	sld [smem:$0x7ED];
	[sflag:s13] =	ssyncadd.s32 $0xFFFFA000  }
0x3a1: {  	[hbm4b:s20+s5] =	stream.linear.scatter [tilespmem:s25], [sflag:$0x6], $0x6000, $0x38;
	[tilespmem:$0x1E100] =	vst v63  }
0x3a2: {  	_ = 	snop  }
0x3a3: {  	[hbm4b:s30+s5] =	stream.linear.scatter [tilespmem:s25], [sflag:$0xB], $0x6000, $0x38;
	[tilespmem:$0x1E100] =	vst v63  }
0x3a4: {  	_ =	swait.ge [sflag:s24], $0x6000  }
0x3a5: {  	[sflag:s24] =	ssyncset.done $0x0  }
0x3a6: {  	[sflag:s24] =	ssyncadd.s32 $0xFFFFA000  }
0x3a7: {  	_ =	swait.ge [sflag:s3], $0x6000  }
0x3a8: {  	[sflag:s3] =	ssyncset.done $0x0  }
0x3a9: {  	[sflag:s3] =	ssyncadd.s32 $0xFFFFA000  }
0x3aa: {  	v3 =	vld [tilespmem:$0x40];
	_ =	sdelay $0x4  }
0x3ab: {  	v52 =	vshrl.u32 v3, $0x3  }
0x3ac: {  	v4 =	vmul.u32 $0x30, v52  }
0x3ad: {  	v3 =	vand.u32 $0x7, v3  }
0x3ae: {  	v3 =	vor.u32 v3, v4  }
0x3af: {  	v4 =	vperm.xlane v3, v0;
	_ =	sdelay $0x1  }
0x3b0: {  	v4 =	vadd.s32 v1, v4;
	_ =	sdelay $0x3  }
0x3b1: {  	v3 =	vperm.xlane v3, v2  }
0x3b2: {  	[tilespmem:s29], [sflag:$0x4] =	stream.indirect_vreg.gather [hbm4b:s2+s5], $0x80, v4, vm0, $0xb8;
	[tilespmem:$0x1E100] =	vst v63  }
0x3b3: {  	s25 =	simm.s32 $0x12900;
	v3 =	vadd.s32 v1, v3  }
0x3b4: {  	[tilespmem:s25], [sflag:$0x4] =	stream.indirect_vreg.gather [hbm4b:s10+s5], $0x80, v4, vm0, $0xb8;
	[tilespmem:$0x1E100] =	vst v63  }
0x3b5: {  	s30 =	simm.s32 $0x13100  }
0x3b6: {  	[tilespmem:s30], [sflag:$0x4] =	stream.indirect_vreg.gather [hbm4b:s11+s5], $0x80, v4, vm0, $0xb8;
	[tilespmem:$0x1E100] =	vst v63  }
0x3b7: {  	s25 =	simm.s32 $0x13900  }
0x3b8: {  	[tilespmem:s25], [sflag:$0x4] =	stream.indirect_vreg.gather [hbm4b:s2+s5], $0x80, v3, vm0, $0xb8;
	[tilespmem:$0x1E100] =	vst v63  }
0x3b9: {  	s30 =	simm.s32 $0x14100  }
0x3ba: {  	[tilespmem:s30], [sflag:$0x4] =	stream.indirect_vreg.gather [hbm4b:s10+s5], $0x80, v3, vm0, $0xb8;
	[tilespmem:$0x1E100] =	vst v63  }
0x3bb: {  	s25 =	simm.s32 $0x14900  }
0x3bc: {  	[tilespmem:s25], [sflag:$0x4] =	stream.indirect_vreg.gather [hbm4b:s11+s5], $0x80, v3, vm0, $0xb8;
	[tilespmem:$0x1E100] =	vst v63  }
0x3bd: {  	v3 =	vld [tilespmem:$0x50];
	_ =	sdelay $0x4  }
0x3be: {  	v53 =	vshrl.u32 v3, $0x3  }
0x3bf: {  	v4 =	vmul.u32 $0x30, v53  }
0x3c0: {  	v3 =	vand.u32 $0x7, v3  }
0x3c1: {  	v3 =	vor.u32 v3, v4  }
0x3c2: {  	v4 =	vperm.xlane v3, v0;
	_ =	sdelay $0x1  }
0x3c3: {  	v4 =	vadd.s32 v1, v4;
	_ =	sdelay $0x3  }
0x3c4: {  	s30 =	simm.s32 $0x15100;
	v3 =	vperm.xlane v3, v2  }
0x3c5: {  	[tilespmem:s30], [sflag:$0x4] =	stream.indirect_vreg.gather [hbm4b:s2+s5], $0x80, v4, vm0, $0xb8;
	[tilespmem:$0x1E100] =	vst v63  }
0x3c6: {  	s25 =	simm.s32 $0x15900;
	v3 =	vadd.s32 v1, v3  }
0x3c7: {  	[tilespmem:s25], [sflag:$0x4] =	stream.indirect_vreg.gather [hbm4b:s10+s5], $0x80, v4, vm0, $0xb8;
	[tilespmem:$0x1E100] =	vst v63  }
0x3c8: {  	s30 =	simm.s32 $0x16100  }
0x3c9: {  	[tilespmem:s30], [sflag:$0x4] =	stream.indirect_vreg.gather [hbm4b:s11+s5], $0x80, v4, vm0, $0xb8;
	[tilespmem:$0x1E100] =	vst v63  }
0x3ca: {  	s25 =	simm.s32 $0x16900  }
0x3cb: {  	[tilespmem:s25], [sflag:$0x4] =	stream.indirect_vreg.gather [hbm4b:s2+s5], $0x80, v3, vm0, $0xb8;
	[tilespmem:$0x1E100] =	vst v63  }
0x3cc: {  	s30 =	simm.s32 $0x17100  }
0x3cd: {  	[tilespmem:s30], [sflag:$0x4] =	stream.indirect_vreg.gather [hbm4b:s10+s5], $0x80, v3, vm0, $0xb8;
	[tilespmem:$0x1E100] =	vst v63  }
0x3ce: {  	s25 =	simm.s32 $0x17900  }
0x3cf: {  	[tilespmem:s25], [sflag:$0x4] =	stream.indirect_vreg.gather [hbm4b:s11+s5], $0x80, v3, vm0, $0xb8;
	[tilespmem:$0x1E100] =	vst v63  }
0x3d0: {  	_ =	swait.ge [sflag:s31], $0x6000  }
0x3d1: {  	s20 =	sld [smem:$0x7EE]  }
0x3d2: {  	[sflag:s31] =	ssyncset.done $0x0  }
0x3d3: {  	s25 =	simm.s32 $0x6100;
	s30 =	sld [smem:$0x7EF];
	[sflag:s31] =	ssyncadd.s32 $0xFFFFA000  }
0x3d4: {  	[hbm4b:s20+s5] =	stream.linear.scatter [tilespmem:s25], [sflag:$0x7], $0x6000, $0x38;
	[tilespmem:$0x1E100] =	vst v63  }
0x3d5: {  	_ = 	snop  }
0x3d6: {  	[hbm4b:s30+s5] =	stream.linear.scatter [tilespmem:s25], [sflag:$0xC], $0x6000, $0x38;
	[tilespmem:$0x1E100] =	vst v63  }
0x3d7: {  	_ =	swait.ge [sflag:s12], $0x6000  }
0x3d8: {  	[sflag:s12] =	ssyncset.done $0x0  }
0x3d9: {  	[sflag:s12] =	ssyncadd.s32 $0xFFFFA000  }
0x3da: {  	_ =	swait.ge [sflag:s14], $0x6000  }
0x3db: {  	[sflag:s14] =	ssyncset.done $0x0  }
0x3dc: {  	[sflag:s14] =	ssyncadd.s32 $0xFFFFA000  }
0x3dd: {  	v3 =	vld [tilespmem:$0x60];
	_ =	sdelay $0x4  }
0x3de: {  	v54 =	vshrl.u32 v3, $0x3  }
0x3df: {  	v4 =	vmul.u32 $0x30, v54  }
0x3e0: {  	v3 =	vand.u32 $0x7, v3  }
0x3e1: {  	v3 =	vor.u32 v3, v4  }
0x3e2: {  	v4 =	vperm.xlane v3, v0;
	_ =	sdelay $0x1  }
0x3e3: {  	v4 =	vadd.s32 v1, v4;
	_ =	sdelay $0x3  }
0x3e4: {  	s26 =	simm.s32 $0x18100;
	v3 =	vperm.xlane v3, v2  }
0x3e5: {  	[tilespmem:s26], [sflag:$0x5] =	stream.indirect_vreg.gather [hbm4b:s2+s5], $0x80, v4, vm0, $0xb8;
	[tilespmem:$0x1E100] =	vst v63  }
0x3e6: {  	s30 =	simm.s32 $0x18900;
	v3 =	vadd.s32 v1, v3  }
0x3e7: {  	[tilespmem:s30], [sflag:$0x5] =	stream.indirect_vreg.gather [hbm4b:s10+s5], $0x80, v4, vm0, $0xb8;
	[tilespmem:$0x1E100] =	vst v63  }
0x3e8: {  	s30 =	simm.s32 $0x19100  }
0x3e9: {  	[tilespmem:s30], [sflag:$0x5] =	stream.indirect_vreg.gather [hbm4b:s11+s5], $0x80, v4, vm0, $0xb8;
	[tilespmem:$0x1E100] =	vst v63  }
0x3ea: {  	s30 =	simm.s32 $0x19900  }
0x3eb: {  	[tilespmem:s30], [sflag:$0x5] =	stream.indirect_vreg.gather [hbm4b:s2+s5], $0x80, v3, vm0, $0xb8;
	[tilespmem:$0x1E100] =	vst v63  }
0x3ec: {  	s30 =	simm.s32 $0x1A100  }
0x3ed: {  	[tilespmem:s30], [sflag:$0x5] =	stream.indirect_vreg.gather [hbm4b:s10+s5], $0x80, v3, vm0, $0xb8;
	[tilespmem:$0x1E100] =	vst v63  }
0x3ee: {  	s30 =	simm.s32 $0x1A900  }
0x3ef: {  	[tilespmem:s30], [sflag:$0x5] =	stream.indirect_vreg.gather [hbm4b:s11+s5], $0x80, v3, vm0, $0xb8;
	[tilespmem:$0x1E100] =	vst v63  }
0x3f0: {  	v3 =	vld [tilespmem:$0x70];
	_ =	sdelay $0x4  }
0x3f1: {  	v55 =	vshrl.u32 v3, $0x3  }
0x3f2: {  	v4 =	vmul.u32 $0x30, v55  }
0x3f3: {  	v3 =	vand.u32 $0x7, v3  }
0x3f4: {  	v3 =	vor.u32 v3, v4  }
0x3f5: {  	v4 =	vperm.xlane v3, v0;
	_ =	sdelay $0x1  }
0x3f6: {  	v4 =	vadd.s32 v1, v4;
	_ =	sdelay $0x3  }
0x3f7: {  	s30 =	simm.s32 $0x1B100;
	v3 =	vperm.xlane v3, v2  }
0x3f8: {  	[tilespmem:s30], [sflag:$0x5] =	stream.indirect_vreg.gather [hbm4b:s2+s5], $0x80, v4, vm0, $0xb8;
	[tilespmem:$0x1E100] =	vst v63  }
0x3f9: {  	v3 =	vadd.s32 v1, v3;
	s30 =	simm.s32 $0x1B900  }
0x3fa: {  	[tilespmem:s30], [sflag:$0x5] =	stream.indirect_vreg.gather [hbm4b:s10+s5], $0x80, v4, vm0, $0xb8;
	[tilespmem:$0x1E100] =	vst v63  }
0x3fb: {  	s30 =	simm.s32 $0x1C100  }
0x3fc: {  	[tilespmem:s30], [sflag:$0x5] =	stream.indirect_vreg.gather [hbm4b:s11+s5], $0x80, v4, vm0, $0xb8;
	[tilespmem:$0x1E100] =	vst v63  }
0x3fd: {  	s30 =	simm.s32 $0x1C900  }
0x3fe: {  	[tilespmem:s30], [sflag:$0x5] =	stream.indirect_vreg.gather [hbm4b:s2+s5], $0x80, v3, vm0, $0xb8;
	[tilespmem:$0x1E100] =	vst v63  }
0x3ff: {  	s30 =	simm.s32 $0x1D100  }
0x400: {  	[tilespmem:s30], [sflag:$0x5] =	stream.indirect_vreg.gather [hbm4b:s10+s5], $0x80, v3, vm0, $0xb8;
	[tilespmem:$0x1E100] =	vst v63  }
0x401: {  	s30 =	simm.s32 $0x1D900  }
0x402: {  	[tilespmem:s30], [sflag:$0x5] =	stream.indirect_vreg.gather [hbm4b:s11+s5], $0x80, v3, vm0, $0xb8;
	[tilespmem:$0x1E100] =	vst v63  }
0x403: {  	_ =	swait.ge [sflag:s4], $0x6000  }
0x404: {  	s20 =	sld [smem:$0x7F0]  }
0x405: {  	[sflag:s4] =	ssyncset.done $0x0  }
0x406: {  	s30 =	sld [smem:$0x7F1];
	[sflag:s4] =	ssyncadd.s32 $0xFFFFA000  }
0x407: {  	[hbm4b:s20+s5] =	stream.linear.scatter [tilespmem:s0], [sflag:$0x8], $0x6000, $0x38;
	[tilespmem:$0x1E100] =	vst v63  }
0x408: {  	_ = 	snop  }
0x409: {  	[hbm4b:s30+s5] =	stream.linear.scatter [tilespmem:s0], [sflag:$0xD], $0x6000, $0x38;
	[tilespmem:$0x1E100] =	vst v63  }
0x40a: {  	_ =	swait.ge [sflag:s15], $0x6000  }
0x40b: {  	[sflag:s15] =	ssyncset.done $0x0  }
0x40c: {  	[sflag:s15] =	ssyncadd.s32 $0xFFFFA000  }
0x40d: {  	_ =	swait.ge [sflag:s16], $0x6000  }
0x40e: {  	[sflag:s16] =	ssyncset.done $0x0  }
0x40f: {  	[sflag:s16] =	ssyncadd.s32 $0xFFFFA000  }
0x410: {  	v3 =	vld [tilespmem:$0x80];
	_ =	sdelay $0x4  }
0x411: {  	v56 =	vshrl.u32 v3, $0x3  }
0x412: {  	v4 =	vmul.u32 $0x30, v56  }
0x413: {  	v3 =	vand.u32 $0x7, v3  }
0x414: {  	v3 =	vor.u32 v3, v4  }
0x415: {  	v4 =	vperm.xlane v3, v0;
	_ =	sdelay $0x1  }
0x416: {  	v4 =	vadd.s32 v1, v4;
	_ =	sdelay $0x3  }
0x417: {  	s30 =	simm.s32 $0x100;
	v3 =	vperm.xlane v3, v2  }
0x418: {  	[tilespmem:s30], [sflag:$0x1] =	stream.indirect_vreg.gather [hbm4b:s2+s5], $0x80, v4, vm0, $0xb8;
	[tilespmem:$0x1E100] =	vst v63  }
0x419: {  	v3 =	vadd.s32 v1, v3;
	s30 =	simm.s32 $0x900  }
0x41a: {  	[tilespmem:s30], [sflag:$0x1] =	stream.indirect_vreg.gather [hbm4b:s10+s5], $0x80, v4, vm0, $0xb8;
	[tilespmem:$0x1E100] =	vst v63  }
0x41b: {  	s30 =	simm.s32 $0x1100  }
0x41c: {  	[tilespmem:s30], [sflag:$0x1] =	stream.indirect_vreg.gather [hbm4b:s11+s5], $0x80, v4, vm0, $0xb8;
	[tilespmem:$0x1E100] =	vst v63  }
0x41d: {  	s30 =	simm.s32 $0x1900  }
0x41e: {  	[tilespmem:s30], [sflag:$0x1] =	stream.indirect_vreg.gather [hbm4b:s2+s5], $0x80, v3, vm0, $0xb8;
	[tilespmem:$0x1E100] =	vst v63  }
0x41f: {  	s30 =	simm.s32 $0x2100  }
0x420: {  	[tilespmem:s30], [sflag:$0x1] =	stream.indirect_vreg.gather [hbm4b:s10+s5], $0x80, v3, vm0, $0xb8;
	[tilespmem:$0x1E100] =	vst v63  }
0x421: {  	s30 =	simm.s32 $0x2900  }
0x422: {  	[tilespmem:s30], [sflag:$0x1] =	stream.indirect_vreg.gather [hbm4b:s11+s5], $0x80, v3, vm0, $0xb8;
	[tilespmem:$0x1E100] =	vst v63  }
0x423: {  	v3 =	vld [tilespmem:$0x90];
	_ =	sdelay $0x4  }
0x424: {  	v57 =	vshrl.u32 v3, $0x3  }
0x425: {  	v4 =	vmul.u32 $0x30, v57  }
0x426: {  	v3 =	vand.u32 $0x7, v3  }
0x427: {  	v3 =	vor.u32 v3, v4  }
0x428: {  	v4 =	vperm.xlane v3, v0;
	_ =	sdelay $0x1  }
0x429: {  	v4 =	vadd.s32 v1, v4;
	_ =	sdelay $0x3  }
0x42a: {  	s30 =	simm.s32 $0x3100;
	v3 =	vperm.xlane v3, v2  }
0x42b: {  	[tilespmem:s30], [sflag:$0x1] =	stream.indirect_vreg.gather [hbm4b:s2+s5], $0x80, v4, vm0, $0xb8;
	[tilespmem:$0x1E100] =	vst v63  }
0x42c: {  	v3 =	vadd.s32 v1, v3;
	s30 =	simm.s32 $0x3900  }
0x42d: {  	[tilespmem:s30], [sflag:$0x1] =	stream.indirect_vreg.gather [hbm4b:s10+s5], $0x80, v4, vm0, $0xb8;
	[tilespmem:$0x1E100] =	vst v63  }
0x42e: {  	s30 =	simm.s32 $0x4100  }
0x42f: {  	[tilespmem:s30], [sflag:$0x1] =	stream.indirect_vreg.gather [hbm4b:s11+s5], $0x80, v4, vm0, $0xb8;
	[tilespmem:$0x1E100] =	vst v63  }
0x430: {  	s30 =	simm.s32 $0x4900  }
0x431: {  	[tilespmem:s30], [sflag:$0x1] =	stream.indirect_vreg.gather [hbm4b:s2+s5], $0x80, v3, vm0, $0xb8;
	[tilespmem:$0x1E100] =	vst v63  }
0x432: {  	s30 =	simm.s32 $0x5100  }
0x433: {  	[tilespmem:s30], [sflag:$0x1] =	stream.indirect_vreg.gather [hbm4b:s10+s5], $0x80, v3, vm0, $0xb8;
	[tilespmem:$0x1E100] =	vst v63  }
0x434: {  	s30 =	simm.s32 $0x5900  }
0x435: {  	[tilespmem:s30], [sflag:$0x1] =	stream.indirect_vreg.gather [hbm4b:s11+s5], $0x80, v3, vm0, $0xb8;
	[tilespmem:$0x1E100] =	vst v63  }
0x436: {  	_ =	swait.ge [sflag:s17], $0x6000  }
0x437: {  	s20 =	sld [smem:$0x7F2]  }
0x438: {  	[sflag:s17] =	ssyncset.done $0x0  }
0x439: {  	s30 =	sld [smem:$0x7F3];
	[sflag:s17] =	ssyncadd.s32 $0xFFFFA000  }
0x43a: {  	[hbm4b:s20+s5] =	stream.linear.scatter [tilespmem:s29], [sflag:$0x9], $0x6000, $0x38;
	[tilespmem:$0x1E100] =	vst v63  }
0x43b: {  	_ = 	snop  }
0x43c: {  	[hbm4b:s30+s5] =	stream.linear.scatter [tilespmem:s29], [sflag:$0xE], $0x6000, $0x38;
	[tilespmem:$0x1E100] =	vst v63  }
0x43d: {  	_ =	swait.ge [sflag:s18], $0x6000  }
0x43e: {  	[sflag:s18] =	ssyncset.done $0x0  }
0x43f: {  	[sflag:s18] =	ssyncadd.s32 $0xFFFFA000  }
0x440: {  	_ =	swait.ge [sflag:s21], $0x6000  }
0x441: {  	[sflag:s21] =	ssyncset.done $0x0  }
0x442: {  	[sflag:s21] =	ssyncadd.s32 $0xFFFFA000  }
0x443: {  	v3 =	vld [tilespmem:$0xA0];
	_ =	sdelay $0x4  }
0x444: {  	v58 =	vshrl.u32 v3, $0x3  }
0x445: {  	v4 =	vmul.u32 $0x30, v58  }
0x446: {  	v3 =	vand.u32 $0x7, v3  }
0x447: {  	v3 =	vor.u32 v3, v4  }
0x448: {  	v4 =	vperm.xlane v3, v0;
	_ =	sdelay $0x1  }
0x449: {  	v4 =	vadd.s32 v1, v4;
	_ =	sdelay $0x3  }
0x44a: {  	s25 =	simm.s32 $0x6100;
	v3 =	vperm.xlane v3, v2  }
0x44b: {  	[tilespmem:s25], [sflag:$0x2] =	stream.indirect_vreg.gather [hbm4b:s2+s5], $0x80, v4, vm0, $0xb8;
	[tilespmem:$0x1E100] =	vst v63  }
0x44c: {  	s30 =	simm.s32 $0x6900;
	v3 =	vadd.s32 v1, v3  }
0x44d: {  	[tilespmem:s30], [sflag:$0x2] =	stream.indirect_vreg.gather [hbm4b:s10+s5], $0x80, v4, vm0, $0xb8;
	[tilespmem:$0x1E100] =	vst v63  }
0x44e: {  	s30 =	simm.s32 $0x7100  }
0x44f: {  	[tilespmem:s30], [sflag:$0x2] =	stream.indirect_vreg.gather [hbm4b:s11+s5], $0x80, v4, vm0, $0xb8;
	[tilespmem:$0x1E100] =	vst v63  }
0x450: {  	s30 =	simm.s32 $0x7900  }
0x451: {  	[tilespmem:s30], [sflag:$0x2] =	stream.indirect_vreg.gather [hbm4b:s2+s5], $0x80, v3, vm0, $0xb8;
	[tilespmem:$0x1E100] =	vst v63  }
0x452: {  	s30 =	simm.s32 $0x8100  }
0x453: {  	[tilespmem:s30], [sflag:$0x2] =	stream.indirect_vreg.gather [hbm4b:s10+s5], $0x80, v3, vm0, $0xb8;
	[tilespmem:$0x1E100] =	vst v63  }
0x454: {  	s30 =	simm.s32 $0x8900  }
0x455: {  	[tilespmem:s30], [sflag:$0x2] =	stream.indirect_vreg.gather [hbm4b:s11+s5], $0x80, v3, vm0, $0xb8;
	[tilespmem:$0x1E100] =	vst v63  }
0x456: {  	v3 =	vld [tilespmem:$0xB0];
	_ =	sdelay $0x4  }
0x457: {  	v59 =	vshrl.u32 v3, $0x3  }
0x458: {  	v4 =	vmul.u32 $0x30, v59  }
0x459: {  	v3 =	vand.u32 $0x7, v3  }
0x45a: {  	v3 =	vor.u32 v3, v4  }
0x45b: {  	v4 =	vperm.xlane v3, v0;
	_ =	sdelay $0x1  }
0x45c: {  	v4 =	vadd.s32 v1, v4;
	_ =	sdelay $0x3  }
0x45d: {  	s30 =	simm.s32 $0x9100;
	v3 =	vperm.xlane v3, v2  }
0x45e: {  	[tilespmem:s30], [sflag:$0x2] =	stream.indirect_vreg.gather [hbm4b:s2+s5], $0x80, v4, vm0, $0xb8;
	[tilespmem:$0x1E100] =	vst v63  }
0x45f: {  	v3 =	vadd.s32 v1, v3;
	s30 =	simm.s32 $0x9900  }
0x460: {  	[tilespmem:s30], [sflag:$0x2] =	stream.indirect_vreg.gather [hbm4b:s10+s5], $0x80, v4, vm0, $0xb8;
	[tilespmem:$0x1E100] =	vst v63  }
0x461: {  	s30 =	simm.s32 $0xA100  }
0x462: {  	[tilespmem:s30], [sflag:$0x2] =	stream.indirect_vreg.gather [hbm4b:s11+s5], $0x80, v4, vm0, $0xb8;
	[tilespmem:$0x1E100] =	vst v63  }
0x463: {  	s30 =	simm.s32 $0xA900  }
0x464: {  	[tilespmem:s30], [sflag:$0x2] =	stream.indirect_vreg.gather [hbm4b:s2+s5], $0x80, v3, vm0, $0xb8;
	[tilespmem:$0x1E100] =	vst v63  }
0x465: {  	s30 =	simm.s32 $0xB100  }
0x466: {  	[tilespmem:s30], [sflag:$0x2] =	stream.indirect_vreg.gather [hbm4b:s10+s5], $0x80, v3, vm0, $0xb8;
	[tilespmem:$0x1E100] =	vst v63  }
0x467: {  	s30 =	simm.s32 $0xB900  }
0x468: {  	[tilespmem:s30], [sflag:$0x2] =	stream.indirect_vreg.gather [hbm4b:s11+s5], $0x80, v3, vm0, $0xb8;
	[tilespmem:$0x1E100] =	vst v63  }
0x469: {  	_ =	swait.ge [sflag:s28], $0x6000  }
0x46a: {  	s20 =	sld [smem:$0x7F4]  }
0x46b: {  	[sflag:s28] =	ssyncset.done $0x0  }
0x46c: {  	[sflag:s28] =	ssyncadd.s32 $0xFFFFA000;
	s28 =	sld [smem:$0x7F5]  }
0x46d: {  	[hbm4b:s20+s5] =	stream.linear.scatter [tilespmem:s26], [sflag:$0xA], $0x6000, $0x38;
	[tilespmem:$0x1E100] =	vst v63  }
0x46e: {  	_ = 	snop  }
0x46f: {  	[hbm4b:s28+s5] =	stream.linear.scatter [tilespmem:s26], [sflag:$0xF], $0x6000, $0x38;
	[tilespmem:$0x1E100] =	vst v63  }
0x470: {  	_ =	swait.ge [sflag:s22], $0x6000  }
0x471: {  	[sflag:s22] =	ssyncset.done $0x0  }
0x472: {  	[sflag:s22] =	ssyncadd.s32 $0xFFFFA000  }
0x473: {  	_ =	swait.ge [sflag:s23], $0x6000  }
0x474: {  	[sflag:s23] =	ssyncset.done $0x0  }
0x475: {  	[sflag:s23] =	ssyncadd.s32 $0xFFFFA000  }
0x476: {  	v3 =	vld [tilespmem:$0xC0];
	_ =	sdelay $0x4  }
0x477: {  	v60 =	vshrl.u32 v3, $0x3  }
0x478: {  	v4 =	vmul.u32 $0x30, v60  }
0x479: {  	v3 =	vand.u32 $0x7, v3  }
0x47a: {  	v3 =	vor.u32 v3, v4  }
0x47b: {  	v4 =	vperm.xlane v3, v0;
	_ =	sdelay $0x1  }
0x47c: {  	v4 =	vadd.s32 v1, v4;
	_ =	sdelay $0x3  }
0x47d: {  	v3 =	vperm.xlane v3, v2  }
0x47e: {  	[tilespmem:s0], [sflag:$0x3] =	stream.indirect_vreg.gather [hbm4b:s2+s5], $0x80, v4, vm0, $0xb8;
	[tilespmem:$0x1E100] =	vst v63  }
0x47f: {  	s30 =	simm.s32 $0xC900;
	v3 =	vadd.s32 v1, v3  }
0x480: {  	[tilespmem:s30], [sflag:$0x3] =	stream.indirect_vreg.gather [hbm4b:s10+s5], $0x80, v4, vm0, $0xb8;
	[tilespmem:$0x1E100] =	vst v63  }
0x481: {  	s26 =	simm.s32 $0xD100  }
0x482: {  	[tilespmem:s26], [sflag:$0x3] =	stream.indirect_vreg.gather [hbm4b:s11+s5], $0x80, v4, vm0, $0xb8;
	[tilespmem:$0x1E100] =	vst v63  }
0x483: {  	s28 =	simm.s32 $0xD900  }
0x484: {  	[tilespmem:s28], [sflag:$0x3] =	stream.indirect_vreg.gather [hbm4b:s2+s5], $0x80, v3, vm0, $0xb8;
	[tilespmem:$0x1E100] =	vst v63  }
0x485: {  	s30 =	simm.s32 $0xE100  }
0x486: {  	[tilespmem:s30], [sflag:$0x3] =	stream.indirect_vreg.gather [hbm4b:s10+s5], $0x80, v3, vm0, $0xb8;
	[tilespmem:$0x1E100] =	vst v63  }
0x487: {  	s26 =	simm.s32 $0xE900  }
0x488: {  	[tilespmem:s26], [sflag:$0x3] =	stream.indirect_vreg.gather [hbm4b:s11+s5], $0x80, v3, vm0, $0xb8;
	[tilespmem:$0x1E100] =	vst v63  }
0x489: {  	v3 =	vld [tilespmem:$0xD0];
	_ =	sdelay $0x4  }
0x48a: {  	v61 =	vshrl.u32 v3, $0x3  }
0x48b: {  	v4 =	vmul.u32 $0x30, v61  }
0x48c: {  	v3 =	vand.u32 $0x7, v3  }
0x48d: {  	v3 =	vor.u32 v3, v4  }
0x48e: {  	v4 =	vperm.xlane v3, v0;
	_ =	sdelay $0x1  }
0x48f: {  	v4 =	vadd.s32 v1, v4;
	_ =	sdelay $0x3  }
0x490: {  	s28 =	simm.s32 $0xF100;
	v3 =	vperm.xlane v3, v2  }
0x491: {  	[tilespmem:s28], [sflag:$0x3] =	stream.indirect_vreg.gather [hbm4b:s2+s5], $0x80, v4, vm0, $0xb8;
	[tilespmem:$0x1E100] =	vst v63  }
0x492: {  	s30 =	simm.s32 $0xF900;
	v3 =	vadd.s32 v1, v3  }
0x493: {  	[tilespmem:s30], [sflag:$0x3] =	stream.indirect_vreg.gather [hbm4b:s10+s5], $0x80, v4, vm0, $0xb8;
	[tilespmem:$0x1E100] =	vst v63  }
0x494: {  	s26 =	simm.s32 $0x10100  }
0x495: {  	[tilespmem:s26], [sflag:$0x3] =	stream.indirect_vreg.gather [hbm4b:s11+s5], $0x80, v4, vm0, $0xb8;
	[tilespmem:$0x1E100] =	vst v63  }
0x496: {  	s28 =	simm.s32 $0x10900  }
0x497: {  	[tilespmem:s28], [sflag:$0x3] =	stream.indirect_vreg.gather [hbm4b:s2+s5], $0x80, v3, vm0, $0xb8;
	[tilespmem:$0x1E100] =	vst v63  }
0x498: {  	s30 =	simm.s32 $0x11100  }
0x499: {  	[tilespmem:s30], [sflag:$0x3] =	stream.indirect_vreg.gather [hbm4b:s10+s5], $0x80, v3, vm0, $0xb8;
	[tilespmem:$0x1E100] =	vst v63  }
0x49a: {  	s26 =	simm.s32 $0x11900  }
0x49b: {  	[tilespmem:s26], [sflag:$0x3] =	stream.indirect_vreg.gather [hbm4b:s11+s5], $0x80, v3, vm0, $0xb8;
	[tilespmem:$0x1E100] =	vst v63  }
0x49c: {  	_ =	swait.ge [sflag:s13], $0x6000  }
0x49d: {  	s28 =	sld [smem:$0x7F6]  }
0x49e: {  	[sflag:s13] =	ssyncset.done $0x0  }
0x49f: {  	s26 =	simm.s32 $0x100;
	[sflag:s13] =	ssyncadd.s32 $0xFFFFA000;
	s13 =	sld [smem:$0x7F7]  }
0x4a0: {  	[hbm4b:s28+s5] =	stream.linear.scatter [tilespmem:s26], [sflag:$0x6], $0x6000, $0x38;
	[tilespmem:$0x1E100] =	vst v63  }
0x4a1: {  	_ = 	snop  }
0x4a2: {  	[hbm4b:s13+s5] =	stream.linear.scatter [tilespmem:s26], [sflag:$0xB], $0x6000, $0x38;
	[tilespmem:$0x1E100] =	vst v63  }
0x4a3: {  	_ =	swait.ge [sflag:s24], $0x6000  }
0x4a4: {  	[sflag:s24] =	ssyncset.done $0x0  }
0x4a5: {  	[sflag:s24] =	ssyncadd.s32 $0xFFFFA000  }
0x4a6: {  	_ =	swait.ge [sflag:s3], $0x6000  }
0x4a7: {  	[sflag:s3] =	ssyncset.done $0x0  }
0x4a8: {  	[sflag:s3] =	ssyncadd.s32 $0xFFFFA000  }
0x4a9: {  	v3 =	vld [tilespmem:$0xE0];
	_ =	sdelay $0x4  }
0x4aa: {  	v62 =	vshrl.u32 v3, $0x3  }
0x4ab: {  	v4 =	vmul.u32 $0x30, v62  }
0x4ac: {  	v3 =	vand.u32 $0x7, v3  }
0x4ad: {  	v3 =	vor.u32 v3, v4  }
0x4ae: {  	v4 =	vperm.xlane v3, v0;
	_ =	sdelay $0x1  }
0x4af: {  	v4 =	vadd.s32 v1, v4;
	_ =	sdelay $0x3  }
0x4b0: {  	v3 =	vperm.xlane v3, v2  }
0x4b1: {  	[tilespmem:s29], [sflag:$0x4] =	stream.indirect_vreg.gather [hbm4b:s2+s5], $0x80, v4, vm0, $0xb8;
	[tilespmem:$0x1E100] =	vst v63  }
0x4b2: {  	s28 =	simm.s32 $0x12900;
	v3 =	vadd.s32 v1, v3  }
0x4b3: {  	[tilespmem:s28], [sflag:$0x4] =	stream.indirect_vreg.gather [hbm4b:s10+s5], $0x80, v4, vm0, $0xb8;
	[tilespmem:$0x1E100] =	vst v63  }
0x4b4: {  	s30 =	simm.s32 $0x13100  }
0x4b5: {  	[tilespmem:s30], [sflag:$0x4] =	stream.indirect_vreg.gather [hbm4b:s11+s5], $0x80, v4, vm0, $0xb8;
	[tilespmem:$0x1E100] =	vst v63  }
0x4b6: {  	s20 =	simm.s32 $0x13900  }
0x4b7: {  	[tilespmem:s20], [sflag:$0x4] =	stream.indirect_vreg.gather [hbm4b:s2+s5], $0x80, v3, vm0, $0xb8;
	[tilespmem:$0x1E100] =	vst v63  }
0x4b8: {  	s26 =	simm.s32 $0x14100  }
0x4b9: {  	[tilespmem:s26], [sflag:$0x4] =	stream.indirect_vreg.gather [hbm4b:s10+s5], $0x80, v3, vm0, $0xb8;
	[tilespmem:$0x1E100] =	vst v63  }
0x4ba: {  	s28 =	simm.s32 $0x14900  }
0x4bb: {  	[tilespmem:s28], [sflag:$0x4] =	stream.indirect_vreg.gather [hbm4b:s11+s5], $0x80, v3, vm0, $0xb8;
	[tilespmem:$0x1E100] =	vst v63  }
0x4bc: {  	v3 =	vld [tilespmem:$0xF0];
	_ =	sdelay $0x4  }
0x4bd: {  	v63 =	vshrl.u32 v3, $0x3  }
0x4be: {  	v4 =	vmul.u32 $0x30, v63  }
0x4bf: {  	v3 =	vand.u32 $0x7, v3  }
0x4c0: {  	v3 =	vor.u32 v3, v4  }
0x4c1: {  	v4 =	vperm.xlane v3, v0;
	_ =	sdelay $0x1  }
0x4c2: {  	v4 =	vadd.s32 v1, v4;
	_ =	sdelay $0x3  }
0x4c3: {  	s30 =	simm.s32 $0x15100;
	v3 =	vperm.xlane v3, v2  }
0x4c4: {  	[tilespmem:s30], [sflag:$0x4] =	stream.indirect_vreg.gather [hbm4b:s2+s5], $0x80, v4, vm0, $0xb8;
	[tilespmem:$0x1E100] =	vst v63  }
0x4c5: {  	s20 =	simm.s32 $0x15900;
	v3 =	vadd.s32 v1, v3  }
0x4c6: {  	[tilespmem:s20], [sflag:$0x4] =	stream.indirect_vreg.gather [hbm4b:s10+s5], $0x80, v4, vm0, $0xb8;
	[tilespmem:$0x1E100] =	vst v63  }
0x4c7: {  	s26 =	simm.s32 $0x16100  }
0x4c8: {  	[tilespmem:s26], [sflag:$0x4] =	stream.indirect_vreg.gather [hbm4b:s11+s5], $0x80, v4, vm0, $0xb8;
	[tilespmem:$0x1E100] =	vst v63  }
0x4c9: {  	s28 =	simm.s32 $0x16900  }
0x4ca: {  	[tilespmem:s28], [sflag:$0x4] =	stream.indirect_vreg.gather [hbm4b:s2+s5], $0x80, v3, vm0, $0xb8;
	[tilespmem:$0x1E100] =	vst v63  }
0x4cb: {  	s30 =	simm.s32 $0x17100  }
0x4cc: {  	[tilespmem:s30], [sflag:$0x4] =	stream.indirect_vreg.gather [hbm4b:s10+s5], $0x80, v3, vm0, $0xb8;
	[tilespmem:$0x1E100] =	vst v63  }
0x4cd: {  	s20 =	simm.s32 $0x17900  }
0x4ce: {  	[tilespmem:s20], [sflag:$0x4] =	stream.indirect_vreg.gather [hbm4b:s11+s5], $0x80, v3, vm0, $0xb8;
	[tilespmem:$0x1E100] =	vst v63  }
0x4cf: {  	_ =	swait.ge [sflag:s31], $0x6000  }
0x4d0: {  	s26 =	sld [smem:$0x7F8]  }
0x4d1: {  	[sflag:s31] =	ssyncset.done $0x0  }
0x4d2: {  	s28 =	sld [smem:$0x7F9];
	[sflag:s31] =	ssyncadd.s32 $0xFFFFA000  }
0x4d3: {  	[hbm4b:s26+s5] =	stream.linear.scatter [tilespmem:s25], [sflag:$0x7], $0x6000, $0x38;
	[tilespmem:$0x1E100] =	vst v63  }
0x4d4: {  	_ = 	snop  }
0x4d5: {  	[hbm4b:s28+s5] =	stream.linear.scatter [tilespmem:s25], [sflag:$0xC], $0x6000, $0x38;
	[tilespmem:$0x1E100] =	vst v63  }
0x4d6: {  	_ =	swait.ge [sflag:s4], $0x6000  }
0x4d7: {  	s13 =	sld [smem:$0x7FA]  }
0x4d8: {  	[sflag:s4] =	ssyncset.done $0x0  }
0x4d9: {  	s25 =	sld [smem:$0x7FB];
	[sflag:s4] =	ssyncadd.s32 $0xFFFFA000  }
0x4da: {  	[hbm4b:s13+s5] =	stream.linear.scatter [tilespmem:s0], [sflag:$0x8], $0x6000, $0x38;
	[tilespmem:$0x1E100] =	vst v63  }
0x4db: {  	_ = 	snop  }
0x4dc: {  	[hbm4b:s25+s5] =	stream.linear.scatter [tilespmem:s0], [sflag:$0xD], $0x6000, $0x38;
	[tilespmem:$0x1E100] =	vst v63  }
0x4dd: {  	_ =	swait.ge [sflag:s17], $0x6000  }
0x4de: {  	s26 =	sld [smem:$0x7FC]  }
0x4df: {  	[sflag:s17] =	ssyncset.done $0x0  }
0x4e0: {  	s28 =	sld [smem:$0x7FD];
	[sflag:s17] =	ssyncadd.s32 $0xFFFFA000  }
0x4e1: {  	[hbm4b:s26+s5] =	stream.linear.scatter [tilespmem:s29], [sflag:$0x9], $0x6000, $0x38;
	[tilespmem:$0x1E100] =	vst v63  }
0x4e2: {  	_ = 	snop  }
0x4e3: {  	[hbm4b:s28+s5] =	stream.linear.scatter [tilespmem:s29], [sflag:$0xE], $0x6000, $0x38;
	[tilespmem:$0x1E100] =	vst v63  }
0x4e4: {  	_ =	swait.ge [sflag:s15], $0x6000  }
0x4e5: {  	[sflag:s15] =	ssyncset.done $0x0  }
0x4e6: {  	[sflag:s15] =	ssyncadd.s32 $0xFFFFA000  }
0x4e7: {  	_ =	swait.ge [sflag:s16], $0x6000  }
0x4e8: {  	[sflag:s16] =	ssyncset.done $0x0  }
0x4e9: {  	[sflag:s16] =	ssyncadd.s32 $0xFFFFA000  }
0x4ea: {  	_ =	swait.ge [sflag:s18], $0x6000  }
0x4eb: {  	[sflag:s18] =	ssyncset.done $0x0  }
0x4ec: {  	[sflag:s18] =	ssyncadd.s32 $0xFFFFA000  }
0x4ed: {  	_ =	swait.ge [sflag:s21], $0x6000  }
0x4ee: {  	[sflag:s21] =	ssyncset.done $0x0  }
0x4ef: {  	[sflag:s21] =	ssyncadd.s32 $0xFFFFA000  }
0x4f0: {  	_ =	swait.ge [sflag:s22], $0x6000  }
0x4f1: {  	[sflag:s22] =	ssyncset.done $0x0  }
0x4f2: {  	[sflag:s22] =	ssyncadd.s32 $0xFFFFA000  }
0x4f3: {  	_ =	swait.ge [sflag:s23], $0x6000  }
0x4f4: {  	[sflag:s23] =	ssyncset.done $0x0  }
0x4f5: {  	[sflag:s23] =	ssyncadd.s32 $0xFFFFA000  }
0x4f6: {  	_ =	swait.ge [sflag:s24], $0x6000  }
0x4f7: {  	[sflag:s24] =	ssyncset.done $0x0  }
0x4f8: {  	[sflag:s24] =	ssyncadd.s32 $0xFFFFA000  }
0x4f9: {  	_ =	swait.ge [sflag:s3], $0x6000  }
0x4fa: {  	[sflag:s3] =	ssyncset.done $0x0  }
0x4fb: {  	[sflag:s3] =	ssyncadd.s32 $0xFFFFA000  }
0x4fc: {  	_ =	swait.ge [sflag:s12], $0x6000  }
0x4fd: {  	s30 =	sld [smem:$0x7E1];
	_ =	sdelay $0x2  }
0x4fe: {  	p0 =	sne.s32 s30, $0x1  }
.Ltmp0:
0x4ff: {  	[sflag:s12] =	ssyncset.done $0x0;
	(pc) =	sbr.rel @p0 .LBB2_1-.Ltmp0, $4  }
0x500: {  	[sflag:s12] =	ssyncadd.s32 $0xFFFFA000  }
0x501: {  	_ =	swait.ge [sflag:s14], $0x6000  }
0x502: {  	[sflag:s14] =	ssyncset.done $0x0  }
0x503: {  	s12 =	sadd.s32 $0xFFFFFFFF, s30;
	[sflag:s14] =	ssyncadd.s32 $0xFFFFA000  }
0x504: {  	_ =	sfence.sel $0x180000  }
0x505: {  	[bflag:$0x0] =	sbarrier.arrive $0xFFFF  }
0x506: {  	_ =	strace $0x90000047  }
0x507: {  	s0 =	stileid.u32;
	[bflag:$0x2] =	sbarrier.arrive $0xFFFF  }
0x508: {  	p0 =	sne.s32 s0, $0x0;
	s0 =	rddreg [dreg:$0xa]  }
0x509: {  	s0 =	sadd.s32 @!p0 $0x100000, s0  }
0x50a: {  	[sflag:s0] =	ssyncadd.tile.s32 @!p0 $0x1;
	_ =	shalt  }
.Lfunc_end2:
_tile_overlayer_lowered:
.L_overlay_start_2:
0x50b: {  	(tag) =	ssettag $0x2  }
0x50c: {  	s0 =	rddreg [dreg:$0x0];
	s2 =	stileid.u32  }
0x50d: {  	s1 =	rddreg [dreg:$0x1];
	p0 =	sne.s32 s2, $0x0  }
0x50e: {  	s3 =	rddreg [dreg:$0x2];
	[bflag:$0x3] =	sbarrier.arrive $0xFFFF;
	s2 =	simm.s32 @!p0 $0x1C10  }
0x50f: {  	[timem:s3], [sflag:s2] =	dma.local @!p0 [hbm:s0], s1  }
0x510: {  	s0 =	simm.s32 @!p0 $0x10  }
0x511: {  	_ =	swait.ge @!p0 [sflag:s0], s1  }
0x512: {  	s1 =	ssub.s32 @!p0 $0x0, s1;
	[sflag:s0] =	ssyncset.done @!p0 $0x0  }
0x513: {  	[sflag:s0] =	ssyncadd.s32 @!p0 s1  }
0x514: {  	[bflag:$0x3] =	sbarrier.arrive $0xFFFF  }
0x515: {  	_ =	shalt  }

</sc_bundles>
